<compile_context>
chip_gen: v7x
topology: tpu7x:2x2x1
jax: 0.10.2.dev20260603
libtpu: 0.0.44.dev20260713+nightly
codegen_flags: <defaults>
</compile_context>

<pallas_src>
import functools

import jax
import jax.numpy as jnp
from jax import lax
from jax.experimental import pallas as pl
from jax.experimental.pallas import tpu as pltpu
from jax.experimental.pallas import tpu_sc as plsc

NUM_FRAMES = 4096
NUM_AUDIO = 8192
AUDIO_DIM = 1280
VIS_DIM = 512
OUT_DIM = VIS_DIM + AUDIO_DIM

CW = 128
NCH = NUM_AUDIO // CW

PART = 2048
NPARTS = NUM_FRAMES // PART
FB = PART

NC = 2
NS = 16
NW = NC * NS
ROWS_W_V = NUM_FRAMES // NW
ROWS_W_G = PART // NW
GCHUNK = 16


def _sc_mesh():
    return plsc.VectorSubcoreMesh(
        core_axis_name="c", subcore_axis_name="s", num_cores=NC, num_subcores=NS
    )



def _argmin_body(f_ref, a_ref, o_ref):
    f = f_ref[...]
    fb = jnp.broadcast_to(f, (FB, CW))
    mv = jnp.abs(a_ref[0:1, 0:CW] - fb)
    mc = jnp.zeros((FB, CW), jnp.float32)
    for c in range(1, NCH):
        d = jnp.abs(a_ref[0:1, c * CW:(c + 1) * CW] - fb)
        lt = d < mv
        mv = jnp.where(lt, d, mv)
        mc = jnp.where(lt, jnp.float32(c), mc)
    gmin = jnp.min(mv, axis=1, keepdims=True)
    lane = lax.broadcasted_iota(jnp.int32, (FB, CW), 1).astype(jnp.float32)
    gidx = mc * CW + lane
    cand = jnp.where(mv == gmin, gidx, jnp.float32(NUM_AUDIO))
    o_ref[0, 0, :] = jnp.min(cand, axis=1).astype(jnp.int32)


def _closest_idx(f2_all, audio_ts2, p):
    idx2 = pl.pallas_call(
        _argmin_body,
        grid=(1,),
        in_specs=[
            pl.BlockSpec((FB, 1), lambda i, p=p: (p, 0)),
            pl.BlockSpec((1, NUM_AUDIO), lambda i: (0, 0)),
        ],
        out_specs=pl.BlockSpec((1, 1, FB), lambda i: (0, 0, 0)),
        out_shape=jax.ShapeDtypeStruct((1, 1, FB), jnp.int32),
    )(f2_all, audio_ts2)
    return idx2.reshape(FB)



VCHUNK = 32
N_VCH = ROWS_W_V // VCHUNK


def _sc_vis_body(vis_hbm, out_hbm, buf_a, buf_b, sem_a, sem_b):
    wid = lax.axis_index("s") * NC + lax.axis_index("c")
    base = wid * ROWS_W_V
    bufs = (buf_a, buf_b)
    sems = (sem_a, sem_b)
    copies = [None] * N_VCH
    copies[0] = pltpu.async_copy(vis_hbm.at[pl.ds(base, VCHUNK)], bufs[0], sems[0])
    for c in range(N_VCH):
        if c + 1 < N_VCH:
            copies[c + 1] = pltpu.async_copy(
                vis_hbm.at[pl.ds(base + (c + 1) * VCHUNK, VCHUNK)],
                bufs[(c + 1) % 2],
                sems[(c + 1) % 2],
            )
        copies[c].wait()
        pltpu.sync_copy(
            bufs[c % 2],
            out_hbm.at[pl.ds(base + c * VCHUNK, VCHUNK), pl.ds(0, VIS_DIM)],
        )


@functools.lru_cache(maxsize=1)
def _build_sc_vis():
    return pl.kernel(
        _sc_vis_body,
        out_type=(),
        mesh=_sc_mesh(),
        scratch_types=[
            pltpu.VMEM((VCHUNK, VIS_DIM), jnp.float32),
            pltpu.VMEM((VCHUNK, VIS_DIM), jnp.float32),
            pltpu.SemaphoreType.DMA,
            pltpu.SemaphoreType.DMA,
        ],
    )


def _make_gather_body(start):
    n_chunks = ROWS_W_G // GCHUNK

    def body(audio_hbm, idx_hbm, out_hbm, idx_v, buf_a, buf_b, sem_a, sem_b):
        wid = lax.axis_index("s") * NC + lax.axis_index("c")
        rbase = wid * ROWS_W_G
        obase = start + rbase
        pltpu.sync_copy(idx_hbm.at[pl.ds(rbase, ROWS_W_G)], idx_v)
        bufs = (buf_a, buf_b)
        sems = (sem_a, sem_b)
        copies = [None] * n_chunks
        copies[0] = pltpu.async_copy(
            audio_hbm.at[idx_v.at[pl.ds(0, GCHUNK)]], bufs[0], sems[0]
        )
        for c in range(n_chunks):
            if c + 1 < n_chunks:
                copies[c + 1] = pltpu.async_copy(
                    audio_hbm.at[idx_v.at[pl.ds((c + 1) * GCHUNK, GCHUNK)]],
                    bufs[(c + 1) % 2],
                    sems[(c + 1) % 2],
                )
            copies[c].wait()
            pltpu.sync_copy(
                bufs[c % 2],
                out_hbm.at[pl.ds(obase + c * GCHUNK, GCHUNK), pl.ds(VIS_DIM, AUDIO_DIM)],
            )

    return body


@functools.lru_cache(maxsize=None)
def _build_sc_gather(start):
    return pl.kernel(
        _make_gather_body(start),
        out_type=(),
        mesh=_sc_mesh(),
        scratch_types=[
            pltpu.VMEM((ROWS_W_G,), jnp.int32),
            pltpu.VMEM((GCHUNK, AUDIO_DIM), jnp.float32),
            pltpu.VMEM((GCHUNK, AUDIO_DIM), jnp.float32),
            pltpu.SemaphoreType.DMA,
            pltpu.SemaphoreType.DMA,
        ],
    )



def kernel(visual_features, audio_features, audio_timestamps, frame_timestamps):
    a2 = audio_timestamps.reshape(1, NUM_AUDIO)
    f2_all = frame_timestamps.reshape(NUM_FRAMES, 1)
    out_ref = jax.empty_ref(
        jax.ShapeDtypeStruct((NUM_FRAMES, OUT_DIM), jnp.float32)
    )
    _build_sc_vis()(visual_features, out_ref)
    for p in range(NPARTS):
        idx = _closest_idx(f2_all, a2, p)
        _build_sc_gather(p * PART)(audio_features, idx, out_ref)
    return out_ref[...]

# --- scband reference (transcript-rebuilt; emitter-appended) ---
"""Pipeline reference for scband-temporal-alignment-module-34462817583748 (READ-ONLY COPY).

The authoritative reference and input builder live on the scoring server;
editing this copy changes nothing except your own understanding.
"""

import jax, jax.numpy as jnp
import numpy as np


def setup_inputs(seed: int = 0) -> dict:
    key = jax.random.key(seed)
    k1, k2, k3, k4 = jax.random.split(key, 4)
    return {
        "visual_features": jax.random.normal(k1, (4096, 512), dtype=jnp.float32),
        "audio_features": jax.random.normal(k2, (8192, 1280), dtype=jnp.float32),
        "audio_timestamps": jax.random.uniform(k3, (8192,), dtype=jnp.float32),
        "frame_timestamps": jax.random.uniform(k4, (4096,), dtype=jnp.float32),
    }


def reference(visual_features, audio_features, audio_timestamps, frame_timestamps):
    # Vectorized, mathematically identical form of the per-frame python loop:
    # for each frame timestamp, find nearest audio timestamp (1-NN in 1D), gather its audio feature.
    distances = jnp.abs(audio_timestamps[None, :] - frame_timestamps[:, None])  # (num_frames, audio_time)
    closest_idx = jnp.argmin(distances, axis=1)  # (num_frames,)
    aligned_audio = jnp.take(audio_features, closest_idx, axis=0)  # (num_frames, 1280)
    combined_features = jnp.concatenate([visual_features, aligned_audio], axis=-1)  # (num_frames, 1792)
    return combined_features

if __name__ == "__main__":
    import jax
    _d = setup_inputs()
    print(jax.jit(kernel)(*tuple(_d.values())))

</pallas_src>

<mosaic_0001>
#map = affine_map<(d0, d1) -> (0, 0)>
#map1 = affine_map<(d0, d1) -> (0)>
module attributes {stable_mosaic.version = 14 : i64} {
  func.func @new_body(%arg0: i32, %arg1: i32, %arg2: memref<8192x1280xf32, #tpu.memory_space<hbm>>, %arg3: memref<2048xi32, #tpu.memory_space<hbm>>, %arg4: memref<4096x1792xf32, #tpu.memory_space<hbm>>, %arg5: memref<4096x1792xf32, #tpu.memory_space<hbm>>, %arg6: memref<64xi32, #tpu.memory_space<vmem>>, %arg7: memref<16x1280xf32, #tpu.memory_space<vmem>>, %arg8: memref<16x1280xf32, #tpu.memory_space<vmem>>, %arg9: memref<!tpu.dma_semaphore, #tpu.memory_space<semaphore_mem>>, %arg10: memref<!tpu.dma_semaphore, #tpu.memory_space<semaphore_mem>>) attributes {dimension_semantics = [#tpu.dimension_semantics<core_parallel>, #tpu.dimension_semantics<subcore_parallel>], iteration_bounds = array<i64: 2, 16>, scalar_prefetch = 0 : i64, scratch_operands = 5 : i64, tpu.core_type = #tpu.core_type<sc_vector_subcore>, window_params = [{transform_indices = #map}, {transform_indices = #map1}, {transform_indices = #map}, {transform_indices = #map}]} {
    %mul3A = arith.constant 2 : i32
    %mul3A_0 = arith.muli %arg1, %mul3A : i32
    %add3A = arith.addi %mul3A_0, %arg0 : i32
    %mul3A_1 = arith.constant 64 : i32
    %mul3A_2 = arith.muli %add3A, %mul3A_1 : i32
    %add3A_3 = arith.constant 2048 : i32
    %add3A_4 = arith.addi %add3A_3, %mul3A_2 : i32
    "tpu.region"() ({
      %run_scoped3A = tpu.sem_alloc : memref<!tpu.dma_semaphore, #tpu.memory_space<semaphore_mem>>
      %dma_start3A_51 = tpu.memref_slice %arg3[%mul3A_2] : memref<2048xi32, #tpu.memory_space<hbm>> -> memref<64xi32, #tpu.memory_space<hbm>>
      %dma_start3A_52 = tpu.memref_slice %arg3[%mul3A_2] : memref<2048xi32, #tpu.memory_space<hbm>> -> memref<64xi32, #tpu.memory_space<hbm>>
      tpu.enqueue_dma source(%dma_start3A_52 : memref<64xi32, #tpu.memory_space<hbm>>) target(%arg6 : memref<64xi32, #tpu.memory_space<vmem>>) target_semaphore(%run_scoped3A : memref<!tpu.dma_semaphore, #tpu.memory_space<semaphore_mem>>)
      %dma_wait3A_53 = tpu.memref_slice %arg3[%mul3A_2] : memref<2048xi32, #tpu.memory_space<hbm>> -> memref<64xi32, #tpu.memory_space<hbm>>
      %dma_wait3A_54 = tpu.memref_slice %arg3[%mul3A_2] : memref<2048xi32, #tpu.memory_space<hbm>> -> memref<64xi32, #tpu.memory_space<hbm>>
      tpu.wait_dma2 semaphore(%run_scoped3A : memref<!tpu.dma_semaphore, #tpu.memory_space<semaphore_mem>>) src(%dma_wait3A_54 : memref<64xi32, #tpu.memory_space<hbm>>) dst(%arg6 : memref<64xi32, #tpu.memory_space<vmem>>)
      tpu.yield
    }) : () -> ()
    %dma_start3A = arith.constant 0 : i32
    %dma_start3A_5 = tpu.memref_slice %arg6[%dma_start3A] : memref<64xi32, #tpu.memory_space<vmem>> -> memref<16xi32, #tpu.memory_space<vmem>>
    %dma_start3A_6 = arith.constant 0 : i32
    %dma_start3A_7 = arith.constant 0 : i32
    %dma_start3A_8 = tpu.memref_slice %arg2[%dma_start3A_6, %dma_start3A_7] : memref<8192x1280xf32, #tpu.memory_space<hbm>> -> memref<8192x1280xf32, #tpu.memory_space<hbm>>
    tpu.enqueue_indirect_dma source(%dma_start3A_8 : memref<8192x1280xf32, #tpu.memory_space<hbm>>) target(%arg7 : memref<16x1280xf32, #tpu.memory_space<vmem>>) offsets(%dma_start3A_5 : memref<16xi32, #tpu.memory_space<vmem>>) semaphore(%arg9 : memref<!tpu.dma_semaphore, #tpu.memory_space<semaphore_mem>>)
    %dma_start3A_9 = arith.constant 16 : i32
    %dma_start3A_10 = tpu.memref_slice %arg6[%dma_start3A_9] : memref<64xi32, #tpu.memory_space<vmem>> -> memref<16xi32, #tpu.memory_space<vmem>>
    %dma_start3A_11 = arith.constant 0 : i32
    %dma_start3A_12 = arith.constant 0 : i32
    %dma_start3A_13 = tpu.memref_slice %arg2[%dma_start3A_11, %dma_start3A_12] : memref<8192x1280xf32, #tpu.memory_space<hbm>> -> memref<8192x1280xf32, #tpu.memory_space<hbm>>
    tpu.enqueue_indirect_dma source(%dma_start3A_13 : memref<8192x1280xf32, #tpu.memory_space<hbm>>) target(%arg8 : memref<16x1280xf32, #tpu.memory_space<vmem>>) offsets(%dma_start3A_10 : memref<16xi32, #tpu.memory_space<vmem>>) semaphore(%arg10 : memref<!tpu.dma_semaphore, #tpu.memory_space<semaphore_mem>>)
    %dma_wait3A = arith.constant 0 : i32
    %dma_wait3A_14 = tpu.memref_slice %arg6[%dma_wait3A] : memref<64xi32, #tpu.memory_space<vmem>> -> memref<16xi32, #tpu.memory_space<vmem>>
    %dma_wait3A_15 = arith.constant 0 : i32
    %dma_wait3A_16 = arith.constant 0 : i32
    %dma_wait3A_17 = tpu.memref_slice %arg2[%dma_wait3A_15, %dma_wait3A_16] : memref<8192x1280xf32, #tpu.memory_space<hbm>> -> memref<8192x1280xf32, #tpu.memory_space<hbm>>
    tpu.wait_indirect_dma semaphore(%arg9 : memref<!tpu.dma_semaphore, #tpu.memory_space<semaphore_mem>>) src(%dma_wait3A_17 : memref<8192x1280xf32, #tpu.memory_space<hbm>>) dst(%arg7 : memref<16x1280xf32, #tpu.memory_space<vmem>>)
    %add3A_18 = arith.constant 0 : i32
    %add3A_19 = arith.addi %add3A_4, %add3A_18 : i32
    "tpu.region"() ({
      %run_scoped3A = tpu.sem_alloc : memref<!tpu.dma_semaphore, #tpu.memory_space<semaphore_mem>>
      %dma_start3A_51 = arith.constant 512 : i32
      %dma_start3A_52 = tpu.memref_slice %arg4[%add3A_19, %dma_start3A_51] : memref<4096x1792xf32, #tpu.memory_space<hbm>> -> memref<16x1280xf32, #tpu.memory_space<hbm>>
      %dma_start3A_53 = arith.constant 512 : i32
      %dma_start3A_54 = tpu.memref_slice %arg4[%add3A_19, %dma_start3A_53] : memref<4096x1792xf32, #tpu.memory_space<hbm>> -> memref<16x1280xf32, #tpu.memory_space<hbm>>
      tpu.enqueue_dma source(%arg7 : memref<16x1280xf32, #tpu.memory_space<vmem>>) target(%dma_start3A_54 : memref<16x1280xf32, #tpu.memory_space<hbm>>) target_semaphore(%run_scoped3A : memref<!tpu.dma_semaphore, #tpu.memory_space<semaphore_mem>>)
      %dma_wait3A_55 = arith.constant 512 : i32
      %dma_wait3A_56 = tpu.memref_slice %arg4[%add3A_19, %dma_wait3A_55] : memref<4096x1792xf32, #tpu.memory_space<hbm>> -> memref<16x1280xf32, #tpu.memory_space<hbm>>
      %dma_wait3A_57 = arith.constant 512 : i32
      %dma_wait3A_58 = tpu.memref_slice %arg4[%add3A_19, %dma_wait3A_57] : memref<4096x1792xf32, #tpu.memory_space<hbm>> -> memref<16x1280xf32, #tpu.memory_space<hbm>>
      tpu.wait_dma2 semaphore(%run_scoped3A : memref<!tpu.dma_semaphore, #tpu.memory_space<semaphore_mem>>) src(%arg7 : memref<16x1280xf32, #tpu.memory_space<vmem>>) dst(%dma_wait3A_58 : memref<16x1280xf32, #tpu.memory_space<hbm>>)
      tpu.yield
    }) : () -> ()
    %dma_start3A_20 = arith.constant 32 : i32
    %dma_start3A_21 = tpu.memref_slice %arg6[%dma_start3A_20] : memref<64xi32, #tpu.memory_space<vmem>> -> memref<16xi32, #tpu.memory_space<vmem>>
    %dma_start3A_22 = arith.constant 0 : i32
    %dma_start3A_23 = arith.constant 0 : i32
    %dma_start3A_24 = tpu.memref_slice %arg2[%dma_start3A_22, %dma_start3A_23] : memref<8192x1280xf32, #tpu.memory_space<hbm>> -> memref<8192x1280xf32, #tpu.memory_space<hbm>>
    tpu.enqueue_indirect_dma source(%dma_start3A_24 : memref<8192x1280xf32, #tpu.memory_space<hbm>>) target(%arg7 : memref<16x1280xf32, #tpu.memory_space<vmem>>) offsets(%dma_start3A_21 : memref<16xi32, #tpu.memory_space<vmem>>) semaphore(%arg9 : memref<!tpu.dma_semaphore, #tpu.memory_space<semaphore_mem>>)
    %dma_wait3A_25 = arith.constant 16 : i32
    %dma_wait3A_26 = tpu.memref_slice %arg6[%dma_wait3A_25] : memref<64xi32, #tpu.memory_space<vmem>> -> memref<16xi32, #tpu.memory_space<vmem>>
    %dma_wait3A_27 = arith.constant 0 : i32
    %dma_wait3A_28 = arith.constant 0 : i32
    %dma_wait3A_29 = tpu.memref_slice %arg2[%dma_wait3A_27, %dma_wait3A_28] : memref<8192x1280xf32, #tpu.memory_space<hbm>> -> memref<8192x1280xf32, #tpu.memory_space<hbm>>
    tpu.wait_indirect_dma semaphore(%arg10 : memref<!tpu.dma_semaphore, #tpu.memory_space<semaphore_mem>>) src(%dma_wait3A_29 : memref<8192x1280xf32, #tpu.memory_space<hbm>>) dst(%arg8 : memref<16x1280xf32, #tpu.memory_space<vmem>>)
    %add3A_30 = arith.constant 16 : i32
    %add3A_31 = arith.addi %add3A_4, %add3A_30 : i32
    "tpu.region"() ({
      %run_scoped3A = tpu.sem_alloc : memref<!tpu.dma_semaphore, #tpu.memory_space<semaphore_mem>>
      %dma_start3A_51 = arith.constant 512 : i32
      %dma_start3A_52 = tpu.memref_slice %arg4[%add3A_31, %dma_start3A_51] : memref<4096x1792xf32, #tpu.memory_space<hbm>> -> memref<16x1280xf32, #tpu.memory_space<hbm>>
      %dma_start3A_53 = arith.constant 512 : i32
      %dma_start3A_54 = tpu.memref_slice %arg4[%add3A_31, %dma_start3A_53] : memref<4096x1792xf32, #tpu.memory_space<hbm>> -> memref<16x1280xf32, #tpu.memory_space<hbm>>
      tpu.enqueue_dma source(%arg8 : memref<16x1280xf32, #tpu.memory_space<vmem>>) target(%dma_start3A_54 : memref<16x1280xf32, #tpu.memory_space<hbm>>) target_semaphore(%run_scoped3A : memref<!tpu.dma_semaphore, #tpu.memory_space<semaphore_mem>>)
      %dma_wait3A_55 = arith.constant 512 : i32
      %dma_wait3A_56 = tpu.memref_slice %arg4[%add3A_31, %dma_wait3A_55] : memref<4096x1792xf32, #tpu.memory_space<hbm>> -> memref<16x1280xf32, #tpu.memory_space<hbm>>
      %dma_wait3A_57 = arith.constant 512 : i32
      %dma_wait3A_58 = tpu.memref_slice %arg4[%add3A_31, %dma_wait3A_57] : memref<4096x1792xf32, #tpu.memory_space<hbm>> -> memref<16x1280xf32, #tpu.memory_space<hbm>>
      tpu.wait_dma2 semaphore(%run_scoped3A : memref<!tpu.dma_semaphore, #tpu.memory_space<semaphore_mem>>) src(%arg8 : memref<16x1280xf32, #tpu.memory_space<vmem>>) dst(%dma_wait3A_58 : memref<16x1280xf32, #tpu.memory_space<hbm>>)
      tpu.yield
    }) : () -> ()
    %dma_start3A_32 = arith.constant 48 : i32
    %dma_start3A_33 = tpu.memref_slice %arg6[%dma_start3A_32] : memref<64xi32, #tpu.memory_space<vmem>> -> memref<16xi32, #tpu.memory_space<vmem>>
    %dma_start3A_34 = arith.constant 0 : i32
    %dma_start3A_35 = arith.constant 0 : i32
    %dma_start3A_36 = tpu.memref_slice %arg2[%dma_start3A_34, %dma_start3A_35] : memref<8192x1280xf32, #tpu.memory_space<hbm>> -> memref<8192x1280xf32, #tpu.memory_space<hbm>>
    tpu.enqueue_indirect_dma source(%dma_start3A_36 : memref<8192x1280xf32, #tpu.memory_space<hbm>>) target(%arg8 : memref<16x1280xf32, #tpu.memory_space<vmem>>) offsets(%dma_start3A_33 : memref<16xi32, #tpu.memory_space<vmem>>) semaphore(%arg10 : memref<!tpu.dma_semaphore, #tpu.memory_space<semaphore_mem>>)
    %dma_wait3A_37 = arith.constant 32 : i32
    %dma_wait3A_38 = tpu.memref_slice %arg6[%dma_wait3A_37] : memref<64xi32, #tpu.memory_space<vmem>> -> memref<16xi32, #tpu.memory_space<vmem>>
    %dma_wait3A_39 = arith.constant 0 : i32
    %dma_wait3A_40 = arith.constant 0 : i32
    %dma_wait3A_41 = tpu.memref_slice %arg2[%dma_wait3A_39, %dma_wait3A_40] : memref<8192x1280xf32, #tpu.memory_space<hbm>> -> memref<8192x1280xf32, #tpu.memory_space<hbm>>
    tpu.wait_indirect_dma semaphore(%arg9 : memref<!tpu.dma_semaphore, #tpu.memory_space<semaphore_mem>>) src(%dma_wait3A_41 : memref<8192x1280xf32, #tpu.memory_space<hbm>>) dst(%arg7 : memref<16x1280xf32, #tpu.memory_space<vmem>>)
    %add3A_42 = arith.constant 32 : i32
    %add3A_43 = arith.addi %add3A_4, %add3A_42 : i32
    "tpu.region"() ({
      %run_scoped3A = tpu.sem_alloc : memref<!tpu.dma_semaphore, #tpu.memory_space<semaphore_mem>>
      %dma_start3A_51 = arith.constant 512 : i32
      %dma_start3A_52 = tpu.memref_slice %arg4[%add3A_43, %dma_start3A_51] : memref<4096x1792xf32, #tpu.memory_space<hbm>> -> memref<16x1280xf32, #tpu.memory_space<hbm>>
      %dma_start3A_53 = arith.constant 512 : i32
      %dma_start3A_54 = tpu.memref_slice %arg4[%add3A_43, %dma_start3A_53] : memref<4096x1792xf32, #tpu.memory_space<hbm>> -> memref<16x1280xf32, #tpu.memory_space<hbm>>
      tpu.enqueue_dma source(%arg7 : memref<16x1280xf32, #tpu.memory_space<vmem>>) target(%dma_start3A_54 : memref<16x1280xf32, #tpu.memory_space<hbm>>) target_semaphore(%run_scoped3A : memref<!tpu.dma_semaphore, #tpu.memory_space<semaphore_mem>>)
      %dma_wait3A_55 = arith.constant 512 : i32
      %dma_wait3A_56 = tpu.memref_slice %arg4[%add3A_43, %dma_wait3A_55] : memref<4096x1792xf32, #tpu.memory_space<hbm>> -> memref<16x1280xf32, #tpu.memory_space<hbm>>
      %dma_wait3A_57 = arith.constant 512 : i32
      %dma_wait3A_58 = tpu.memref_slice %arg4[%add3A_43, %dma_wait3A_57] : memref<4096x1792xf32, #tpu.memory_space<hbm>> -> memref<16x1280xf32, #tpu.memory_space<hbm>>
      tpu.wait_dma2 semaphore(%run_scoped3A : memref<!tpu.dma_semaphore, #tpu.memory_space<semaphore_mem>>) src(%arg7 : memref<16x1280xf32, #tpu.memory_space<vmem>>) dst(%dma_wait3A_58 : memref<16x1280xf32, #tpu.memory_space<hbm>>)
      tpu.yield
    }) : () -> ()
    %dma_wait3A_44 = arith.constant 48 : i32
    %dma_wait3A_45 = tpu.memref_slice %arg6[%dma_wait3A_44] : memref<64xi32, #tpu.memory_space<vmem>> -> memref<16xi32, #tpu.memory_space<vmem>>
    %dma_wait3A_46 = arith.constant 0 : i32
    %dma_wait3A_47 = arith.constant 0 : i32
    %dma_wait3A_48 = tpu.memref_slice %arg2[%dma_wait3A_46, %dma_wait3A_47] : memref<8192x1280xf32, #tpu.memory_space<hbm>> -> memref<8192x1280xf32, #tpu.memory_space<hbm>>
    tpu.wait_indirect_dma semaphore(%arg10 : memref<!tpu.dma_semaphore, #tpu.memory_space<semaphore_mem>>) src(%dma_wait3A_48 : memref<8192x1280xf32, #tpu.memory_space<hbm>>) dst(%arg8 : memref<16x1280xf32, #tpu.memory_space<vmem>>)
    %add3A_49 = arith.constant 48 : i32
    %add3A_50 = arith.addi %add3A_4, %add3A_49 : i32
    "tpu.region"() ({
      %run_scoped3A = tpu.sem_alloc : memref<!tpu.dma_semaphore, #tpu.memory_space<semaphore_mem>>
      %dma_start3A_51 = arith.constant 512 : i32
      %dma_start3A_52 = tpu.memref_slice %arg4[%add3A_50, %dma_start3A_51] : memref<4096x1792xf32, #tpu.memory_space<hbm>> -> memref<16x1280xf32, #tpu.memory_space<hbm>>
      %dma_start3A_53 = arith.constant 512 : i32
      %dma_start3A_54 = tpu.memref_slice %arg4[%add3A_50, %dma_start3A_53] : memref<4096x1792xf32, #tpu.memory_space<hbm>> -> memref<16x1280xf32, #tpu.memory_space<hbm>>
      tpu.enqueue_dma source(%arg8 : memref<16x1280xf32, #tpu.memory_space<vmem>>) target(%dma_start3A_54 : memref<16x1280xf32, #tpu.memory_space<hbm>>) target_semaphore(%run_scoped3A : memref<!tpu.dma_semaphore, #tpu.memory_space<semaphore_mem>>)
      %dma_wait3A_55 = arith.constant 512 : i32
      %dma_wait3A_56 = tpu.memref_slice %arg4[%add3A_50, %dma_wait3A_55] : memref<4096x1792xf32, #tpu.memory_space<hbm>> -> memref<16x1280xf32, #tpu.memory_space<hbm>>
      %dma_wait3A_57 = arith.constant 512 : i32
      %dma_wait3A_58 = tpu.memref_slice %arg4[%add3A_50, %dma_wait3A_57] : memref<4096x1792xf32, #tpu.memory_space<hbm>> -> memref<16x1280xf32, #tpu.memory_space<hbm>>
      tpu.wait_dma2 semaphore(%run_scoped3A : memref<!tpu.dma_semaphore, #tpu.memory_space<semaphore_mem>>) src(%arg8 : memref<16x1280xf32, #tpu.memory_space<vmem>>) dst(%dma_wait3A_58 : memref<16x1280xf32, #tpu.memory_space<hbm>>)
      tpu.yield
    }) : () -> ()
    return
  }
}

#map = affine_map<(d0, d1) -> (0, 0)>
module attributes {stable_mosaic.version = 14 : i64} {
  func.func @new_body(%arg0: i32, %arg1: i32, %arg2: memref<4096x512xf32, #tpu.memory_space<hbm>>, %arg3: memref<4096x1792xf32, #tpu.memory_space<hbm>>, %arg4: memref<4096x1792xf32, #tpu.memory_space<hbm>>, %arg5: memref<32x512xf32, #tpu.memory_space<vmem>>, %arg6: memref<32x512xf32, #tpu.memory_space<vmem>>, %arg7: memref<!tpu.dma_semaphore, #tpu.memory_space<semaphore_mem>>, %arg8: memref<!tpu.dma_semaphore, #tpu.memory_space<semaphore_mem>>) attributes {dimension_semantics = [#tpu.dimension_semantics<core_parallel>, #tpu.dimension_semantics<subcore_parallel>], iteration_bounds = array<i64: 2, 16>, scalar_prefetch = 0 : i64, scratch_operands = 4 : i64, tpu.core_type = #tpu.core_type<sc_vector_subcore>, window_params = [{transform_indices = #map}, {transform_indices = #map}, {transform_indices = #map}]} {
    %mul3A = arith.constant 2 : i32
    %mul3A_0 = arith.muli %arg1, %mul3A : i32
    %add3A = arith.addi %mul3A_0, %arg0 : i32
    %mul3A_1 = arith.constant 128 : i32
    %mul3A_2 = arith.muli %add3A, %mul3A_1 : i32
    %dma_start3A = arith.constant 0 : i32
    %dma_start3A_3 = tpu.memref_slice %arg2[%mul3A_2, %dma_start3A] : memref<4096x512xf32, #tpu.memory_space<hbm>> -> memref<32x512xf32, #tpu.memory_space<hbm>>
    %dma_start3A_4 = arith.constant 0 : i32
    %dma_start3A_5 = tpu.memref_slice %arg2[%mul3A_2, %dma_start3A_4] : memref<4096x512xf32, #tpu.memory_space<hbm>> -> memref<32x512xf32, #tpu.memory_space<hbm>>
    tpu.enqueue_dma source(%dma_start3A_5 : memref<32x512xf32, #tpu.memory_space<hbm>>) target(%arg5 : memref<32x512xf32, #tpu.memory_space<vmem>>) target_semaphore(%arg7 : memref<!tpu.dma_semaphore, #tpu.memory_space<semaphore_mem>>)
    %add3A_6 = arith.constant 32 : i32
    %add3A_7 = arith.addi %mul3A_2, %add3A_6 : i32
    %dma_start3A_8 = arith.constant 0 : i32
    %dma_start3A_9 = tpu.memref_slice %arg2[%add3A_7, %dma_start3A_8] : memref<4096x512xf32, #tpu.memory_space<hbm>> -> memref<32x512xf32, #tpu.memory_space<hbm>>
    %dma_start3A_10 = arith.constant 0 : i32
    %dma_start3A_11 = tpu.memref_slice %arg2[%add3A_7, %dma_start3A_10] : memref<4096x512xf32, #tpu.memory_space<hbm>> -> memref<32x512xf32, #tpu.memory_space<hbm>>
    tpu.enqueue_dma source(%dma_start3A_11 : memref<32x512xf32, #tpu.memory_space<hbm>>) target(%arg6 : memref<32x512xf32, #tpu.memory_space<vmem>>) target_semaphore(%arg8 : memref<!tpu.dma_semaphore, #tpu.memory_space<semaphore_mem>>)
    %dma_wait3A = arith.constant 0 : i32
    %dma_wait3A_12 = tpu.memref_slice %arg2[%mul3A_2, %dma_wait3A] : memref<4096x512xf32, #tpu.memory_space<hbm>> -> memref<32x512xf32, #tpu.memory_space<hbm>>
    %dma_wait3A_13 = arith.constant 0 : i32
    %dma_wait3A_14 = tpu.memref_slice %arg2[%mul3A_2, %dma_wait3A_13] : memref<4096x512xf32, #tpu.memory_space<hbm>> -> memref<32x512xf32, #tpu.memory_space<hbm>>
    tpu.wait_dma2 semaphore(%arg7 : memref<!tpu.dma_semaphore, #tpu.memory_space<semaphore_mem>>) src(%dma_wait3A_14 : memref<32x512xf32, #tpu.memory_space<hbm>>) dst(%arg5 : memref<32x512xf32, #tpu.memory_space<vmem>>)
    %add3A_15 = arith.constant 0 : i32
    %add3A_16 = arith.addi %mul3A_2, %add3A_15 : i32
    "tpu.region"() ({
      %run_scoped3A = tpu.sem_alloc : memref<!tpu.dma_semaphore, #tpu.memory_space<semaphore_mem>>
      %dma_start3A_47 = arith.constant 0 : i32
      %dma_start3A_48 = tpu.memref_slice %arg3[%add3A_16, %dma_start3A_47] : memref<4096x1792xf32, #tpu.memory_space<hbm>> -> memref<32x512xf32, #tpu.memory_space<hbm>>
      %dma_start3A_49 = arith.constant 0 : i32
      %dma_start3A_50 = tpu.memref_slice %arg3[%add3A_16, %dma_start3A_49] : memref<4096x1792xf32, #tpu.memory_space<hbm>> -> memref<32x512xf32, #tpu.memory_space<hbm>>
      tpu.enqueue_dma source(%arg5 : memref<32x512xf32, #tpu.memory_space<vmem>>) target(%dma_start3A_50 : memref<32x512xf32, #tpu.memory_space<hbm>>) target_semaphore(%run_scoped3A : memref<!tpu.dma_semaphore, #tpu.memory_space<semaphore_mem>>)
      %dma_wait3A_51 = arith.constant 0 : i32
      %dma_wait3A_52 = tpu.memref_slice %arg3[%add3A_16, %dma_wait3A_51] : memref<4096x1792xf32, #tpu.memory_space<hbm>> -> memref<32x512xf32, #tpu.memory_space<hbm>>
      %dma_wait3A_53 = arith.constant 0 : i32
      %dma_wait3A_54 = tpu.memref_slice %arg3[%add3A_16, %dma_wait3A_53] : memref<4096x1792xf32, #tpu.memory_space<hbm>> -> memref<32x512xf32, #tpu.memory_space<hbm>>
      tpu.wait_dma2 semaphore(%run_scoped3A : memref<!tpu.dma_semaphore, #tpu.memory_space<semaphore_mem>>) src(%arg5 : memref<32x512xf32, #tpu.memory_space<vmem>>) dst(%dma_wait3A_54 : memref<32x512xf32, #tpu.memory_space<hbm>>)
      tpu.yield
    }) : () -> ()
    %add3A_17 = arith.constant 64 : i32
    %add3A_18 = arith.addi %mul3A_2, %add3A_17 : i32
    %dma_start3A_19 = arith.constant 0 : i32
    %dma_start3A_20 = tpu.memref_slice %arg2[%add3A_18, %dma_start3A_19] : memref<4096x512xf32, #tpu.memory_space<hbm>> -> memref<32x512xf32, #tpu.memory_space<hbm>>
    %dma_start3A_21 = arith.constant 0 : i32
    %dma_start3A_22 = tpu.memref_slice %arg2[%add3A_18, %dma_start3A_21] : memref<4096x512xf32, #tpu.memory_space<hbm>> -> memref<32x512xf32, #tpu.memory_space<hbm>>
    tpu.enqueue_dma source(%dma_start3A_22 : memref<32x512xf32, #tpu.memory_space<hbm>>) target(%arg5 : memref<32x512xf32, #tpu.memory_space<vmem>>) target_semaphore(%arg7 : memref<!tpu.dma_semaphore, #tpu.memory_space<semaphore_mem>>)
    %dma_wait3A_23 = arith.constant 0 : i32
    %dma_wait3A_24 = tpu.memref_slice %arg2[%add3A_7, %dma_wait3A_23] : memref<4096x512xf32, #tpu.memory_space<hbm>> -> memref<32x512xf32, #tpu.memory_space<hbm>>
    %dma_wait3A_25 = arith.constant 0 : i32
    %dma_wait3A_26 = tpu.memref_slice %arg2[%add3A_7, %dma_wait3A_25] : memref<4096x512xf32, #tpu.memory_space<hbm>> -> memref<32x512xf32, #tpu.memory_space<hbm>>
    tpu.wait_dma2 semaphore(%arg8 : memref<!tpu.dma_semaphore, #tpu.memory_space<semaphore_mem>>) src(%dma_wait3A_26 : memref<32x512xf32, #tpu.memory_space<hbm>>) dst(%arg6 : memref<32x512xf32, #tpu.memory_space<vmem>>)
    %add3A_27 = arith.constant 32 : i32
    %add3A_28 = arith.addi %mul3A_2, %add3A_27 : i32
    "tpu.region"() ({
      %run_scoped3A = tpu.sem_alloc : memref<!tpu.dma_semaphore, #tpu.memory_space<semaphore_mem>>
      %dma_start3A_47 = arith.constant 0 : i32
      %dma_start3A_48 = tpu.memref_slice %arg3[%add3A_28, %dma_start3A_47] : memref<4096x1792xf32, #tpu.memory_space<hbm>> -> memref<32x512xf32, #tpu.memory_space<hbm>>
      %dma_start3A_49 = arith.constant 0 : i32
      %dma_start3A_50 = tpu.memref_slice %arg3[%add3A_28, %dma_start3A_49] : memref<4096x1792xf32, #tpu.memory_space<hbm>> -> memref<32x512xf32, #tpu.memory_space<hbm>>
      tpu.enqueue_dma source(%arg6 : memref<32x512xf32, #tpu.memory_space<vmem>>) target(%dma_start3A_50 : memref<32x512xf32, #tpu.memory_space<hbm>>) target_semaphore(%run_scoped3A : memref<!tpu.dma_semaphore, #tpu.memory_space<semaphore_mem>>)
      %dma_wait3A_51 = arith.constant 0 : i32
      %dma_wait3A_52 = tpu.memref_slice %arg3[%add3A_28, %dma_wait3A_51] : memref<4096x1792xf32, #tpu.memory_space<hbm>> -> memref<32x512xf32, #tpu.memory_space<hbm>>
      %dma_wait3A_53 = arith.constant 0 : i32
      %dma_wait3A_54 = tpu.memref_slice %arg3[%add3A_28, %dma_wait3A_53] : memref<4096x1792xf32, #tpu.memory_space<hbm>> -> memref<32x512xf32, #tpu.memory_space<hbm>>
      tpu.wait_dma2 semaphore(%run_scoped3A : memref<!tpu.dma_semaphore, #tpu.memory_space<semaphore_mem>>) src(%arg6 : memref<32x512xf32, #tpu.memory_space<vmem>>) dst(%dma_wait3A_54 : memref<32x512xf32, #tpu.memory_space<hbm>>)
      tpu.yield
    }) : () -> ()
    %add3A_29 = arith.constant 96 : i32
    %add3A_30 = arith.addi %mul3A_2, %add3A_29 : i32
    %dma_start3A_31 = arith.constant 0 : i32
    %dma_start3A_32 = tpu.memref_slice %arg2[%add3A_30, %dma_start3A_31] : memref<4096x512xf32, #tpu.memory_space<hbm>> -> memref<32x512xf32, #tpu.memory_space<hbm>>
    %dma_start3A_33 = arith.constant 0 : i32
    %dma_start3A_34 = tpu.memref_slice %arg2[%add3A_30, %dma_start3A_33] : memref<4096x512xf32, #tpu.memory_space<hbm>> -> memref<32x512xf32, #tpu.memory_space<hbm>>
    tpu.enqueue_dma source(%dma_start3A_34 : memref<32x512xf32, #tpu.memory_space<hbm>>) target(%arg6 : memref<32x512xf32, #tpu.memory_space<vmem>>) target_semaphore(%arg8 : memref<!tpu.dma_semaphore, #tpu.memory_space<semaphore_mem>>)
    %dma_wait3A_35 = arith.constant 0 : i32
    %dma_wait3A_36 = tpu.memref_slice %arg2[%add3A_18, %dma_wait3A_35] : memref<4096x512xf32, #tpu.memory_space<hbm>> -> memref<32x512xf32, #tpu.memory_space<hbm>>
    %dma_wait3A_37 = arith.constant 0 : i32
    %dma_wait3A_38 = tpu.memref_slice %arg2[%add3A_18, %dma_wait3A_37] : memref<4096x512xf32, #tpu.memory_space<hbm>> -> memref<32x512xf32, #tpu.memory_space<hbm>>
    tpu.wait_dma2 semaphore(%arg7 : memref<!tpu.dma_semaphore, #tpu.memory_space<semaphore_mem>>) src(%dma_wait3A_38 : memref<32x512xf32, #tpu.memory_space<hbm>>) dst(%arg5 : memref<32x512xf32, #tpu.memory_space<vmem>>)
    %add3A_39 = arith.constant 64 : i32
    %add3A_40 = arith.addi %mul3A_2, %add3A_39 : i32
    "tpu.region"() ({
      %run_scoped3A = tpu.sem_alloc : memref<!tpu.dma_semaphore, #tpu.memory_space<semaphore_mem>>
      %dma_start3A_47 = arith.constant 0 : i32
      %dma_start3A_48 = tpu.memref_slice %arg3[%add3A_40, %dma_start3A_47] : memref<4096x1792xf32, #tpu.memory_space<hbm>> -> memref<32x512xf32, #tpu.memory_space<hbm>>
      %dma_start3A_49 = arith.constant 0 : i32
      %dma_start3A_50 = tpu.memref_slice %arg3[%add3A_40, %dma_start3A_49] : memref<4096x1792xf32, #tpu.memory_space<hbm>> -> memref<32x512xf32, #tpu.memory_space<hbm>>
      tpu.enqueue_dma source(%arg5 : memref<32x512xf32, #tpu.memory_space<vmem>>) target(%dma_start3A_50 : memref<32x512xf32, #tpu.memory_space<hbm>>) target_semaphore(%run_scoped3A : memref<!tpu.dma_semaphore, #tpu.memory_space<semaphore_mem>>)
      %dma_wait3A_51 = arith.constant 0 : i32
      %dma_wait3A_52 = tpu.memref_slice %arg3[%add3A_40, %dma_wait3A_51] : memref<4096x1792xf32, #tpu.memory_space<hbm>> -> memref<32x512xf32, #tpu.memory_space<hbm>>
      %dma_wait3A_53 = arith.constant 0 : i32
      %dma_wait3A_54 = tpu.memref_slice %arg3[%add3A_40, %dma_wait3A_53] : memref<4096x1792xf32, #tpu.memory_space<hbm>> -> memref<32x512xf32, #tpu.memory_space<hbm>>
      tpu.wait_dma2 semaphore(%run_scoped3A : memref<!tpu.dma_semaphore, #tpu.memory_space<semaphore_mem>>) src(%arg5 : memref<32x512xf32, #tpu.memory_space<vmem>>) dst(%dma_wait3A_54 : memref<32x512xf32, #tpu.memory_space<hbm>>)
      tpu.yield
    }) : () -> ()
    %dma_wait3A_41 = arith.constant 0 : i32
    %dma_wait3A_42 = tpu.memref_slice %arg2[%add3A_30, %dma_wait3A_41] : memref<4096x512xf32, #tpu.memory_space<hbm>> -> memref<32x512xf32, #tpu.memory_space<hbm>>
    %dma_wait3A_43 = arith.constant 0 : i32
    %dma_wait3A_44 = tpu.memref_slice %arg2[%add3A_30, %dma_wait3A_43] : memref<4096x512xf32, #tpu.memory_space<hbm>> -> memref<32x512xf32, #tpu.memory_space<hbm>>
    tpu.wait_dma2 semaphore(%arg8 : memref<!tpu.dma_semaphore, #tpu.memory_space<semaphore_mem>>) src(%dma_wait3A_44 : memref<32x512xf32, #tpu.memory_space<hbm>>) dst(%arg6 : memref<32x512xf32, #tpu.memory_space<vmem>>)
    %add3A_45 = arith.constant 96 : i32
    %add3A_46 = arith.addi %mul3A_2, %add3A_45 : i32
    "tpu.region"() ({
      %run_scoped3A = tpu.sem_alloc : memref<!tpu.dma_semaphore, #tpu.memory_space<semaphore_mem>>
      %dma_start3A_47 = arith.constant 0 : i32
      %dma_start3A_48 = tpu.memref_slice %arg3[%add3A_46, %dma_start3A_47] : memref<4096x1792xf32, #tpu.memory_space<hbm>> -> memref<32x512xf32, #tpu.memory_space<hbm>>
      %dma_start3A_49 = arith.constant 0 : i32
      %dma_start3A_50 = tpu.memref_slice %arg3[%add3A_46, %dma_start3A_49] : memref<4096x1792xf32, #tpu.memory_space<hbm>> -> memref<32x512xf32, #tpu.memory_space<hbm>>
      tpu.enqueue_dma source(%arg6 : memref<32x512xf32, #tpu.memory_space<vmem>>) target(%dma_start3A_50 : memref<32x512xf32, #tpu.memory_space<hbm>>) target_semaphore(%run_scoped3A : memref<!tpu.dma_semaphore, #tpu.memory_space<semaphore_mem>>)
      %dma_wait3A_51 = arith.constant 0 : i32
      %dma_wait3A_52 = tpu.memref_slice %arg3[%add3A_46, %dma_wait3A_51] : memref<4096x1792xf32, #tpu.memory_space<hbm>> -> memref<32x512xf32, #tpu.memory_space<hbm>>
      %dma_wait3A_53 = arith.constant 0 : i32
      %dma_wait3A_54 = tpu.memref_slice %arg3[%add3A_46, %dma_wait3A_53] : memref<4096x1792xf32, #tpu.memory_space<hbm>> -> memref<32x512xf32, #tpu.memory_space<hbm>>
      tpu.wait_dma2 semaphore(%run_scoped3A : memref<!tpu.dma_semaphore, #tpu.memory_space<semaphore_mem>>) src(%arg6 : memref<32x512xf32, #tpu.memory_space<vmem>>) dst(%dma_wait3A_54 : memref<32x512xf32, #tpu.memory_space<hbm>>)
      tpu.yield
    }) : () -> ()
    return
  }
}

#map = affine_map<(d0, d1) -> (0, 0)>
#map1 = affine_map<(d0, d1) -> (0)>
module attributes {stable_mosaic.version = 14 : i64} {
  func.func @new_body(%arg0: i32, %arg1: i32, %arg2: memref<8192x1280xf32, #tpu.memory_space<hbm>>, %arg3: memref<2048xi32, #tpu.memory_space<hbm>>, %arg4: memref<4096x1792xf32, #tpu.memory_space<hbm>>, %arg5: memref<4096x1792xf32, #tpu.memory_space<hbm>>, %arg6: memref<64xi32, #tpu.memory_space<vmem>>, %arg7: memref<16x1280xf32, #tpu.memory_space<vmem>>, %arg8: memref<16x1280xf32, #tpu.memory_space<vmem>>, %arg9: memref<!tpu.dma_semaphore, #tpu.memory_space<semaphore_mem>>, %arg10: memref<!tpu.dma_semaphore, #tpu.memory_space<semaphore_mem>>) attributes {dimension_semantics = [#tpu.dimension_semantics<core_parallel>, #tpu.dimension_semantics<subcore_parallel>], iteration_bounds = array<i64: 2, 16>, scalar_prefetch = 0 : i64, scratch_operands = 5 : i64, tpu.core_type = #tpu.core_type<sc_vector_subcore>, window_params = [{transform_indices = #map}, {transform_indices = #map1}, {transform_indices = #map}, {transform_indices = #map}]} {
    %mul3A = arith.constant 2 : i32
    %mul3A_0 = arith.muli %arg1, %mul3A : i32
    %add3A = arith.addi %mul3A_0, %arg0 : i32
    %mul3A_1 = arith.constant 64 : i32
    %mul3A_2 = arith.muli %add3A, %mul3A_1 : i32
    %add3A_3 = arith.constant 0 : i32
    %add3A_4 = arith.addi %add3A_3, %mul3A_2 : i32
    "tpu.region"() ({
      %run_scoped3A = tpu.sem_alloc : memref<!tpu.dma_semaphore, #tpu.memory_space<semaphore_mem>>
      %dma_start3A_51 = tpu.memref_slice %arg3[%mul3A_2] : memref<2048xi32, #tpu.memory_space<hbm>> -> memref<64xi32, #tpu.memory_space<hbm>>
      %dma_start3A_52 = tpu.memref_slice %arg3[%mul3A_2] : memref<2048xi32, #tpu.memory_space<hbm>> -> memref<64xi32, #tpu.memory_space<hbm>>
      tpu.enqueue_dma source(%dma_start3A_52 : memref<64xi32, #tpu.memory_space<hbm>>) target(%arg6 : memref<64xi32, #tpu.memory_space<vmem>>) target_semaphore(%run_scoped3A : memref<!tpu.dma_semaphore, #tpu.memory_space<semaphore_mem>>)
      %dma_wait3A_53 = tpu.memref_slice %arg3[%mul3A_2] : memref<2048xi32, #tpu.memory_space<hbm>> -> memref<64xi32, #tpu.memory_space<hbm>>
      %dma_wait3A_54 = tpu.memref_slice %arg3[%mul3A_2] : memref<2048xi32, #tpu.memory_space<hbm>> -> memref<64xi32, #tpu.memory_space<hbm>>
      tpu.wait_dma2 semaphore(%run_scoped3A : memref<!tpu.dma_semaphore, #tpu.memory_space<semaphore_mem>>) src(%dma_wait3A_54 : memref<64xi32, #tpu.memory_space<hbm>>) dst(%arg6 : memref<64xi32, #tpu.memory_space<vmem>>)
      tpu.yield
    }) : () -> ()
    %dma_start3A = arith.constant 0 : i32
    %dma_start3A_5 = tpu.memref_slice %arg6[%dma_start3A] : memref<64xi32, #tpu.memory_space<vmem>> -> memref<16xi32, #tpu.memory_space<vmem>>
    %dma_start3A_6 = arith.constant 0 : i32
    %dma_start3A_7 = arith.constant 0 : i32
    %dma_start3A_8 = tpu.memref_slice %arg2[%dma_start3A_6, %dma_start3A_7] : memref<8192x1280xf32, #tpu.memory_space<hbm>> -> memref<8192x1280xf32, #tpu.memory_space<hbm>>
    tpu.enqueue_indirect_dma source(%dma_start3A_8 : memref<8192x1280xf32, #tpu.memory_space<hbm>>) target(%arg7 : memref<16x1280xf32, #tpu.memory_space<vmem>>) offsets(%dma_start3A_5 : memref<16xi32, #tpu.memory_space<vmem>>) semaphore(%arg9 : memref<!tpu.dma_semaphore, #tpu.memory_space<semaphore_mem>>)
    %dma_start3A_9 = arith.constant 16 : i32
    %dma_start3A_10 = tpu.memref_slice %arg6[%dma_start3A_9] : memref<64xi32, #tpu.memory_space<vmem>> -> memref<16xi32, #tpu.memory_space<vmem>>
    %dma_start3A_11 = arith.constant 0 : i32
    %dma_start3A_12 = arith.constant 0 : i32
    %dma_start3A_13 = tpu.memref_slice %arg2[%dma_start3A_11, %dma_start3A_12] : memref<8192x1280xf32, #tpu.memory_space<hbm>> -> memref<8192x1280xf32, #tpu.memory_space<hbm>>
    tpu.enqueue_indirect_dma source(%dma_start3A_13 : memref<8192x1280xf32, #tpu.memory_space<hbm>>) target(%arg8 : memref<16x1280xf32, #tpu.memory_space<vmem>>) offsets(%dma_start3A_10 : memref<16xi32, #tpu.memory_space<vmem>>) semaphore(%arg10 : memref<!tpu.dma_semaphore, #tpu.memory_space<semaphore_mem>>)
    %dma_wait3A = arith.constant 0 : i32
    %dma_wait3A_14 = tpu.memref_slice %arg6[%dma_wait3A] : memref<64xi32, #tpu.memory_space<vmem>> -> memref<16xi32, #tpu.memory_space<vmem>>
    %dma_wait3A_15 = arith.constant 0 : i32
    %dma_wait3A_16 = arith.constant 0 : i32
    %dma_wait3A_17 = tpu.memref_slice %arg2[%dma_wait3A_15, %dma_wait3A_16] : memref<8192x1280xf32, #tpu.memory_space<hbm>> -> memref<8192x1280xf32, #tpu.memory_space<hbm>>
    tpu.wait_indirect_dma semaphore(%arg9 : memref<!tpu.dma_semaphore, #tpu.memory_space<semaphore_mem>>) src(%dma_wait3A_17 : memref<8192x1280xf32, #tpu.memory_space<hbm>>) dst(%arg7 : memref<16x1280xf32, #tpu.memory_space<vmem>>)
    %add3A_18 = arith.constant 0 : i32
    %add3A_19 = arith.addi %add3A_4, %add3A_18 : i32
    "tpu.region"() ({
      %run_scoped3A = tpu.sem_alloc : memref<!tpu.dma_semaphore, #tpu.memory_space<semaphore_mem>>
      %dma_start3A_51 = arith.constant 512 : i32
      %dma_start3A_52 = tpu.memref_slice %arg4[%add3A_19, %dma_start3A_51] : memref<4096x1792xf32, #tpu.memory_space<hbm>> -> memref<16x1280xf32, #tpu.memory_space<hbm>>
      %dma_start3A_53 = arith.constant 512 : i32
      %dma_start3A_54 = tpu.memref_slice %arg4[%add3A_19, %dma_start3A_53] : memref<4096x1792xf32, #tpu.memory_space<hbm>> -> memref<16x1280xf32, #tpu.memory_space<hbm>>
      tpu.enqueue_dma source(%arg7 : memref<16x1280xf32, #tpu.memory_space<vmem>>) target(%dma_start3A_54 : memref<16x1280xf32, #tpu.memory_space<hbm>>) target_semaphore(%run_scoped3A : memref<!tpu.dma_semaphore, #tpu.memory_space<semaphore_mem>>)
      %dma_wait3A_55 = arith.constant 512 : i32
      %dma_wait3A_56 = tpu.memref_slice %arg4[%add3A_19, %dma_wait3A_55] : memref<4096x1792xf32, #tpu.memory_space<hbm>> -> memref<16x1280xf32, #tpu.memory_space<hbm>>
      %dma_wait3A_57 = arith.constant 512 : i32
      %dma_wait3A_58 = tpu.memref_slice %arg4[%add3A_19, %dma_wait3A_57] : memref<4096x1792xf32, #tpu.memory_space<hbm>> -> memref<16x1280xf32, #tpu.memory_space<hbm>>
      tpu.wait_dma2 semaphore(%run_scoped3A : memref<!tpu.dma_semaphore, #tpu.memory_space<semaphore_mem>>) src(%arg7 : memref<16x1280xf32, #tpu.memory_space<vmem>>) dst(%dma_wait3A_58 : memref<16x1280xf32, #tpu.memory_space<hbm>>)
      tpu.yield
    }) : () -> ()
    %dma_start3A_20 = arith.constant 32 : i32
    %dma_start3A_21 = tpu.memref_slice %arg6[%dma_start3A_20] : memref<64xi32, #tpu.memory_space<vmem>> -> memref<16xi32, #tpu.memory_space<vmem>>
    %dma_start3A_22 = arith.constant 0 : i32
    %dma_start3A_23 = arith.constant 0 : i32
    %dma_start3A_24 = tpu.memref_slice %arg2[%dma_start3A_22, %dma_start3A_23] : memref<8192x1280xf32, #tpu.memory_space<hbm>> -> memref<8192x1280xf32, #tpu.memory_space<hbm>>
    tpu.enqueue_indirect_dma source(%dma_start3A_24 : memref<8192x1280xf32, #tpu.memory_space<hbm>>) target(%arg7 : memref<16x1280xf32, #tpu.memory_space<vmem>>) offsets(%dma_start3A_21 : memref<16xi32, #tpu.memory_space<vmem>>) semaphore(%arg9 : memref<!tpu.dma_semaphore, #tpu.memory_space<semaphore_mem>>)
    %dma_wait3A_25 = arith.constant 16 : i32
    %dma_wait3A_26 = tpu.memref_slice %arg6[%dma_wait3A_25] : memref<64xi32, #tpu.memory_space<vmem>> -> memref<16xi32, #tpu.memory_space<vmem>>
    %dma_wait3A_27 = arith.constant 0 : i32
    %dma_wait3A_28 = arith.constant 0 : i32
    %dma_wait3A_29 = tpu.memref_slice %arg2[%dma_wait3A_27, %dma_wait3A_28] : memref<8192x1280xf32, #tpu.memory_space<hbm>> -> memref<8192x1280xf32, #tpu.memory_space<hbm>>
    tpu.wait_indirect_dma semaphore(%arg10 : memref<!tpu.dma_semaphore, #tpu.memory_space<semaphore_mem>>) src(%dma_wait3A_29 : memref<8192x1280xf32, #tpu.memory_space<hbm>>) dst(%arg8 : memref<16x1280xf32, #tpu.memory_space<vmem>>)
    %add3A_30 = arith.constant 16 : i32
    %add3A_31 = arith.addi %add3A_4, %add3A_30 : i32
    "tpu.region"() ({
      %run_scoped3A = tpu.sem_alloc : memref<!tpu.dma_semaphore, #tpu.memory_space<semaphore_mem>>
      %dma_start3A_51 = arith.constant 512 : i32
      %dma_start3A_52 = tpu.memref_slice %arg4[%add3A_31, %dma_start3A_51] : memref<4096x1792xf32, #tpu.memory_space<hbm>> -> memref<16x1280xf32, #tpu.memory_space<hbm>>
      %dma_start3A_53 = arith.constant 512 : i32
      %dma_start3A_54 = tpu.memref_slice %arg4[%add3A_31, %dma_start3A_53] : memref<4096x1792xf32, #tpu.memory_space<hbm>> -> memref<16x1280xf32, #tpu.memory_space<hbm>>
      tpu.enqueue_dma source(%arg8 : memref<16x1280xf32, #tpu.memory_space<vmem>>) target(%dma_start3A_54 : memref<16x1280xf32, #tpu.memory_space<hbm>>) target_semaphore(%run_scoped3A : memref<!tpu.dma_semaphore, #tpu.memory_space<semaphore_mem>>)
      %dma_wait3A_55 = arith.constant 512 : i32
      %dma_wait3A_56 = tpu.memref_slice %arg4[%add3A_31, %dma_wait3A_55] : memref<4096x1792xf32, #tpu.memory_space<hbm>> -> memref<16x1280xf32, #tpu.memory_space<hbm>>
      %dma_wait3A_57 = arith.constant 512 : i32
      %dma_wait3A_58 = tpu.memref_slice %arg4[%add3A_31, %dma_wait3A_57] : memref<4096x1792xf32, #tpu.memory_space<hbm>> -> memref<16x1280xf32, #tpu.memory_space<hbm>>
      tpu.wait_dma2 semaphore(%run_scoped3A : memref<!tpu.dma_semaphore, #tpu.memory_space<semaphore_mem>>) src(%arg8 : memref<16x1280xf32, #tpu.memory_space<vmem>>) dst(%dma_wait3A_58 : memref<16x1280xf32, #tpu.memory_space<hbm>>)
      tpu.yield
    }) : () -> ()
    %dma_start3A_32 = arith.constant 48 : i32
    %dma_start3A_33 = tpu.memref_slice %arg6[%dma_start3A_32] : memref<64xi32, #tpu.memory_space<vmem>> -> memref<16xi32, #tpu.memory_space<vmem>>
    %dma_start3A_34 = arith.constant 0 : i32
    %dma_start3A_35 = arith.constant 0 : i32
    %dma_start3A_36 = tpu.memref_slice %arg2[%dma_start3A_34, %dma_start3A_35] : memref<8192x1280xf32, #tpu.memory_space<hbm>> -> memref<8192x1280xf32, #tpu.memory_space<hbm>>
    tpu.enqueue_indirect_dma source(%dma_start3A_36 : memref<8192x1280xf32, #tpu.memory_space<hbm>>) target(%arg8 : memref<16x1280xf32, #tpu.memory_space<vmem>>) offsets(%dma_start3A_33 : memref<16xi32, #tpu.memory_space<vmem>>) semaphore(%arg10 : memref<!tpu.dma_semaphore, #tpu.memory_space<semaphore_mem>>)
    %dma_wait3A_37 = arith.constant 32 : i32
    %dma_wait3A_38 = tpu.memref_slice %arg6[%dma_wait3A_37] : memref<64xi32, #tpu.memory_space<vmem>> -> memref<16xi32, #tpu.memory_space<vmem>>
    %dma_wait3A_39 = arith.constant 0 : i32
    %dma_wait3A_40 = arith.constant 0 : i32
    %dma_wait3A_41 = tpu.memref_slice %arg2[%dma_wait3A_39, %dma_wait3A_40] : memref<8192x1280xf32, #tpu.memory_space<hbm>> -> memref<8192x1280xf32, #tpu.memory_space<hbm>>
    tpu.wait_indirect_dma semaphore(%arg9 : memref<!tpu.dma_semaphore, #tpu.memory_space<semaphore_mem>>) src(%dma_wait3A_41 : memref<8192x1280xf32, #tpu.memory_space<hbm>>) dst(%arg7 : memref<16x1280xf32, #tpu.memory_space<vmem>>)
    %add3A_42 = arith.constant 32 : i32
    %add3A_43 = arith.addi %add3A_4, %add3A_42 : i32
    "tpu.region"() ({
      %run_scoped3A = tpu.sem_alloc : memref<!tpu.dma_semaphore, #tpu.memory_space<semaphore_mem>>
      %dma_start3A_51 = arith.constant 512 : i32
      %dma_start3A_52 = tpu.memref_slice %arg4[%add3A_43, %dma_start3A_51] : memref<4096x1792xf32, #tpu.memory_space<hbm>> -> memref<16x1280xf32, #tpu.memory_space<hbm>>
      %dma_start3A_53 = arith.constant 512 : i32
      %dma_start3A_54 = tpu.memref_slice %arg4[%add3A_43, %dma_start3A_53] : memref<4096x1792xf32, #tpu.memory_space<hbm>> -> memref<16x1280xf32, #tpu.memory_space<hbm>>
      tpu.enqueue_dma source(%arg7 : memref<16x1280xf32, #tpu.memory_space<vmem>>) target(%dma_start3A_54 : memref<16x1280xf32, #tpu.memory_space<hbm>>) target_semaphore(%run_scoped3A : memref<!tpu.dma_semaphore, #tpu.memory_space<semaphore_mem>>)
      %dma_wait3A_55 = arith.constant 512 : i32
      %dma_wait3A_56 = tpu.memref_slice %arg4[%add3A_43, %dma_wait3A_55] : memref<4096x1792xf32, #tpu.memory_space<hbm>> -> memref<16x1280xf32, #tpu.memory_space<hbm>>
      %dma_wait3A_57 = arith.constant 512 : i32
      %dma_wait3A_58 = tpu.memref_slice %arg4[%add3A_43, %dma_wait3A_57] : memref<4096x1792xf32, #tpu.memory_space<hbm>> -> memref<16x1280xf32, #tpu.memory_space<hbm>>
      tpu.wait_dma2 semaphore(%run_scoped3A : memref<!tpu.dma_semaphore, #tpu.memory_space<semaphore_mem>>) src(%arg7 : memref<16x1280xf32, #tpu.memory_space<vmem>>) dst(%dma_wait3A_58 : memref<16x1280xf32, #tpu.memory_space<hbm>>)
      tpu.yield
    }) : () -> ()
    %dma_wait3A_44 = arith.constant 48 : i32
    %dma_wait3A_45 = tpu.memref_slice %arg6[%dma_wait3A_44] : memref<64xi32, #tpu.memory_space<vmem>> -> memref<16xi32, #tpu.memory_space<vmem>>
    %dma_wait3A_46 = arith.constant 0 : i32
    %dma_wait3A_47 = arith.constant 0 : i32
    %dma_wait3A_48 = tpu.memref_slice %arg2[%dma_wait3A_46, %dma_wait3A_47] : memref<8192x1280xf32, #tpu.memory_space<hbm>> -> memref<8192x1280xf32, #tpu.memory_space<hbm>>
    tpu.wait_indirect_dma semaphore(%arg10 : memref<!tpu.dma_semaphore, #tpu.memory_space<semaphore_mem>>) src(%dma_wait3A_48 : memref<8192x1280xf32, #tpu.memory_space<hbm>>) dst(%arg8 : memref<16x1280xf32, #tpu.memory_space<vmem>>)
    %add3A_49 = arith.constant 48 : i32
    %add3A_50 = arith.addi %add3A_4, %add3A_49 : i32
    "tpu.region"() ({
      %run_scoped3A = tpu.sem_alloc : memref<!tpu.dma_semaphore, #tpu.memory_space<semaphore_mem>>
      %dma_start3A_51 = arith.constant 512 : i32
      %dma_start3A_52 = tpu.memref_slice %arg4[%add3A_50, %dma_start3A_51] : memref<4096x1792xf32, #tpu.memory_space<hbm>> -> memref<16x1280xf32, #tpu.memory_space<hbm>>
      %dma_start3A_53 = arith.constant 512 : i32
      %dma_start3A_54 = tpu.memref_slice %arg4[%add3A_50, %dma_start3A_53] : memref<4096x1792xf32, #tpu.memory_space<hbm>> -> memref<16x1280xf32, #tpu.memory_space<hbm>>
      tpu.enqueue_dma source(%arg8 : memref<16x1280xf32, #tpu.memory_space<vmem>>) target(%dma_start3A_54 : memref<16x1280xf32, #tpu.memory_space<hbm>>) target_semaphore(%run_scoped3A : memref<!tpu.dma_semaphore, #tpu.memory_space<semaphore_mem>>)
      %dma_wait3A_55 = arith.constant 512 : i32
      %dma_wait3A_56 = tpu.memref_slice %arg4[%add3A_50, %dma_wait3A_55] : memref<4096x1792xf32, #tpu.memory_space<hbm>> -> memref<16x1280xf32, #tpu.memory_space<hbm>>
      %dma_wait3A_57 = arith.constant 512 : i32
      %dma_wait3A_58 = tpu.memref_slice %arg4[%add3A_50, %dma_wait3A_57] : memref<4096x1792xf32, #tpu.memory_space<hbm>> -> memref<16x1280xf32, #tpu.memory_space<hbm>>
      tpu.wait_dma2 semaphore(%run_scoped3A : memref<!tpu.dma_semaphore, #tpu.memory_space<semaphore_mem>>) src(%arg8 : memref<16x1280xf32, #tpu.memory_space<vmem>>) dst(%dma_wait3A_58 : memref<16x1280xf32, #tpu.memory_space<hbm>>)
      tpu.yield
    }) : () -> ()
    return
  }
}

module attributes {stable_mosaic.version = 14 : i64} {
  func.func @_argmin_body(%arg0: i32, %arg1: memref<2048x1xf32, #tpu.memory_space<vmem>>, %arg2: memref<1x8192xf32, #tpu.memory_space<vmem>>, %arg3: memref<1x1x2048xi32, #tpu.memory_space<vmem>>) attributes {dimension_semantics = [#tpu.dimension_semantics<arbitrary>], iteration_bounds = array<i64: 1>, scalar_prefetch = 0 : i64, scratch_operands = 0 : i64, tpu.core_type = #tpu.core_type<tc>, window_params = [{transform_indices = @transform_0, window_bounds = array<i64: 2048, 1>}, {pipeline_mode = #tpu.pipeline_mode<synchronous>, transform_indices = @transform_1, window_bounds = array<i64: 1, 8192>}, {pipeline_mode = #tpu.pipeline_mode<synchronous>, transform_indices = @transform_2, window_bounds = array<i64: 1, 1, 2048>}]} {
    %get3A = arith.constant 0 : index
    %get3A_0 = arith.constant 0 : index
    %get3A_1 = vector.load %arg1[%get3A, %get3A_0] : memref<2048x1xf32, #tpu.memory_space<vmem>>, vector<2048x1xf32>
    %broadcast_in_dim3A = vector.shape_cast %get3A_1 : vector<2048x1xf32> to vector<2048x1xf32>
    %broadcast_in_dim3A_2 = vector.broadcast %broadcast_in_dim3A : vector<2048x1xf32> to vector<2048x128xf32>
    %get3A_3 = arith.constant 0 : index
    %get3A_4 = arith.constant 0 : index
    %get3A_5 = vector.load %arg2[%get3A_3, %get3A_4] : memref<1x8192xf32, #tpu.memory_space<vmem>>, vector<1x128xf32>
    %sub3A = vector.broadcast %get3A_5 : vector<1x128xf32> to vector<2048x128xf32>
    %sub3A_6 = arith.subf %sub3A, %broadcast_in_dim3A_2 : vector<2048x128xf32>
    %abs3A = math.absf %sub3A_6 : vector<2048x128xf32>
    %broadcast_in_dim3A_7 = arith.constant 0.000000e+00 : f32
    %broadcast_in_dim3A_8 = vector.broadcast %broadcast_in_dim3A_7 : f32 to vector<2048x128xf32>
    %get3A_9 = arith.constant 0 : index
    %get3A_10 = arith.constant 128 : index
    %get3A_11 = vector.load %arg2[%get3A_9, %get3A_10] : memref<1x8192xf32, #tpu.memory_space<vmem>>, vector<1x128xf32>
    %sub3A_12 = vector.broadcast %get3A_11 : vector<1x128xf32> to vector<2048x128xf32>
    %sub3A_13 = arith.subf %sub3A_12, %broadcast_in_dim3A_2 : vector<2048x128xf32>
    %abs3A_14 = math.absf %sub3A_13 : vector<2048x128xf32>
    %lt3A = arith.cmpf olt, %abs3A_14, %abs3A : vector<2048x128xf32>
    %select_n3A = arith.select %lt3A, %abs3A_14, %abs3A : vector<2048x128xi1>, vector<2048x128xf32>
    %jit3A = arith.constant 1.000000e+00 : f32
    %broadcast_in_dim3A_15 = vector.broadcast %jit3A : f32 to vector<2048x128xf32>
    %select_n3A_16 = arith.select %lt3A, %broadcast_in_dim3A_15, %broadcast_in_dim3A_8 : vector<2048x128xi1>, vector<2048x128xf32>
    %get3A_17 = arith.constant 0 : index
    %get3A_18 = arith.constant 256 : index
    %get3A_19 = vector.load %arg2[%get3A_17, %get3A_18] : memref<1x8192xf32, #tpu.memory_space<vmem>>, vector<1x128xf32>
    %sub3A_20 = vector.broadcast %get3A_19 : vector<1x128xf32> to vector<2048x128xf32>
    %sub3A_21 = arith.subf %sub3A_20, %broadcast_in_dim3A_2 : vector<2048x128xf32>
    %abs3A_22 = math.absf %sub3A_21 : vector<2048x128xf32>
    %lt3A_23 = arith.cmpf olt, %abs3A_22, %select_n3A : vector<2048x128xf32>
    %select_n3A_24 = arith.select %lt3A_23, %abs3A_22, %select_n3A : vector<2048x128xi1>, vector<2048x128xf32>
    %jit3A_25 = arith.constant 2.000000e+00 : f32
    %broadcast_in_dim3A_26 = vector.broadcast %jit3A_25 : f32 to vector<2048x128xf32>
    %select_n3A_27 = arith.select %lt3A_23, %broadcast_in_dim3A_26, %select_n3A_16 : vector<2048x128xi1>, vector<2048x128xf32>
    %get3A_28 = arith.constant 0 : index
    %get3A_29 = arith.constant 384 : index
    %get3A_30 = vector.load %arg2[%get3A_28, %get3A_29] : memref<1x8192xf32, #tpu.memory_space<vmem>>, vector<1x128xf32>
    %sub3A_31 = vector.broadcast %get3A_30 : vector<1x128xf32> to vector<2048x128xf32>
    %sub3A_32 = arith.subf %sub3A_31, %broadcast_in_dim3A_2 : vector<2048x128xf32>
    %abs3A_33 = math.absf %sub3A_32 : vector<2048x128xf32>
    %lt3A_34 = arith.cmpf olt, %abs3A_33, %select_n3A_24 : vector<2048x128xf32>
    %select_n3A_35 = arith.select %lt3A_34, %abs3A_33, %select_n3A_24 : vector<2048x128xi1>, vector<2048x128xf32>
    %jit3A_36 = arith.constant 3.000000e+00 : f32
    %broadcast_in_dim3A_37 = vector.broadcast %jit3A_36 : f32 to vector<2048x128xf32>
    %select_n3A_38 = arith.select %lt3A_34, %broadcast_in_dim3A_37, %select_n3A_27 : vector<2048x128xi1>, vector<2048x128xf32>
    %get3A_39 = arith.constant 0 : index
    %get3A_40 = arith.constant 512 : index
    %get3A_41 = vector.load %arg2[%get3A_39, %get3A_40] : memref<1x8192xf32, #tpu.memory_space<vmem>>, vector<1x128xf32>
    %sub3A_42 = vector.broadcast %get3A_41 : vector<1x128xf32> to vector<2048x128xf32>
    %sub3A_43 = arith.subf %sub3A_42, %broadcast_in_dim3A_2 : vector<2048x128xf32>
    %abs3A_44 = math.absf %sub3A_43 : vector<2048x128xf32>
    %lt3A_45 = arith.cmpf olt, %abs3A_44, %select_n3A_35 : vector<2048x128xf32>
    %select_n3A_46 = arith.select %lt3A_45, %abs3A_44, %select_n3A_35 : vector<2048x128xi1>, vector<2048x128xf32>
    %jit3A_47 = arith.constant 4.000000e+00 : f32
    %broadcast_in_dim3A_48 = vector.broadcast %jit3A_47 : f32 to vector<2048x128xf32>
    %select_n3A_49 = arith.select %lt3A_45, %broadcast_in_dim3A_48, %select_n3A_38 : vector<2048x128xi1>, vector<2048x128xf32>
    %get3A_50 = arith.constant 0 : index
    %get3A_51 = arith.constant 640 : index
    %get3A_52 = vector.load %arg2[%get3A_50, %get3A_51] : memref<1x8192xf32, #tpu.memory_space<vmem>>, vector<1x128xf32>
    %sub3A_53 = vector.broadcast %get3A_52 : vector<1x128xf32> to vector<2048x128xf32>
    %sub3A_54 = arith.subf %sub3A_53, %broadcast_in_dim3A_2 : vector<2048x128xf32>
    %abs3A_55 = math.absf %sub3A_54 : vector<2048x128xf32>
    %lt3A_56 = arith.cmpf olt, %abs3A_55, %select_n3A_46 : vector<2048x128xf32>
    %select_n3A_57 = arith.select %lt3A_56, %abs3A_55, %select_n3A_46 : vector<2048x128xi1>, vector<2048x128xf32>
    %jit3A_58 = arith.constant 5.000000e+00 : f32
    %broadcast_in_dim3A_59 = vector.broadcast %jit3A_58 : f32 to vector<2048x128xf32>
    %select_n3A_60 = arith.select %lt3A_56, %broadcast_in_dim3A_59, %select_n3A_49 : vector<2048x128xi1>, vector<2048x128xf32>
    %get3A_61 = arith.constant 0 : index
    %get3A_62 = arith.constant 768 : index
    %get3A_63 = vector.load %arg2[%get3A_61, %get3A_62] : memref<1x8192xf32, #tpu.memory_space<vmem>>, vector<1x128xf32>
    %sub3A_64 = vector.broadcast %get3A_63 : vector<1x128xf32> to vector<2048x128xf32>
    %sub3A_65 = arith.subf %sub3A_64, %broadcast_in_dim3A_2 : vector<2048x128xf32>
    %abs3A_66 = math.absf %sub3A_65 : vector<2048x128xf32>
    %lt3A_67 = arith.cmpf olt, %abs3A_66, %select_n3A_57 : vector<2048x128xf32>
    %select_n3A_68 = arith.select %lt3A_67, %abs3A_66, %select_n3A_57 : vector<2048x128xi1>, vector<2048x128xf32>
    %jit3A_69 = arith.constant 6.000000e+00 : f32
    %broadcast_in_dim3A_70 = vector.broadcast %jit3A_69 : f32 to vector<2048x128xf32>
    %select_n3A_71 = arith.select %lt3A_67, %broadcast_in_dim3A_70, %select_n3A_60 : vector<2048x128xi1>, vector<2048x128xf32>
    %get3A_72 = arith.constant 0 : index
    %get3A_73 = arith.constant 896 : index
    %get3A_74 = vector.load %arg2[%get3A_72, %get3A_73] : memref<1x8192xf32, #tpu.memory_space<vmem>>, vector<1x128xf32>
    %sub3A_75 = vector.broadcast %get3A_74 : vector<1x128xf32> to vector<2048x128xf32>
    %sub3A_76 = arith.subf %sub3A_75, %broadcast_in_dim3A_2 : vector<2048x128xf32>
    %abs3A_77 = math.absf %sub3A_76 : vector<2048x128xf32>
    %lt3A_78 = arith.cmpf olt, %abs3A_77, %select_n3A_68 : vector<2048x128xf32>
    %select_n3A_79 = arith.select %lt3A_78, %abs3A_77, %select_n3A_68 : vector<2048x128xi1>, vector<2048x128xf32>
    %jit3A_80 = arith.constant 7.000000e+00 : f32
    %broadcast_in_dim3A_81 = vector.broadcast %jit3A_80 : f32 to vector<2048x128xf32>
    %select_n3A_82 = arith.select %lt3A_78, %broadcast_in_dim3A_81, %select_n3A_71 : vector<2048x128xi1>, vector<2048x128xf32>
    %get3A_83 = arith.constant 0 : index
    %get3A_84 = arith.constant 1024 : index
    %get3A_85 = vector.load %arg2[%get3A_83, %get3A_84] : memref<1x8192xf32, #tpu.memory_space<vmem>>, vector<1x128xf32>
    %sub3A_86 = vector.broadcast %get3A_85 : vector<1x128xf32> to vector<2048x128xf32>
    %sub3A_87 = arith.subf %sub3A_86, %broadcast_in_dim3A_2 : vector<2048x128xf32>
    %abs3A_88 = math.absf %sub3A_87 : vector<2048x128xf32>
    %lt3A_89 = arith.cmpf olt, %abs3A_88, %select_n3A_79 : vector<2048x128xf32>
    %select_n3A_90 = arith.select %lt3A_89, %abs3A_88, %select_n3A_79 : vector<2048x128xi1>, vector<2048x128xf32>
    %jit3A_91 = arith.constant 8.000000e+00 : f32
    %broadcast_in_dim3A_92 = vector.broadcast %jit3A_91 : f32 to vector<2048x128xf32>
    %select_n3A_93 = arith.select %lt3A_89, %broadcast_in_dim3A_92, %select_n3A_82 : vector<2048x128xi1>, vector<2048x128xf32>
    %get3A_94 = arith.constant 0 : index
    %get3A_95 = arith.constant 1152 : index
    %get3A_96 = vector.load %arg2[%get3A_94, %get3A_95] : memref<1x8192xf32, #tpu.memory_space<vmem>>, vector<1x128xf32>
    %sub3A_97 = vector.broadcast %get3A_96 : vector<1x128xf32> to vector<2048x128xf32>
    %sub3A_98 = arith.subf %sub3A_97, %broadcast_in_dim3A_2 : vector<2048x128xf32>
    %abs3A_99 = math.absf %sub3A_98 : vector<2048x128xf32>
    %lt3A_100 = arith.cmpf olt, %abs3A_99, %select_n3A_90 : vector<2048x128xf32>
    %select_n3A_101 = arith.select %lt3A_100, %abs3A_99, %select_n3A_90 : vector<2048x128xi1>, vector<2048x128xf32>
    %jit3A_102 = arith.constant 9.000000e+00 : f32
    %broadcast_in_dim3A_103 = vector.broadcast %jit3A_102 : f32 to vector<2048x128xf32>
    %select_n3A_104 = arith.select %lt3A_100, %broadcast_in_dim3A_103, %select_n3A_93 : vector<2048x128xi1>, vector<2048x128xf32>
    %get3A_105 = arith.constant 0 : index
    %get3A_106 = arith.constant 1280 : index
    %get3A_107 = vector.load %arg2[%get3A_105, %get3A_106] : memref<1x8192xf32, #tpu.memory_space<vmem>>, vector<1x128xf32>
    %sub3A_108 = vector.broadcast %get3A_107 : vector<1x128xf32> to vector<2048x128xf32>
    %sub3A_109 = arith.subf %sub3A_108, %broadcast_in_dim3A_2 : vector<2048x128xf32>
    %abs3A_110 = math.absf %sub3A_109 : vector<2048x128xf32>
    %lt3A_111 = arith.cmpf olt, %abs3A_110, %select_n3A_101 : vector<2048x128xf32>
    %select_n3A_112 = arith.select %lt3A_111, %abs3A_110, %select_n3A_101 : vector<2048x128xi1>, vector<2048x128xf32>
    %jit3A_113 = arith.constant 1.000000e+01 : f32
    %broadcast_in_dim3A_114 = vector.broadcast %jit3A_113 : f32 to vector<2048x128xf32>
    %select_n3A_115 = arith.select %lt3A_111, %broadcast_in_dim3A_114, %select_n3A_104 : vector<2048x128xi1>, vector<2048x128xf32>
    %get3A_116 = arith.constant 0 : index
    %get3A_117 = arith.constant 1408 : index
    %get3A_118 = vector.load %arg2[%get3A_116, %get3A_117] : memref<1x8192xf32, #tpu.memory_space<vmem>>, vector<1x128xf32>
    %sub3A_119 = vector.broadcast %get3A_118 : vector<1x128xf32> to vector<2048x128xf32>
    %sub3A_120 = arith.subf %sub3A_119, %broadcast_in_dim3A_2 : vector<2048x128xf32>
    %abs3A_121 = math.absf %sub3A_120 : vector<2048x128xf32>
    %lt3A_122 = arith.cmpf olt, %abs3A_121, %select_n3A_112 : vector<2048x128xf32>
    %select_n3A_123 = arith.select %lt3A_122, %abs3A_121, %select_n3A_112 : vector<2048x128xi1>, vector<2048x128xf32>
    %jit3A_124 = arith.constant 1.100000e+01 : f32
    %broadcast_in_dim3A_125 = vector.broadcast %jit3A_124 : f32 to vector<2048x128xf32>
    %select_n3A_126 = arith.select %lt3A_122, %broadcast_in_dim3A_125, %select_n3A_115 : vector<2048x128xi1>, vector<2048x128xf32>
    %get3A_127 = arith.constant 0 : index
    %get3A_128 = arith.constant 1536 : index
    %get3A_129 = vector.load %arg2[%get3A_127, %get3A_128] : memref<1x8192xf32, #tpu.memory_space<vmem>>, vector<1x128xf32>
    %sub3A_130 = vector.broadcast %get3A_129 : vector<1x128xf32> to vector<2048x128xf32>
    %sub3A_131 = arith.subf %sub3A_130, %broadcast_in_dim3A_2 : vector<2048x128xf32>
    %abs3A_132 = math.absf %sub3A_131 : vector<2048x128xf32>
    %lt3A_133 = arith.cmpf olt, %abs3A_132, %select_n3A_123 : vector<2048x128xf32>
    %select_n3A_134 = arith.select %lt3A_133, %abs3A_132, %select_n3A_123 : vector<2048x128xi1>, vector<2048x128xf32>
    %jit3A_135 = arith.constant 1.200000e+01 : f32
    %broadcast_in_dim3A_136 = vector.broadcast %jit3A_135 : f32 to vector<2048x128xf32>
    %select_n3A_137 = arith.select %lt3A_133, %broadcast_in_dim3A_136, %select_n3A_126 : vector<2048x128xi1>, vector<2048x128xf32>
    %get3A_138 = arith.constant 0 : index
    %get3A_139 = arith.constant 1664 : index
    %get3A_140 = vector.load %arg2[%get3A_138, %get3A_139] : memref<1x8192xf32, #tpu.memory_space<vmem>>, vector<1x128xf32>
    %sub3A_141 = vector.broadcast %get3A_140 : vector<1x128xf32> to vector<2048x128xf32>
    %sub3A_142 = arith.subf %sub3A_141, %broadcast_in_dim3A_2 : vector<2048x128xf32>
    %abs3A_143 = math.absf %sub3A_142 : vector<2048x128xf32>
    %lt3A_144 = arith.cmpf olt, %abs3A_143, %select_n3A_134 : vector<2048x128xf32>
    %select_n3A_145 = arith.select %lt3A_144, %abs3A_143, %select_n3A_134 : vector<2048x128xi1>, vector<2048x128xf32>
    %jit3A_146 = arith.constant 1.300000e+01 : f32
    %broadcast_in_dim3A_147 = vector.broadcast %jit3A_146 : f32 to vector<2048x128xf32>
    %select_n3A_148 = arith.select %lt3A_144, %broadcast_in_dim3A_147, %select_n3A_137 : vector<2048x128xi1>, vector<2048x128xf32>
    %get3A_149 = arith.constant 0 : index
    %get3A_150 = arith.constant 1792 : index
    %get3A_151 = vector.load %arg2[%get3A_149, %get3A_150] : memref<1x8192xf32, #tpu.memory_space<vmem>>, vector<1x128xf32>
    %sub3A_152 = vector.broadcast %get3A_151 : vector<1x128xf32> to vector<2048x128xf32>
    %sub3A_153 = arith.subf %sub3A_152, %broadcast_in_dim3A_2 : vector<2048x128xf32>
    %abs3A_154 = math.absf %sub3A_153 : vector<2048x128xf32>
    %lt3A_155 = arith.cmpf olt, %abs3A_154, %select_n3A_145 : vector<2048x128xf32>
    %select_n3A_156 = arith.select %lt3A_155, %abs3A_154, %select_n3A_145 : vector<2048x128xi1>, vector<2048x128xf32>
    %jit3A_157 = arith.constant 1.400000e+01 : f32
    %broadcast_in_dim3A_158 = vector.broadcast %jit3A_157 : f32 to vector<2048x128xf32>
    %select_n3A_159 = arith.select %lt3A_155, %broadcast_in_dim3A_158, %select_n3A_148 : vector<2048x128xi1>, vector<2048x128xf32>
    %get3A_160 = arith.constant 0 : index
    %get3A_161 = arith.constant 1920 : index
    %get3A_162 = vector.load %arg2[%get3A_160, %get3A_161] : memref<1x8192xf32, #tpu.memory_space<vmem>>, vector<1x128xf32>
    %sub3A_163 = vector.broadcast %get3A_162 : vector<1x128xf32> to vector<2048x128xf32>
    %sub3A_164 = arith.subf %sub3A_163, %broadcast_in_dim3A_2 : vector<2048x128xf32>
    %abs3A_165 = math.absf %sub3A_164 : vector<2048x128xf32>
    %lt3A_166 = arith.cmpf olt, %abs3A_165, %select_n3A_156 : vector<2048x128xf32>
    %select_n3A_167 = arith.select %lt3A_166, %abs3A_165, %select_n3A_156 : vector<2048x128xi1>, vector<2048x128xf32>
    %jit3A_168 = arith.constant 1.500000e+01 : f32
    %broadcast_in_dim3A_169 = vector.broadcast %jit3A_168 : f32 to vector<2048x128xf32>
    %select_n3A_170 = arith.select %lt3A_166, %broadcast_in_dim3A_169, %select_n3A_159 : vector<2048x128xi1>, vector<2048x128xf32>
    %get3A_171 = arith.constant 0 : index
    %get3A_172 = arith.constant 2048 : index
    %get3A_173 = vector.load %arg2[%get3A_171, %get3A_172] : memref<1x8192xf32, #tpu.memory_space<vmem>>, vector<1x128xf32>
    %sub3A_174 = vector.broadcast %get3A_173 : vector<1x128xf32> to vector<2048x128xf32>
    %sub3A_175 = arith.subf %sub3A_174, %broadcast_in_dim3A_2 : vector<2048x128xf32>
    %abs3A_176 = math.absf %sub3A_175 : vector<2048x128xf32>
    %lt3A_177 = arith.cmpf olt, %abs3A_176, %select_n3A_167 : vector<2048x128xf32>
    %select_n3A_178 = arith.select %lt3A_177, %abs3A_176, %select_n3A_167 : vector<2048x128xi1>, vector<2048x128xf32>
    %jit3A_179 = arith.constant 1.600000e+01 : f32
    %broadcast_in_dim3A_180 = vector.broadcast %jit3A_179 : f32 to vector<2048x128xf32>
    %select_n3A_181 = arith.select %lt3A_177, %broadcast_in_dim3A_180, %select_n3A_170 : vector<2048x128xi1>, vector<2048x128xf32>
    %get3A_182 = arith.constant 0 : index
    %get3A_183 = arith.constant 2176 : index
    %get3A_184 = vector.load %arg2[%get3A_182, %get3A_183] : memref<1x8192xf32, #tpu.memory_space<vmem>>, vector<1x128xf32>
    %sub3A_185 = vector.broadcast %get3A_184 : vector<1x128xf32> to vector<2048x128xf32>
    %sub3A_186 = arith.subf %sub3A_185, %broadcast_in_dim3A_2 : vector<2048x128xf32>
    %abs3A_187 = math.absf %sub3A_186 : vector<2048x128xf32>
    %lt3A_188 = arith.cmpf olt, %abs3A_187, %select_n3A_178 : vector<2048x128xf32>
    %select_n3A_189 = arith.select %lt3A_188, %abs3A_187, %select_n3A_178 : vector<2048x128xi1>, vector<2048x128xf32>
    %jit3A_190 = arith.constant 1.700000e+01 : f32
    %broadcast_in_dim3A_191 = vector.broadcast %jit3A_190 : f32 to vector<2048x128xf32>
    %select_n3A_192 = arith.select %lt3A_188, %broadcast_in_dim3A_191, %select_n3A_181 : vector<2048x128xi1>, vector<2048x128xf32>
    %get3A_193 = arith.constant 0 : index
    %get3A_194 = arith.constant 2304 : index
    %get3A_195 = vector.load %arg2[%get3A_193, %get3A_194] : memref<1x8192xf32, #tpu.memory_space<vmem>>, vector<1x128xf32>
    %sub3A_196 = vector.broadcast %get3A_195 : vector<1x128xf32> to vector<2048x128xf32>
    %sub3A_197 = arith.subf %sub3A_196, %broadcast_in_dim3A_2 : vector<2048x128xf32>
    %abs3A_198 = math.absf %sub3A_197 : vector<2048x128xf32>
    %lt3A_199 = arith.cmpf olt, %abs3A_198, %select_n3A_189 : vector<2048x128xf32>
    %select_n3A_200 = arith.select %lt3A_199, %abs3A_198, %select_n3A_189 : vector<2048x128xi1>, vector<2048x128xf32>
    %jit3A_201 = arith.constant 1.800000e+01 : f32
    %broadcast_in_dim3A_202 = vector.broadcast %jit3A_201 : f32 to vector<2048x128xf32>
    %select_n3A_203 = arith.select %lt3A_199, %broadcast_in_dim3A_202, %select_n3A_192 : vector<2048x128xi1>, vector<2048x128xf32>
    %get3A_204 = arith.constant 0 : index
    %get3A_205 = arith.constant 2432 : index
    %get3A_206 = vector.load %arg2[%get3A_204, %get3A_205] : memref<1x8192xf32, #tpu.memory_space<vmem>>, vector<1x128xf32>
    %sub3A_207 = vector.broadcast %get3A_206 : vector<1x128xf32> to vector<2048x128xf32>
    %sub3A_208 = arith.subf %sub3A_207, %broadcast_in_dim3A_2 : vector<2048x128xf32>
    %abs3A_209 = math.absf %sub3A_208 : vector<2048x128xf32>
    %lt3A_210 = arith.cmpf olt, %abs3A_209, %select_n3A_200 : vector<2048x128xf32>
    %select_n3A_211 = arith.select %lt3A_210, %abs3A_209, %select_n3A_200 : vector<2048x128xi1>, vector<2048x128xf32>
    %jit3A_212 = arith.constant 1.900000e+01 : f32
    %broadcast_in_dim3A_213 = vector.broadcast %jit3A_212 : f32 to vector<2048x128xf32>
    %select_n3A_214 = arith.select %lt3A_210, %broadcast_in_dim3A_213, %select_n3A_203 : vector<2048x128xi1>, vector<2048x128xf32>
    %get3A_215 = arith.constant 0 : index
    %get3A_216 = arith.constant 2560 : index
    %get3A_217 = vector.load %arg2[%get3A_215, %get3A_216] : memref<1x8192xf32, #tpu.memory_space<vmem>>, vector<1x128xf32>
    %sub3A_218 = vector.broadcast %get3A_217 : vector<1x128xf32> to vector<2048x128xf32>
    %sub3A_219 = arith.subf %sub3A_218, %broadcast_in_dim3A_2 : vector<2048x128xf32>
    %abs3A_220 = math.absf %sub3A_219 : vector<2048x128xf32>
    %lt3A_221 = arith.cmpf olt, %abs3A_220, %select_n3A_211 : vector<2048x128xf32>
    %select_n3A_222 = arith.select %lt3A_221, %abs3A_220, %select_n3A_211 : vector<2048x128xi1>, vector<2048x128xf32>
    %jit3A_223 = arith.constant 2.000000e+01 : f32
    %broadcast_in_dim3A_224 = vector.broadcast %jit3A_223 : f32 to vector<2048x128xf32>
    %select_n3A_225 = arith.select %lt3A_221, %broadcast_in_dim3A_224, %select_n3A_214 : vector<2048x128xi1>, vector<2048x128xf32>
    %get3A_226 = arith.constant 0 : index
    %get3A_227 = arith.constant 2688 : index
    %get3A_228 = vector.load %arg2[%get3A_226, %get3A_227] : memref<1x8192xf32, #tpu.memory_space<vmem>>, vector<1x128xf32>
    %sub3A_229 = vector.broadcast %get3A_228 : vector<1x128xf32> to vector<2048x128xf32>
    %sub3A_230 = arith.subf %sub3A_229, %broadcast_in_dim3A_2 : vector<2048x128xf32>
    %abs3A_231 = math.absf %sub3A_230 : vector<2048x128xf32>
    %lt3A_232 = arith.cmpf olt, %abs3A_231, %select_n3A_222 : vector<2048x128xf32>
    %select_n3A_233 = arith.select %lt3A_232, %abs3A_231, %select_n3A_222 : vector<2048x128xi1>, vector<2048x128xf32>
    %jit3A_234 = arith.constant 2.100000e+01 : f32
    %broadcast_in_dim3A_235 = vector.broadcast %jit3A_234 : f32 to vector<2048x128xf32>
    %select_n3A_236 = arith.select %lt3A_232, %broadcast_in_dim3A_235, %select_n3A_225 : vector<2048x128xi1>, vector<2048x128xf32>
    %get3A_237 = arith.constant 0 : index
    %get3A_238 = arith.constant 2816 : index
    %get3A_239 = vector.load %arg2[%get3A_237, %get3A_238] : memref<1x8192xf32, #tpu.memory_space<vmem>>, vector<1x128xf32>
    %sub3A_240 = vector.broadcast %get3A_239 : vector<1x128xf32> to vector<2048x128xf32>
    %sub3A_241 = arith.subf %sub3A_240, %broadcast_in_dim3A_2 : vector<2048x128xf32>
    %abs3A_242 = math.absf %sub3A_241 : vector<2048x128xf32>
    %lt3A_243 = arith.cmpf olt, %abs3A_242, %select_n3A_233 : vector<2048x128xf32>
    %select_n3A_244 = arith.select %lt3A_243, %abs3A_242, %select_n3A_233 : vector<2048x128xi1>, vector<2048x128xf32>
    %jit3A_245 = arith.constant 2.200000e+01 : f32
    %broadcast_in_dim3A_246 = vector.broadcast %jit3A_245 : f32 to vector<2048x128xf32>
    %select_n3A_247 = arith.select %lt3A_243, %broadcast_in_dim3A_246, %select_n3A_236 : vector<2048x128xi1>, vector<2048x128xf32>
    %get3A_248 = arith.constant 0 : index
    %get3A_249 = arith.constant 2944 : index
    %get3A_250 = vector.load %arg2[%get3A_248, %get3A_249] : memref<1x8192xf32, #tpu.memory_space<vmem>>, vector<1x128xf32>
    %sub3A_251 = vector.broadcast %get3A_250 : vector<1x128xf32> to vector<2048x128xf32>
    %sub3A_252 = arith.subf %sub3A_251, %broadcast_in_dim3A_2 : vector<2048x128xf32>
    %abs3A_253 = math.absf %sub3A_252 : vector<2048x128xf32>
    %lt3A_254 = arith.cmpf olt, %abs3A_253, %select_n3A_244 : vector<2048x128xf32>
    %select_n3A_255 = arith.select %lt3A_254, %abs3A_253, %select_n3A_244 : vector<2048x128xi1>, vector<2048x128xf32>
    %jit3A_256 = arith.constant 2.300000e+01 : f32
    %broadcast_in_dim3A_257 = vector.broadcast %jit3A_256 : f32 to vector<2048x128xf32>
    %select_n3A_258 = arith.select %lt3A_254, %broadcast_in_dim3A_257, %select_n3A_247 : vector<2048x128xi1>, vector<2048x128xf32>
    %get3A_259 = arith.constant 0 : index
    %get3A_260 = arith.constant 3072 : index
    %get3A_261 = vector.load %arg2[%get3A_259, %get3A_260] : memref<1x8192xf32, #tpu.memory_space<vmem>>, vector<1x128xf32>
    %sub3A_262 = vector.broadcast %get3A_261 : vector<1x128xf32> to vector<2048x128xf32>
    %sub3A_263 = arith.subf %sub3A_262, %broadcast_in_dim3A_2 : vector<2048x128xf32>
    %abs3A_264 = math.absf %sub3A_263 : vector<2048x128xf32>
    %lt3A_265 = arith.cmpf olt, %abs3A_264, %select_n3A_255 : vector<2048x128xf32>
    %select_n3A_266 = arith.select %lt3A_265, %abs3A_264, %select_n3A_255 : vector<2048x128xi1>, vector<2048x128xf32>
    %jit3A_267 = arith.constant 2.400000e+01 : f32
    %broadcast_in_dim3A_268 = vector.broadcast %jit3A_267 : f32 to vector<2048x128xf32>
    %select_n3A_269 = arith.select %lt3A_265, %broadcast_in_dim3A_268, %select_n3A_258 : vector<2048x128xi1>, vector<2048x128xf32>
    %get3A_270 = arith.constant 0 : index
    %get3A_271 = arith.constant 3200 : index
    %get3A_272 = vector.load %arg2[%get3A_270, %get3A_271] : memref<1x8192xf32, #tpu.memory_space<vmem>>, vector<1x128xf32>
    %sub3A_273 = vector.broadcast %get3A_272 : vector<1x128xf32> to vector<2048x128xf32>
    %sub3A_274 = arith.subf %sub3A_273, %broadcast_in_dim3A_2 : vector<2048x128xf32>
    %abs3A_275 = math.absf %sub3A_274 : vector<2048x128xf32>
    %lt3A_276 = arith.cmpf olt, %abs3A_275, %select_n3A_266 : vector<2048x128xf32>
    %select_n3A_277 = arith.select %lt3A_276, %abs3A_275, %select_n3A_266 : vector<2048x128xi1>, vector<2048x128xf32>
    %jit3A_278 = arith.constant 2.500000e+01 : f32
    %broadcast_in_dim3A_279 = vector.broadcast %jit3A_278 : f32 to vector<2048x128xf32>
    %select_n3A_280 = arith.select %lt3A_276, %broadcast_in_dim3A_279, %select_n3A_269 : vector<2048x128xi1>, vector<2048x128xf32>
    %get3A_281 = arith.constant 0 : index
    %get3A_282 = arith.constant 3328 : index
    %get3A_283 = vector.load %arg2[%get3A_281, %get3A_282] : memref<1x8192xf32, #tpu.memory_space<vmem>>, vector<1x128xf32>
    %sub3A_284 = vector.broadcast %get3A_283 : vector<1x128xf32> to vector<2048x128xf32>
    %sub3A_285 = arith.subf %sub3A_284, %broadcast_in_dim3A_2 : vector<2048x128xf32>
    %abs3A_286 = math.absf %sub3A_285 : vector<2048x128xf32>
    %lt3A_287 = arith.cmpf olt, %abs3A_286, %select_n3A_277 : vector<2048x128xf32>
    %select_n3A_288 = arith.select %lt3A_287, %abs3A_286, %select_n3A_277 : vector<2048x128xi1>, vector<2048x128xf32>
    %jit3A_289 = arith.constant 2.600000e+01 : f32
    %broadcast_in_dim3A_290 = vector.broadcast %jit3A_289 : f32 to vector<2048x128xf32>
    %select_n3A_291 = arith.select %lt3A_287, %broadcast_in_dim3A_290, %select_n3A_280 : vector<2048x128xi1>, vector<2048x128xf32>
    %get3A_292 = arith.constant 0 : index
    %get3A_293 = arith.constant 3456 : index
    %get3A_294 = vector.load %arg2[%get3A_292, %get3A_293] : memref<1x8192xf32, #tpu.memory_space<vmem>>, vector<1x128xf32>
    %sub3A_295 = vector.broadcast %get3A_294 : vector<1x128xf32> to vector<2048x128xf32>
    %sub3A_296 = arith.subf %sub3A_295, %broadcast_in_dim3A_2 : vector<2048x128xf32>
    %abs3A_297 = math.absf %sub3A_296 : vector<2048x128xf32>
    %lt3A_298 = arith.cmpf olt, %abs3A_297, %select_n3A_288 : vector<2048x128xf32>
    %select_n3A_299 = arith.select %lt3A_298, %abs3A_297, %select_n3A_288 : vector<2048x128xi1>, vector<2048x128xf32>
    %jit3A_300 = arith.constant 2.700000e+01 : f32
    %broadcast_in_dim3A_301 = vector.broadcast %jit3A_300 : f32 to vector<2048x128xf32>
    %select_n3A_302 = arith.select %lt3A_298, %broadcast_in_dim3A_301, %select_n3A_291 : vector<2048x128xi1>, vector<2048x128xf32>
    %get3A_303 = arith.constant 0 : index
    %get3A_304 = arith.constant 3584 : index
    %get3A_305 = vector.load %arg2[%get3A_303, %get3A_304] : memref<1x8192xf32, #tpu.memory_space<vmem>>, vector<1x128xf32>
    %sub3A_306 = vector.broadcast %get3A_305 : vector<1x128xf32> to vector<2048x128xf32>
    %sub3A_307 = arith.subf %sub3A_306, %broadcast_in_dim3A_2 : vector<2048x128xf32>
    %abs3A_308 = math.absf %sub3A_307 : vector<2048x128xf32>
    %lt3A_309 = arith.cmpf olt, %abs3A_308, %select_n3A_299 : vector<2048x128xf32>
    %select_n3A_310 = arith.select %lt3A_309, %abs3A_308, %select_n3A_299 : vector<2048x128xi1>, vector<2048x128xf32>
    %jit3A_311 = arith.constant 2.800000e+01 : f32
    %broadcast_in_dim3A_312 = vector.broadcast %jit3A_311 : f32 to vector<2048x128xf32>
    %select_n3A_313 = arith.select %lt3A_309, %broadcast_in_dim3A_312, %select_n3A_302 : vector<2048x128xi1>, vector<2048x128xf32>
    %get3A_314 = arith.constant 0 : index
    %get3A_315 = arith.constant 3712 : index
    %get3A_316 = vector.load %arg2[%get3A_314, %get3A_315] : memref<1x8192xf32, #tpu.memory_space<vmem>>, vector<1x128xf32>
    %sub3A_317 = vector.broadcast %get3A_316 : vector<1x128xf32> to vector<2048x128xf32>
    %sub3A_318 = arith.subf %sub3A_317, %broadcast_in_dim3A_2 : vector<2048x128xf32>
    %abs3A_319 = math.absf %sub3A_318 : vector<2048x128xf32>
    %lt3A_320 = arith.cmpf olt, %abs3A_319, %select_n3A_310 : vector<2048x128xf32>
    %select_n3A_321 = arith.select %lt3A_320, %abs3A_319, %select_n3A_310 : vector<2048x128xi1>, vector<2048x128xf32>
    %jit3A_322 = arith.constant 2.900000e+01 : f32
    %broadcast_in_dim3A_323 = vector.broadcast %jit3A_322 : f32 to vector<2048x128xf32>
    %select_n3A_324 = arith.select %lt3A_320, %broadcast_in_dim3A_323, %select_n3A_313 : vector<2048x128xi1>, vector<2048x128xf32>
    %get3A_325 = arith.constant 0 : index
    %get3A_326 = arith.constant 3840 : index
    %get3A_327 = vector.load %arg2[%get3A_325, %get3A_326] : memref<1x8192xf32, #tpu.memory_space<vmem>>, vector<1x128xf32>
    %sub3A_328 = vector.broadcast %get3A_327 : vector<1x128xf32> to vector<2048x128xf32>
    %sub3A_329 = arith.subf %sub3A_328, %broadcast_in_dim3A_2 : vector<2048x128xf32>
    %abs3A_330 = math.absf %sub3A_329 : vector<2048x128xf32>
    %lt3A_331 = arith.cmpf olt, %abs3A_330, %select_n3A_321 : vector<2048x128xf32>
    %select_n3A_332 = arith.select %lt3A_331, %abs3A_330, %select_n3A_321 : vector<2048x128xi1>, vector<2048x128xf32>
    %jit3A_333 = arith.constant 3.000000e+01 : f32
    %broadcast_in_dim3A_334 = vector.broadcast %jit3A_333 : f32 to vector<2048x128xf32>
    %select_n3A_335 = arith.select %lt3A_331, %broadcast_in_dim3A_334, %select_n3A_324 : vector<2048x128xi1>, vector<2048x128xf32>
    %get3A_336 = arith.constant 0 : index
    %get3A_337 = arith.constant 3968 : index
    %get3A_338 = vector.load %arg2[%get3A_336, %get3A_337] : memref<1x8192xf32, #tpu.memory_space<vmem>>, vector<1x128xf32>
    %sub3A_339 = vector.broadcast %get3A_338 : vector<1x128xf32> to vector<2048x128xf32>
    %sub3A_340 = arith.subf %sub3A_339, %broadcast_in_dim3A_2 : vector<2048x128xf32>
    %abs3A_341 = math.absf %sub3A_340 : vector<2048x128xf32>
    %lt3A_342 = arith.cmpf olt, %abs3A_341, %select_n3A_332 : vector<2048x128xf32>
    %select_n3A_343 = arith.select %lt3A_342, %abs3A_341, %select_n3A_332 : vector<2048x128xi1>, vector<2048x128xf32>
    %jit3A_344 = arith.constant 3.100000e+01 : f32
    %broadcast_in_dim3A_345 = vector.broadcast %jit3A_344 : f32 to vector<2048x128xf32>
    %select_n3A_346 = arith.select %lt3A_342, %broadcast_in_dim3A_345, %select_n3A_335 : vector<2048x128xi1>, vector<2048x128xf32>
    %get3A_347 = arith.constant 0 : index
    %get3A_348 = arith.constant 4096 : index
    %get3A_349 = vector.load %arg2[%get3A_347, %get3A_348] : memref<1x8192xf32, #tpu.memory_space<vmem>>, vector<1x128xf32>
    %sub3A_350 = vector.broadcast %get3A_349 : vector<1x128xf32> to vector<2048x128xf32>
    %sub3A_351 = arith.subf %sub3A_350, %broadcast_in_dim3A_2 : vector<2048x128xf32>
    %abs3A_352 = math.absf %sub3A_351 : vector<2048x128xf32>
    %lt3A_353 = arith.cmpf olt, %abs3A_352, %select_n3A_343 : vector<2048x128xf32>
    %select_n3A_354 = arith.select %lt3A_353, %abs3A_352, %select_n3A_343 : vector<2048x128xi1>, vector<2048x128xf32>
    %jit3A_355 = arith.constant 3.200000e+01 : f32
    %broadcast_in_dim3A_356 = vector.broadcast %jit3A_355 : f32 to vector<2048x128xf32>
    %select_n3A_357 = arith.select %lt3A_353, %broadcast_in_dim3A_356, %select_n3A_346 : vector<2048x128xi1>, vector<2048x128xf32>
    %get3A_358 = arith.constant 0 : index
    %get3A_359 = arith.constant 4224 : index
    %get3A_360 = vector.load %arg2[%get3A_358, %get3A_359] : memref<1x8192xf32, #tpu.memory_space<vmem>>, vector<1x128xf32>
    %sub3A_361 = vector.broadcast %get3A_360 : vector<1x128xf32> to vector<2048x128xf32>
    %sub3A_362 = arith.subf %sub3A_361, %broadcast_in_dim3A_2 : vector<2048x128xf32>
    %abs3A_363 = math.absf %sub3A_362 : vector<2048x128xf32>
    %lt3A_364 = arith.cmpf olt, %abs3A_363, %select_n3A_354 : vector<2048x128xf32>
    %select_n3A_365 = arith.select %lt3A_364, %abs3A_363, %select_n3A_354 : vector<2048x128xi1>, vector<2048x128xf32>
    %jit3A_366 = arith.constant 3.300000e+01 : f32
    %broadcast_in_dim3A_367 = vector.broadcast %jit3A_366 : f32 to vector<2048x128xf32>
    %select_n3A_368 = arith.select %lt3A_364, %broadcast_in_dim3A_367, %select_n3A_357 : vector<2048x128xi1>, vector<2048x128xf32>
    %get3A_369 = arith.constant 0 : index
    %get3A_370 = arith.constant 4352 : index
    %get3A_371 = vector.load %arg2[%get3A_369, %get3A_370] : memref<1x8192xf32, #tpu.memory_space<vmem>>, vector<1x128xf32>
    %sub3A_372 = vector.broadcast %get3A_371 : vector<1x128xf32> to vector<2048x128xf32>
    %sub3A_373 = arith.subf %sub3A_372, %broadcast_in_dim3A_2 : vector<2048x128xf32>
    %abs3A_374 = math.absf %sub3A_373 : vector<2048x128xf32>
    %lt3A_375 = arith.cmpf olt, %abs3A_374, %select_n3A_365 : vector<2048x128xf32>
    %select_n3A_376 = arith.select %lt3A_375, %abs3A_374, %select_n3A_365 : vector<2048x128xi1>, vector<2048x128xf32>
    %jit3A_377 = arith.constant 3.400000e+01 : f32
    %broadcast_in_dim3A_378 = vector.broadcast %jit3A_377 : f32 to vector<2048x128xf32>
    %select_n3A_379 = arith.select %lt3A_375, %broadcast_in_dim3A_378, %select_n3A_368 : vector<2048x128xi1>, vector<2048x128xf32>
    %get3A_380 = arith.constant 0 : index
    %get3A_381 = arith.constant 4480 : index
    %get3A_382 = vector.load %arg2[%get3A_380, %get3A_381] : memref<1x8192xf32, #tpu.memory_space<vmem>>, vector<1x128xf32>
    %sub3A_383 = vector.broadcast %get3A_382 : vector<1x128xf32> to vector<2048x128xf32>
    %sub3A_384 = arith.subf %sub3A_383, %broadcast_in_dim3A_2 : vector<2048x128xf32>
    %abs3A_385 = math.absf %sub3A_384 : vector<2048x128xf32>
    %lt3A_386 = arith.cmpf olt, %abs3A_385, %select_n3A_376 : vector<2048x128xf32>
    %select_n3A_387 = arith.select %lt3A_386, %abs3A_385, %select_n3A_376 : vector<2048x128xi1>, vector<2048x128xf32>
    %jit3A_388 = arith.constant 3.500000e+01 : f32
    %broadcast_in_dim3A_389 = vector.broadcast %jit3A_388 : f32 to vector<2048x128xf32>
    %select_n3A_390 = arith.select %lt3A_386, %broadcast_in_dim3A_389, %select_n3A_379 : vector<2048x128xi1>, vector<2048x128xf32>
    %get3A_391 = arith.constant 0 : index
    %get3A_392 = arith.constant 4608 : index
    %get3A_393 = vector.load %arg2[%get3A_391, %get3A_392] : memref<1x8192xf32, #tpu.memory_space<vmem>>, vector<1x128xf32>
    %sub3A_394 = vector.broadcast %get3A_393 : vector<1x128xf32> to vector<2048x128xf32>
    %sub3A_395 = arith.subf %sub3A_394, %broadcast_in_dim3A_2 : vector<2048x128xf32>
    %abs3A_396 = math.absf %sub3A_395 : vector<2048x128xf32>
    %lt3A_397 = arith.cmpf olt, %abs3A_396, %select_n3A_387 : vector<2048x128xf32>
    %select_n3A_398 = arith.select %lt3A_397, %abs3A_396, %select_n3A_387 : vector<2048x128xi1>, vector<2048x128xf32>
    %jit3A_399 = arith.constant 3.600000e+01 : f32
    %broadcast_in_dim3A_400 = vector.broadcast %jit3A_399 : f32 to vector<2048x128xf32>
    %select_n3A_401 = arith.select %lt3A_397, %broadcast_in_dim3A_400, %select_n3A_390 : vector<2048x128xi1>, vector<2048x128xf32>
    %get3A_402 = arith.constant 0 : index
    %get3A_403 = arith.constant 4736 : index
    %get3A_404 = vector.load %arg2[%get3A_402, %get3A_403] : memref<1x8192xf32, #tpu.memory_space<vmem>>, vector<1x128xf32>
    %sub3A_405 = vector.broadcast %get3A_404 : vector<1x128xf32> to vector<2048x128xf32>
    %sub3A_406 = arith.subf %sub3A_405, %broadcast_in_dim3A_2 : vector<2048x128xf32>
    %abs3A_407 = math.absf %sub3A_406 : vector<2048x128xf32>
    %lt3A_408 = arith.cmpf olt, %abs3A_407, %select_n3A_398 : vector<2048x128xf32>
    %select_n3A_409 = arith.select %lt3A_408, %abs3A_407, %select_n3A_398 : vector<2048x128xi1>, vector<2048x128xf32>
    %jit3A_410 = arith.constant 3.700000e+01 : f32
    %broadcast_in_dim3A_411 = vector.broadcast %jit3A_410 : f32 to vector<2048x128xf32>
    %select_n3A_412 = arith.select %lt3A_408, %broadcast_in_dim3A_411, %select_n3A_401 : vector<2048x128xi1>, vector<2048x128xf32>
    %get3A_413 = arith.constant 0 : index
    %get3A_414 = arith.constant 4864 : index
    %get3A_415 = vector.load %arg2[%get3A_413, %get3A_414] : memref<1x8192xf32, #tpu.memory_space<vmem>>, vector<1x128xf32>
    %sub3A_416 = vector.broadcast %get3A_415 : vector<1x128xf32> to vector<2048x128xf32>
    %sub3A_417 = arith.subf %sub3A_416, %broadcast_in_dim3A_2 : vector<2048x128xf32>
    %abs3A_418 = math.absf %sub3A_417 : vector<2048x128xf32>
    %lt3A_419 = arith.cmpf olt, %abs3A_418, %select_n3A_409 : vector<2048x128xf32>
    %select_n3A_420 = arith.select %lt3A_419, %abs3A_418, %select_n3A_409 : vector<2048x128xi1>, vector<2048x128xf32>
    %jit3A_421 = arith.constant 3.800000e+01 : f32
    %broadcast_in_dim3A_422 = vector.broadcast %jit3A_421 : f32 to vector<2048x128xf32>
    %select_n3A_423 = arith.select %lt3A_419, %broadcast_in_dim3A_422, %select_n3A_412 : vector<2048x128xi1>, vector<2048x128xf32>
    %get3A_424 = arith.constant 0 : index
    %get3A_425 = arith.constant 4992 : index
    %get3A_426 = vector.load %arg2[%get3A_424, %get3A_425] : memref<1x8192xf32, #tpu.memory_space<vmem>>, vector<1x128xf32>
    %sub3A_427 = vector.broadcast %get3A_426 : vector<1x128xf32> to vector<2048x128xf32>
    %sub3A_428 = arith.subf %sub3A_427, %broadcast_in_dim3A_2 : vector<2048x128xf32>
    %abs3A_429 = math.absf %sub3A_428 : vector<2048x128xf32>
    %lt3A_430 = arith.cmpf olt, %abs3A_429, %select_n3A_420 : vector<2048x128xf32>
    %select_n3A_431 = arith.select %lt3A_430, %abs3A_429, %select_n3A_420 : vector<2048x128xi1>, vector<2048x128xf32>
    %jit3A_432 = arith.constant 3.900000e+01 : f32
    %broadcast_in_dim3A_433 = vector.broadcast %jit3A_432 : f32 to vector<2048x128xf32>
    %select_n3A_434 = arith.select %lt3A_430, %broadcast_in_dim3A_433, %select_n3A_423 : vector<2048x128xi1>, vector<2048x128xf32>
    %get3A_435 = arith.constant 0 : index
    %get3A_436 = arith.constant 5120 : index
    %get3A_437 = vector.load %arg2[%get3A_435, %get3A_436] : memref<1x8192xf32, #tpu.memory_space<vmem>>, vector<1x128xf32>
    %sub3A_438 = vector.broadcast %get3A_437 : vector<1x128xf32> to vector<2048x128xf32>
    %sub3A_439 = arith.subf %sub3A_438, %broadcast_in_dim3A_2 : vector<2048x128xf32>
    %abs3A_440 = math.absf %sub3A_439 : vector<2048x128xf32>
    %lt3A_441 = arith.cmpf olt, %abs3A_440, %select_n3A_431 : vector<2048x128xf32>
    %select_n3A_442 = arith.select %lt3A_441, %abs3A_440, %select_n3A_431 : vector<2048x128xi1>, vector<2048x128xf32>
    %jit3A_443 = arith.constant 4.000000e+01 : f32
    %broadcast_in_dim3A_444 = vector.broadcast %jit3A_443 : f32 to vector<2048x128xf32>
    %select_n3A_445 = arith.select %lt3A_441, %broadcast_in_dim3A_444, %select_n3A_434 : vector<2048x128xi1>, vector<2048x128xf32>
    %get3A_446 = arith.constant 0 : index
    %get3A_447 = arith.constant 5248 : index
    %get3A_448 = vector.load %arg2[%get3A_446, %get3A_447] : memref<1x8192xf32, #tpu.memory_space<vmem>>, vector<1x128xf32>
    %sub3A_449 = vector.broadcast %get3A_448 : vector<1x128xf32> to vector<2048x128xf32>
    %sub3A_450 = arith.subf %sub3A_449, %broadcast_in_dim3A_2 : vector<2048x128xf32>
    %abs3A_451 = math.absf %sub3A_450 : vector<2048x128xf32>
    %lt3A_452 = arith.cmpf olt, %abs3A_451, %select_n3A_442 : vector<2048x128xf32>
    %select_n3A_453 = arith.select %lt3A_452, %abs3A_451, %select_n3A_442 : vector<2048x128xi1>, vector<2048x128xf32>
    %jit3A_454 = arith.constant 4.100000e+01 : f32
    %broadcast_in_dim3A_455 = vector.broadcast %jit3A_454 : f32 to vector<2048x128xf32>
    %select_n3A_456 = arith.select %lt3A_452, %broadcast_in_dim3A_455, %select_n3A_445 : vector<2048x128xi1>, vector<2048x128xf32>
    %get3A_457 = arith.constant 0 : index
    %get3A_458 = arith.constant 5376 : index
    %get3A_459 = vector.load %arg2[%get3A_457, %get3A_458] : memref<1x8192xf32, #tpu.memory_space<vmem>>, vector<1x128xf32>
    %sub3A_460 = vector.broadcast %get3A_459 : vector<1x128xf32> to vector<2048x128xf32>
    %sub3A_461 = arith.subf %sub3A_460, %broadcast_in_dim3A_2 : vector<2048x128xf32>
    %abs3A_462 = math.absf %sub3A_461 : vector<2048x128xf32>
    %lt3A_463 = arith.cmpf olt, %abs3A_462, %select_n3A_453 : vector<2048x128xf32>
    %select_n3A_464 = arith.select %lt3A_463, %abs3A_462, %select_n3A_453 : vector<2048x128xi1>, vector<2048x128xf32>
    %jit3A_465 = arith.constant 4.200000e+01 : f32
    %broadcast_in_dim3A_466 = vector.broadcast %jit3A_465 : f32 to vector<2048x128xf32>
    %select_n3A_467 = arith.select %lt3A_463, %broadcast_in_dim3A_466, %select_n3A_456 : vector<2048x128xi1>, vector<2048x128xf32>
    %get3A_468 = arith.constant 0 : index
    %get3A_469 = arith.constant 5504 : index
    %get3A_470 = vector.load %arg2[%get3A_468, %get3A_469] : memref<1x8192xf32, #tpu.memory_space<vmem>>, vector<1x128xf32>
    %sub3A_471 = vector.broadcast %get3A_470 : vector<1x128xf32> to vector<2048x128xf32>
    %sub3A_472 = arith.subf %sub3A_471, %broadcast_in_dim3A_2 : vector<2048x128xf32>
    %abs3A_473 = math.absf %sub3A_472 : vector<2048x128xf32>
    %lt3A_474 = arith.cmpf olt, %abs3A_473, %select_n3A_464 : vector<2048x128xf32>
    %select_n3A_475 = arith.select %lt3A_474, %abs3A_473, %select_n3A_464 : vector<2048x128xi1>, vector<2048x128xf32>
    %jit3A_476 = arith.constant 4.300000e+01 : f32
    %broadcast_in_dim3A_477 = vector.broadcast %jit3A_476 : f32 to vector<2048x128xf32>
    %select_n3A_478 = arith.select %lt3A_474, %broadcast_in_dim3A_477, %select_n3A_467 : vector<2048x128xi1>, vector<2048x128xf32>
    %get3A_479 = arith.constant 0 : index
    %get3A_480 = arith.constant 5632 : index
    %get3A_481 = vector.load %arg2[%get3A_479, %get3A_480] : memref<1x8192xf32, #tpu.memory_space<vmem>>, vector<1x128xf32>
    %sub3A_482 = vector.broadcast %get3A_481 : vector<1x128xf32> to vector<2048x128xf32>
    %sub3A_483 = arith.subf %sub3A_482, %broadcast_in_dim3A_2 : vector<2048x128xf32>
    %abs3A_484 = math.absf %sub3A_483 : vector<2048x128xf32>
    %lt3A_485 = arith.cmpf olt, %abs3A_484, %select_n3A_475 : vector<2048x128xf32>
    %select_n3A_486 = arith.select %lt3A_485, %abs3A_484, %select_n3A_475 : vector<2048x128xi1>, vector<2048x128xf32>
    %jit3A_487 = arith.constant 4.400000e+01 : f32
    %broadcast_in_dim3A_488 = vector.broadcast %jit3A_487 : f32 to vector<2048x128xf32>
    %select_n3A_489 = arith.select %lt3A_485, %broadcast_in_dim3A_488, %select_n3A_478 : vector<2048x128xi1>, vector<2048x128xf32>
    %get3A_490 = arith.constant 0 : index
    %get3A_491 = arith.constant 5760 : index
    %get3A_492 = vector.load %arg2[%get3A_490, %get3A_491] : memref<1x8192xf32, #tpu.memory_space<vmem>>, vector<1x128xf32>
    %sub3A_493 = vector.broadcast %get3A_492 : vector<1x128xf32> to vector<2048x128xf32>
    %sub3A_494 = arith.subf %sub3A_493, %broadcast_in_dim3A_2 : vector<2048x128xf32>
    %abs3A_495 = math.absf %sub3A_494 : vector<2048x128xf32>
    %lt3A_496 = arith.cmpf olt, %abs3A_495, %select_n3A_486 : vector<2048x128xf32>
    %select_n3A_497 = arith.select %lt3A_496, %abs3A_495, %select_n3A_486 : vector<2048x128xi1>, vector<2048x128xf32>
    %jit3A_498 = arith.constant 4.500000e+01 : f32
    %broadcast_in_dim3A_499 = vector.broadcast %jit3A_498 : f32 to vector<2048x128xf32>
    %select_n3A_500 = arith.select %lt3A_496, %broadcast_in_dim3A_499, %select_n3A_489 : vector<2048x128xi1>, vector<2048x128xf32>
    %get3A_501 = arith.constant 0 : index
    %get3A_502 = arith.constant 5888 : index
    %get3A_503 = vector.load %arg2[%get3A_501, %get3A_502] : memref<1x8192xf32, #tpu.memory_space<vmem>>, vector<1x128xf32>
    %sub3A_504 = vector.broadcast %get3A_503 : vector<1x128xf32> to vector<2048x128xf32>
    %sub3A_505 = arith.subf %sub3A_504, %broadcast_in_dim3A_2 : vector<2048x128xf32>
    %abs3A_506 = math.absf %sub3A_505 : vector<2048x128xf32>
    %lt3A_507 = arith.cmpf olt, %abs3A_506, %select_n3A_497 : vector<2048x128xf32>
    %select_n3A_508 = arith.select %lt3A_507, %abs3A_506, %select_n3A_497 : vector<2048x128xi1>, vector<2048x128xf32>
    %jit3A_509 = arith.constant 4.600000e+01 : f32
    %broadcast_in_dim3A_510 = vector.broadcast %jit3A_509 : f32 to vector<2048x128xf32>
    %select_n3A_511 = arith.select %lt3A_507, %broadcast_in_dim3A_510, %select_n3A_500 : vector<2048x128xi1>, vector<2048x128xf32>
    %get3A_512 = arith.constant 0 : index
    %get3A_513 = arith.constant 6016 : index
    %get3A_514 = vector.load %arg2[%get3A_512, %get3A_513] : memref<1x8192xf32, #tpu.memory_space<vmem>>, vector<1x128xf32>
    %sub3A_515 = vector.broadcast %get3A_514 : vector<1x128xf32> to vector<2048x128xf32>
    %sub3A_516 = arith.subf %sub3A_515, %broadcast_in_dim3A_2 : vector<2048x128xf32>
    %abs3A_517 = math.absf %sub3A_516 : vector<2048x128xf32>
    %lt3A_518 = arith.cmpf olt, %abs3A_517, %select_n3A_508 : vector<2048x128xf32>
    %select_n3A_519 = arith.select %lt3A_518, %abs3A_517, %select_n3A_508 : vector<2048x128xi1>, vector<2048x128xf32>
    %jit3A_520 = arith.constant 4.700000e+01 : f32
    %broadcast_in_dim3A_521 = vector.broadcast %jit3A_520 : f32 to vector<2048x128xf32>
    %select_n3A_522 = arith.select %lt3A_518, %broadcast_in_dim3A_521, %select_n3A_511 : vector<2048x128xi1>, vector<2048x128xf32>
    %get3A_523 = arith.constant 0 : index
    %get3A_524 = arith.constant 6144 : index
    %get3A_525 = vector.load %arg2[%get3A_523, %get3A_524] : memref<1x8192xf32, #tpu.memory_space<vmem>>, vector<1x128xf32>
    %sub3A_526 = vector.broadcast %get3A_525 : vector<1x128xf32> to vector<2048x128xf32>
    %sub3A_527 = arith.subf %sub3A_526, %broadcast_in_dim3A_2 : vector<2048x128xf32>
    %abs3A_528 = math.absf %sub3A_527 : vector<2048x128xf32>
    %lt3A_529 = arith.cmpf olt, %abs3A_528, %select_n3A_519 : vector<2048x128xf32>
    %select_n3A_530 = arith.select %lt3A_529, %abs3A_528, %select_n3A_519 : vector<2048x128xi1>, vector<2048x128xf32>
    %jit3A_531 = arith.constant 4.800000e+01 : f32
    %broadcast_in_dim3A_532 = vector.broadcast %jit3A_531 : f32 to vector<2048x128xf32>
    %select_n3A_533 = arith.select %lt3A_529, %broadcast_in_dim3A_532, %select_n3A_522 : vector<2048x128xi1>, vector<2048x128xf32>
    %get3A_534 = arith.constant 0 : index
    %get3A_535 = arith.constant 6272 : index
    %get3A_536 = vector.load %arg2[%get3A_534, %get3A_535] : memref<1x8192xf32, #tpu.memory_space<vmem>>, vector<1x128xf32>
    %sub3A_537 = vector.broadcast %get3A_536 : vector<1x128xf32> to vector<2048x128xf32>
    %sub3A_538 = arith.subf %sub3A_537, %broadcast_in_dim3A_2 : vector<2048x128xf32>
    %abs3A_539 = math.absf %sub3A_538 : vector<2048x128xf32>
    %lt3A_540 = arith.cmpf olt, %abs3A_539, %select_n3A_530 : vector<2048x128xf32>
    %select_n3A_541 = arith.select %lt3A_540, %abs3A_539, %select_n3A_530 : vector<2048x128xi1>, vector<2048x128xf32>
    %jit3A_542 = arith.constant 4.900000e+01 : f32
    %broadcast_in_dim3A_543 = vector.broadcast %jit3A_542 : f32 to vector<2048x128xf32>
    %select_n3A_544 = arith.select %lt3A_540, %broadcast_in_dim3A_543, %select_n3A_533 : vector<2048x128xi1>, vector<2048x128xf32>
    %get3A_545 = arith.constant 0 : index
    %get3A_546 = arith.constant 6400 : index
    %get3A_547 = vector.load %arg2[%get3A_545, %get3A_546] : memref<1x8192xf32, #tpu.memory_space<vmem>>, vector<1x128xf32>
    %sub3A_548 = vector.broadcast %get3A_547 : vector<1x128xf32> to vector<2048x128xf32>
    %sub3A_549 = arith.subf %sub3A_548, %broadcast_in_dim3A_2 : vector<2048x128xf32>
    %abs3A_550 = math.absf %sub3A_549 : vector<2048x128xf32>
    %lt3A_551 = arith.cmpf olt, %abs3A_550, %select_n3A_541 : vector<2048x128xf32>
    %select_n3A_552 = arith.select %lt3A_551, %abs3A_550, %select_n3A_541 : vector<2048x128xi1>, vector<2048x128xf32>
    %jit3A_553 = arith.constant 5.000000e+01 : f32
    %broadcast_in_dim3A_554 = vector.broadcast %jit3A_553 : f32 to vector<2048x128xf32>
    %select_n3A_555 = arith.select %lt3A_551, %broadcast_in_dim3A_554, %select_n3A_544 : vector<2048x128xi1>, vector<2048x128xf32>
    %get3A_556 = arith.constant 0 : index
    %get3A_557 = arith.constant 6528 : index
    %get3A_558 = vector.load %arg2[%get3A_556, %get3A_557] : memref<1x8192xf32, #tpu.memory_space<vmem>>, vector<1x128xf32>
    %sub3A_559 = vector.broadcast %get3A_558 : vector<1x128xf32> to vector<2048x128xf32>
    %sub3A_560 = arith.subf %sub3A_559, %broadcast_in_dim3A_2 : vector<2048x128xf32>
    %abs3A_561 = math.absf %sub3A_560 : vector<2048x128xf32>
    %lt3A_562 = arith.cmpf olt, %abs3A_561, %select_n3A_552 : vector<2048x128xf32>
    %select_n3A_563 = arith.select %lt3A_562, %abs3A_561, %select_n3A_552 : vector<2048x128xi1>, vector<2048x128xf32>
    %jit3A_564 = arith.constant 5.100000e+01 : f32
    %broadcast_in_dim3A_565 = vector.broadcast %jit3A_564 : f32 to vector<2048x128xf32>
    %select_n3A_566 = arith.select %lt3A_562, %broadcast_in_dim3A_565, %select_n3A_555 : vector<2048x128xi1>, vector<2048x128xf32>
    %get3A_567 = arith.constant 0 : index
    %get3A_568 = arith.constant 6656 : index
    %get3A_569 = vector.load %arg2[%get3A_567, %get3A_568] : memref<1x8192xf32, #tpu.memory_space<vmem>>, vector<1x128xf32>
    %sub3A_570 = vector.broadcast %get3A_569 : vector<1x128xf32> to vector<2048x128xf32>
    %sub3A_571 = arith.subf %sub3A_570, %broadcast_in_dim3A_2 : vector<2048x128xf32>
    %abs3A_572 = math.absf %sub3A_571 : vector<2048x128xf32>
    %lt3A_573 = arith.cmpf olt, %abs3A_572, %select_n3A_563 : vector<2048x128xf32>
    %select_n3A_574 = arith.select %lt3A_573, %abs3A_572, %select_n3A_563 : vector<2048x128xi1>, vector<2048x128xf32>
    %jit3A_575 = arith.constant 5.200000e+01 : f32
    %broadcast_in_dim3A_576 = vector.broadcast %jit3A_575 : f32 to vector<2048x128xf32>
    %select_n3A_577 = arith.select %lt3A_573, %broadcast_in_dim3A_576, %select_n3A_566 : vector<2048x128xi1>, vector<2048x128xf32>
    %get3A_578 = arith.constant 0 : index
    %get3A_579 = arith.constant 6784 : index
    %get3A_580 = vector.load %arg2[%get3A_578, %get3A_579] : memref<1x8192xf32, #tpu.memory_space<vmem>>, vector<1x128xf32>
    %sub3A_581 = vector.broadcast %get3A_580 : vector<1x128xf32> to vector<2048x128xf32>
    %sub3A_582 = arith.subf %sub3A_581, %broadcast_in_dim3A_2 : vector<2048x128xf32>
    %abs3A_583 = math.absf %sub3A_582 : vector<2048x128xf32>
    %lt3A_584 = arith.cmpf olt, %abs3A_583, %select_n3A_574 : vector<2048x128xf32>
    %select_n3A_585 = arith.select %lt3A_584, %abs3A_583, %select_n3A_574 : vector<2048x128xi1>, vector<2048x128xf32>
    %jit3A_586 = arith.constant 5.300000e+01 : f32
    %broadcast_in_dim3A_587 = vector.broadcast %jit3A_586 : f32 to vector<2048x128xf32>
    %select_n3A_588 = arith.select %lt3A_584, %broadcast_in_dim3A_587, %select_n3A_577 : vector<2048x128xi1>, vector<2048x128xf32>
    %get3A_589 = arith.constant 0 : index
    %get3A_590 = arith.constant 6912 : index
    %get3A_591 = vector.load %arg2[%get3A_589, %get3A_590] : memref<1x8192xf32, #tpu.memory_space<vmem>>, vector<1x128xf32>
    %sub3A_592 = vector.broadcast %get3A_591 : vector<1x128xf32> to vector<2048x128xf32>
    %sub3A_593 = arith.subf %sub3A_592, %broadcast_in_dim3A_2 : vector<2048x128xf32>
    %abs3A_594 = math.absf %sub3A_593 : vector<2048x128xf32>
    %lt3A_595 = arith.cmpf olt, %abs3A_594, %select_n3A_585 : vector<2048x128xf32>
    %select_n3A_596 = arith.select %lt3A_595, %abs3A_594, %select_n3A_585 : vector<2048x128xi1>, vector<2048x128xf32>
    %jit3A_597 = arith.constant 5.400000e+01 : f32
    %broadcast_in_dim3A_598 = vector.broadcast %jit3A_597 : f32 to vector<2048x128xf32>
    %select_n3A_599 = arith.select %lt3A_595, %broadcast_in_dim3A_598, %select_n3A_588 : vector<2048x128xi1>, vector<2048x128xf32>
    %get3A_600 = arith.constant 0 : index
    %get3A_601 = arith.constant 7040 : index
    %get3A_602 = vector.load %arg2[%get3A_600, %get3A_601] : memref<1x8192xf32, #tpu.memory_space<vmem>>, vector<1x128xf32>
    %sub3A_603 = vector.broadcast %get3A_602 : vector<1x128xf32> to vector<2048x128xf32>
    %sub3A_604 = arith.subf %sub3A_603, %broadcast_in_dim3A_2 : vector<2048x128xf32>
    %abs3A_605 = math.absf %sub3A_604 : vector<2048x128xf32>
    %lt3A_606 = arith.cmpf olt, %abs3A_605, %select_n3A_596 : vector<2048x128xf32>
    %select_n3A_607 = arith.select %lt3A_606, %abs3A_605, %select_n3A_596 : vector<2048x128xi1>, vector<2048x128xf32>
    %jit3A_608 = arith.constant 5.500000e+01 : f32
    %broadcast_in_dim3A_609 = vector.broadcast %jit3A_608 : f32 to vector<2048x128xf32>
    %select_n3A_610 = arith.select %lt3A_606, %broadcast_in_dim3A_609, %select_n3A_599 : vector<2048x128xi1>, vector<2048x128xf32>
    %get3A_611 = arith.constant 0 : index
    %get3A_612 = arith.constant 7168 : index
    %get3A_613 = vector.load %arg2[%get3A_611, %get3A_612] : memref<1x8192xf32, #tpu.memory_space<vmem>>, vector<1x128xf32>
    %sub3A_614 = vector.broadcast %get3A_613 : vector<1x128xf32> to vector<2048x128xf32>
    %sub3A_615 = arith.subf %sub3A_614, %broadcast_in_dim3A_2 : vector<2048x128xf32>
    %abs3A_616 = math.absf %sub3A_615 : vector<2048x128xf32>
    %lt3A_617 = arith.cmpf olt, %abs3A_616, %select_n3A_607 : vector<2048x128xf32>
    %select_n3A_618 = arith.select %lt3A_617, %abs3A_616, %select_n3A_607 : vector<2048x128xi1>, vector<2048x128xf32>
    %jit3A_619 = arith.constant 5.600000e+01 : f32
    %broadcast_in_dim3A_620 = vector.broadcast %jit3A_619 : f32 to vector<2048x128xf32>
    %select_n3A_621 = arith.select %lt3A_617, %broadcast_in_dim3A_620, %select_n3A_610 : vector<2048x128xi1>, vector<2048x128xf32>
    %get3A_622 = arith.constant 0 : index
    %get3A_623 = arith.constant 7296 : index
    %get3A_624 = vector.load %arg2[%get3A_622, %get3A_623] : memref<1x8192xf32, #tpu.memory_space<vmem>>, vector<1x128xf32>
    %sub3A_625 = vector.broadcast %get3A_624 : vector<1x128xf32> to vector<2048x128xf32>
    %sub3A_626 = arith.subf %sub3A_625, %broadcast_in_dim3A_2 : vector<2048x128xf32>
    %abs3A_627 = math.absf %sub3A_626 : vector<2048x128xf32>
    %lt3A_628 = arith.cmpf olt, %abs3A_627, %select_n3A_618 : vector<2048x128xf32>
    %select_n3A_629 = arith.select %lt3A_628, %abs3A_627, %select_n3A_618 : vector<2048x128xi1>, vector<2048x128xf32>
    %jit3A_630 = arith.constant 5.700000e+01 : f32
    %broadcast_in_dim3A_631 = vector.broadcast %jit3A_630 : f32 to vector<2048x128xf32>
    %select_n3A_632 = arith.select %lt3A_628, %broadcast_in_dim3A_631, %select_n3A_621 : vector<2048x128xi1>, vector<2048x128xf32>
    %get3A_633 = arith.constant 0 : index
    %get3A_634 = arith.constant 7424 : index
    %get3A_635 = vector.load %arg2[%get3A_633, %get3A_634] : memref<1x8192xf32, #tpu.memory_space<vmem>>, vector<1x128xf32>
    %sub3A_636 = vector.broadcast %get3A_635 : vector<1x128xf32> to vector<2048x128xf32>
    %sub3A_637 = arith.subf %sub3A_636, %broadcast_in_dim3A_2 : vector<2048x128xf32>
    %abs3A_638 = math.absf %sub3A_637 : vector<2048x128xf32>
    %lt3A_639 = arith.cmpf olt, %abs3A_638, %select_n3A_629 : vector<2048x128xf32>
    %select_n3A_640 = arith.select %lt3A_639, %abs3A_638, %select_n3A_629 : vector<2048x128xi1>, vector<2048x128xf32>
    %jit3A_641 = arith.constant 5.800000e+01 : f32
    %broadcast_in_dim3A_642 = vector.broadcast %jit3A_641 : f32 to vector<2048x128xf32>
    %select_n3A_643 = arith.select %lt3A_639, %broadcast_in_dim3A_642, %select_n3A_632 : vector<2048x128xi1>, vector<2048x128xf32>
    %get3A_644 = arith.constant 0 : index
    %get3A_645 = arith.constant 7552 : index
    %get3A_646 = vector.load %arg2[%get3A_644, %get3A_645] : memref<1x8192xf32, #tpu.memory_space<vmem>>, vector<1x128xf32>
    %sub3A_647 = vector.broadcast %get3A_646 : vector<1x128xf32> to vector<2048x128xf32>
    %sub3A_648 = arith.subf %sub3A_647, %broadcast_in_dim3A_2 : vector<2048x128xf32>
    %abs3A_649 = math.absf %sub3A_648 : vector<2048x128xf32>
    %lt3A_650 = arith.cmpf olt, %abs3A_649, %select_n3A_640 : vector<2048x128xf32>
    %select_n3A_651 = arith.select %lt3A_650, %abs3A_649, %select_n3A_640 : vector<2048x128xi1>, vector<2048x128xf32>
    %jit3A_652 = arith.constant 5.900000e+01 : f32
    %broadcast_in_dim3A_653 = vector.broadcast %jit3A_652 : f32 to vector<2048x128xf32>
    %select_n3A_654 = arith.select %lt3A_650, %broadcast_in_dim3A_653, %select_n3A_643 : vector<2048x128xi1>, vector<2048x128xf32>
    %get3A_655 = arith.constant 0 : index
    %get3A_656 = arith.constant 7680 : index
    %get3A_657 = vector.load %arg2[%get3A_655, %get3A_656] : memref<1x8192xf32, #tpu.memory_space<vmem>>, vector<1x128xf32>
    %sub3A_658 = vector.broadcast %get3A_657 : vector<1x128xf32> to vector<2048x128xf32>
    %sub3A_659 = arith.subf %sub3A_658, %broadcast_in_dim3A_2 : vector<2048x128xf32>
    %abs3A_660 = math.absf %sub3A_659 : vector<2048x128xf32>
    %lt3A_661 = arith.cmpf olt, %abs3A_660, %select_n3A_651 : vector<2048x128xf32>
    %select_n3A_662 = arith.select %lt3A_661, %abs3A_660, %select_n3A_651 : vector<2048x128xi1>, vector<2048x128xf32>
    %jit3A_663 = arith.constant 6.000000e+01 : f32
    %broadcast_in_dim3A_664 = vector.broadcast %jit3A_663 : f32 to vector<2048x128xf32>
    %select_n3A_665 = arith.select %lt3A_661, %broadcast_in_dim3A_664, %select_n3A_654 : vector<2048x128xi1>, vector<2048x128xf32>
    %get3A_666 = arith.constant 0 : index
    %get3A_667 = arith.constant 7808 : index
    %get3A_668 = vector.load %arg2[%get3A_666, %get3A_667] : memref<1x8192xf32, #tpu.memory_space<vmem>>, vector<1x128xf32>
    %sub3A_669 = vector.broadcast %get3A_668 : vector<1x128xf32> to vector<2048x128xf32>
    %sub3A_670 = arith.subf %sub3A_669, %broadcast_in_dim3A_2 : vector<2048x128xf32>
    %abs3A_671 = math.absf %sub3A_670 : vector<2048x128xf32>
    %lt3A_672 = arith.cmpf olt, %abs3A_671, %select_n3A_662 : vector<2048x128xf32>
    %select_n3A_673 = arith.select %lt3A_672, %abs3A_671, %select_n3A_662 : vector<2048x128xi1>, vector<2048x128xf32>
    %jit3A_674 = arith.constant 6.100000e+01 : f32
    %broadcast_in_dim3A_675 = vector.broadcast %jit3A_674 : f32 to vector<2048x128xf32>
    %select_n3A_676 = arith.select %lt3A_672, %broadcast_in_dim3A_675, %select_n3A_665 : vector<2048x128xi1>, vector<2048x128xf32>
    %get3A_677 = arith.constant 0 : index
    %get3A_678 = arith.constant 7936 : index
    %get3A_679 = vector.load %arg2[%get3A_677, %get3A_678] : memref<1x8192xf32, #tpu.memory_space<vmem>>, vector<1x128xf32>
    %sub3A_680 = vector.broadcast %get3A_679 : vector<1x128xf32> to vector<2048x128xf32>
    %sub3A_681 = arith.subf %sub3A_680, %broadcast_in_dim3A_2 : vector<2048x128xf32>
    %abs3A_682 = math.absf %sub3A_681 : vector<2048x128xf32>
    %lt3A_683 = arith.cmpf olt, %abs3A_682, %select_n3A_673 : vector<2048x128xf32>
    %select_n3A_684 = arith.select %lt3A_683, %abs3A_682, %select_n3A_673 : vector<2048x128xi1>, vector<2048x128xf32>
    %jit3A_685 = arith.constant 6.200000e+01 : f32
    %broadcast_in_dim3A_686 = vector.broadcast %jit3A_685 : f32 to vector<2048x128xf32>
    %select_n3A_687 = arith.select %lt3A_683, %broadcast_in_dim3A_686, %select_n3A_676 : vector<2048x128xi1>, vector<2048x128xf32>
    %get3A_688 = arith.constant 0 : index
    %get3A_689 = arith.constant 8064 : index
    %get3A_690 = vector.load %arg2[%get3A_688, %get3A_689] : memref<1x8192xf32, #tpu.memory_space<vmem>>, vector<1x128xf32>
    %sub3A_691 = vector.broadcast %get3A_690 : vector<1x128xf32> to vector<2048x128xf32>
    %sub3A_692 = arith.subf %sub3A_691, %broadcast_in_dim3A_2 : vector<2048x128xf32>
    %abs3A_693 = math.absf %sub3A_692 : vector<2048x128xf32>
    %lt3A_694 = arith.cmpf olt, %abs3A_693, %select_n3A_684 : vector<2048x128xf32>
    %select_n3A_695 = arith.select %lt3A_694, %abs3A_693, %select_n3A_684 : vector<2048x128xi1>, vector<2048x128xf32>
    %jit3A_696 = arith.constant 6.300000e+01 : f32
    %broadcast_in_dim3A_697 = vector.broadcast %jit3A_696 : f32 to vector<2048x128xf32>
    %select_n3A_698 = arith.select %lt3A_694, %broadcast_in_dim3A_697, %select_n3A_687 : vector<2048x128xi1>, vector<2048x128xf32>
    %reduce_min3A = arith.constant dense<0x7F800000> : vector<2048xf32>
    %reduce_min3A_699 = vector.multi_reduction <minimumf>, %select_n3A_695, %reduce_min3A [1] : vector<2048x128xf32> to vector<2048xf32>
    %broadcast_in_dim3A_700 = vector.shape_cast %reduce_min3A_699 : vector<2048xf32> to vector<2048x1xf32>
    %iota3A = tpu.iota {dimensions = array<i32: 1>} : vector<2048x128xi32>
    %convert_element_type3A = arith.sitofp %iota3A : vector<2048x128xi32> to vector<2048x128xf32>
    %mul3A = arith.constant 1.280000e+02 : f32
    %mul3A_701 = vector.broadcast %mul3A : f32 to vector<2048x128xf32>
    %mul3A_702 = arith.mulf %select_n3A_698, %mul3A_701 : vector<2048x128xf32>
    %add3A = arith.addf %mul3A_702, %convert_element_type3A : vector<2048x128xf32>
    %eq3A = vector.broadcast %broadcast_in_dim3A_700 : vector<2048x1xf32> to vector<2048x128xf32>
    %eq3A_703 = arith.cmpf oeq, %select_n3A_695, %eq3A : vector<2048x128xf32>
    %jit3A_704 = arith.constant 8.192000e+03 : f32
    %broadcast_in_dim3A_705 = vector.broadcast %jit3A_704 : f32 to vector<2048x128xf32>
    %select_n3A_706 = arith.select %eq3A_703, %add3A, %broadcast_in_dim3A_705 : vector<2048x128xi1>, vector<2048x128xf32>
    %reduce_min3A_707 = arith.constant dense<0x7F800000> : vector<2048xf32>
    %reduce_min3A_708 = vector.multi_reduction <minimumf>, %select_n3A_706, %reduce_min3A_707 [1] : vector<2048x128xf32> to vector<2048xf32>
    %convert_element_type3A_709 = arith.fptosi %reduce_min3A_708 : vector<2048xf32> to vector<2048xi32>
    %swap3A = arith.constant 0 : index
    %swap3A_710 = arith.constant 0 : index
    %swap3A_711 = arith.constant 0 : index
    %swap3A_712 = vector.load %arg3[%swap3A, %swap3A_710, %swap3A_711] : memref<1x1x2048xi32, #tpu.memory_space<vmem>>, vector<1x1x2048xi32>
    %swap3A_713 = vector.shape_cast %swap3A_712 : vector<1x1x2048xi32> to vector<2048xi32>
    %swap3A_714 = vector.shape_cast %convert_element_type3A_709 : vector<2048xi32> to vector<1x1x2048xi32>
    tpu.vector_store %arg3[%swap3A, %swap3A_710, %swap3A_711], %swap3A_714 {strides = array<i32>} : memref<1x1x2048xi32, #tpu.memory_space<vmem>>, vector<1x1x2048xi32>,
    return
  }
  func.func @transform_0(%arg0: i32) -> (i32, i32) {
    %c0_i32 = arith.constant 0 : i32
    %c0_i32_0 = arith.constant 0 : i32
    %c0_i32_1 = arith.constant 0 : i32
    return %c0_i32, %c0_i32_0 : i32, i32
  }
  func.func @transform_1(%arg0: i32) -> (i32, i32) {
    %c0_i32 = arith.constant 0 : i32
    %c0_i32_0 = arith.constant 0 : i32
    %c0_i32_1 = arith.constant 0 : i32
    return %c0_i32, %c0_i32_0 : i32, i32
  }
  func.func @transform_2(%arg0: i32) -> (i32, i32, i32) {
    %c0_i32 = arith.constant 0 : i32
    %c0_i32_0 = arith.constant 0 : i32
    %c0_i32_1 = arith.constant 0 : i32
    %c0_i32_2 = arith.constant 0 : i32
    return %c0_i32, %c0_i32_0, %c0_i32_1 : i32, i32, i32
  }
}

module attributes {stable_mosaic.version = 14 : i64} {
  func.func @_argmin_body(%arg0: i32, %arg1: memref<2048x1xf32, #tpu.memory_space<vmem>>, %arg2: memref<1x8192xf32, #tpu.memory_space<vmem>>, %arg3: memref<1x1x2048xi32, #tpu.memory_space<vmem>>) attributes {dimension_semantics = [#tpu.dimension_semantics<arbitrary>], iteration_bounds = array<i64: 1>, scalar_prefetch = 0 : i64, scratch_operands = 0 : i64, tpu.core_type = #tpu.core_type<tc>, window_params = [{transform_indices = @transform_0, window_bounds = array<i64: 2048, 1>}, {pipeline_mode = #tpu.pipeline_mode<synchronous>, transform_indices = @transform_1, window_bounds = array<i64: 1, 8192>}, {pipeline_mode = #tpu.pipeline_mode<synchronous>, transform_indices = @transform_2, window_bounds = array<i64: 1, 1, 2048>}]} {
    %get3A = arith.constant 0 : index
    %get3A_0 = arith.constant 0 : index
    %get3A_1 = vector.load %arg1[%get3A, %get3A_0] : memref<2048x1xf32, #tpu.memory_space<vmem>>, vector<2048x1xf32>
    %broadcast_in_dim3A = vector.shape_cast %get3A_1 : vector<2048x1xf32> to vector<2048x1xf32>
    %broadcast_in_dim3A_2 = vector.broadcast %broadcast_in_dim3A : vector<2048x1xf32> to vector<2048x128xf32>
    %get3A_3 = arith.constant 0 : index
    %get3A_4 = arith.constant 0 : index
    %get3A_5 = vector.load %arg2[%get3A_3, %get3A_4] : memref<1x8192xf32, #tpu.memory_space<vmem>>, vector<1x128xf32>
    %sub3A = vector.broadcast %get3A_5 : vector<1x128xf32> to vector<2048x128xf32>
    %sub3A_6 = arith.subf %sub3A, %broadcast_in_dim3A_2 : vector<2048x128xf32>
    %abs3A = math.absf %sub3A_6 : vector<2048x128xf32>
    %broadcast_in_dim3A_7 = arith.constant 0.000000e+00 : f32
    %broadcast_in_dim3A_8 = vector.broadcast %broadcast_in_dim3A_7 : f32 to vector<2048x128xf32>
    %get3A_9 = arith.constant 0 : index
    %get3A_10 = arith.constant 128 : index
    %get3A_11 = vector.load %arg2[%get3A_9, %get3A_10] : memref<1x8192xf32, #tpu.memory_space<vmem>>, vector<1x128xf32>
    %sub3A_12 = vector.broadcast %get3A_11 : vector<1x128xf32> to vector<2048x128xf32>
    %sub3A_13 = arith.subf %sub3A_12, %broadcast_in_dim3A_2 : vector<2048x128xf32>
    %abs3A_14 = math.absf %sub3A_13 : vector<2048x128xf32>
    %lt3A = arith.cmpf olt, %abs3A_14, %abs3A : vector<2048x128xf32>
    %select_n3A = arith.select %lt3A, %abs3A_14, %abs3A : vector<2048x128xi1>, vector<2048x128xf32>
    %jit3A = arith.constant 1.000000e+00 : f32
    %broadcast_in_dim3A_15 = vector.broadcast %jit3A : f32 to vector<2048x128xf32>
    %select_n3A_16 = arith.select %lt3A, %broadcast_in_dim3A_15, %broadcast_in_dim3A_8 : vector<2048x128xi1>, vector<2048x128xf32>
    %get3A_17 = arith.constant 0 : index
    %get3A_18 = arith.constant 256 : index
    %get3A_19 = vector.load %arg2[%get3A_17, %get3A_18] : memref<1x8192xf32, #tpu.memory_space<vmem>>, vector<1x128xf32>
    %sub3A_20 = vector.broadcast %get3A_19 : vector<1x128xf32> to vector<2048x128xf32>
    %sub3A_21 = arith.subf %sub3A_20, %broadcast_in_dim3A_2 : vector<2048x128xf32>
    %abs3A_22 = math.absf %sub3A_21 : vector<2048x128xf32>
    %lt3A_23 = arith.cmpf olt, %abs3A_22, %select_n3A : vector<2048x128xf32>
    %select_n3A_24 = arith.select %lt3A_23, %abs3A_22, %select_n3A : vector<2048x128xi1>, vector<2048x128xf32>
    %jit3A_25 = arith.constant 2.000000e+00 : f32
    %broadcast_in_dim3A_26 = vector.broadcast %jit3A_25 : f32 to vector<2048x128xf32>
    %select_n3A_27 = arith.select %lt3A_23, %broadcast_in_dim3A_26, %select_n3A_16 : vector<2048x128xi1>, vector<2048x128xf32>
    %get3A_28 = arith.constant 0 : index
    %get3A_29 = arith.constant 384 : index
    %get3A_30 = vector.load %arg2[%get3A_28, %get3A_29] : memref<1x8192xf32, #tpu.memory_space<vmem>>, vector<1x128xf32>
    %sub3A_31 = vector.broadcast %get3A_30 : vector<1x128xf32> to vector<2048x128xf32>
    %sub3A_32 = arith.subf %sub3A_31, %broadcast_in_dim3A_2 : vector<2048x128xf32>
    %abs3A_33 = math.absf %sub3A_32 : vector<2048x128xf32>
    %lt3A_34 = arith.cmpf olt, %abs3A_33, %select_n3A_24 : vector<2048x128xf32>
    %select_n3A_35 = arith.select %lt3A_34, %abs3A_33, %select_n3A_24 : vector<2048x128xi1>, vector<2048x128xf32>
    %jit3A_36 = arith.constant 3.000000e+00 : f32
    %broadcast_in_dim3A_37 = vector.broadcast %jit3A_36 : f32 to vector<2048x128xf32>
    %select_n3A_38 = arith.select %lt3A_34, %broadcast_in_dim3A_37, %select_n3A_27 : vector<2048x128xi1>, vector<2048x128xf32>
    %get3A_39 = arith.constant 0 : index
    %get3A_40 = arith.constant 512 : index
    %get3A_41 = vector.load %arg2[%get3A_39, %get3A_40] : memref<1x8192xf32, #tpu.memory_space<vmem>>, vector<1x128xf32>
    %sub3A_42 = vector.broadcast %get3A_41 : vector<1x128xf32> to vector<2048x128xf32>
    %sub3A_43 = arith.subf %sub3A_42, %broadcast_in_dim3A_2 : vector<2048x128xf32>
    %abs3A_44 = math.absf %sub3A_43 : vector<2048x128xf32>
    %lt3A_45 = arith.cmpf olt, %abs3A_44, %select_n3A_35 : vector<2048x128xf32>
    %select_n3A_46 = arith.select %lt3A_45, %abs3A_44, %select_n3A_35 : vector<2048x128xi1>, vector<2048x128xf32>
    %jit3A_47 = arith.constant 4.000000e+00 : f32
    %broadcast_in_dim3A_48 = vector.broadcast %jit3A_47 : f32 to vector<2048x128xf32>
    %select_n3A_49 = arith.select %lt3A_45, %broadcast_in_dim3A_48, %select_n3A_38 : vector<2048x128xi1>, vector<2048x128xf32>
    %get3A_50 = arith.constant 0 : index
    %get3A_51 = arith.constant 640 : index
    %get3A_52 = vector.load %arg2[%get3A_50, %get3A_51] : memref<1x8192xf32, #tpu.memory_space<vmem>>, vector<1x128xf32>
    %sub3A_53 = vector.broadcast %get3A_52 : vector<1x128xf32> to vector<2048x128xf32>
    %sub3A_54 = arith.subf %sub3A_53, %broadcast_in_dim3A_2 : vector<2048x128xf32>
    %abs3A_55 = math.absf %sub3A_54 : vector<2048x128xf32>
    %lt3A_56 = arith.cmpf olt, %abs3A_55, %select_n3A_46 : vector<2048x128xf32>
    %select_n3A_57 = arith.select %lt3A_56, %abs3A_55, %select_n3A_46 : vector<2048x128xi1>, vector<2048x128xf32>
    %jit3A_58 = arith.constant 5.000000e+00 : f32
    %broadcast_in_dim3A_59 = vector.broadcast %jit3A_58 : f32 to vector<2048x128xf32>
    %select_n3A_60 = arith.select %lt3A_56, %broadcast_in_dim3A_59, %select_n3A_49 : vector<2048x128xi1>, vector<2048x128xf32>
    %get3A_61 = arith.constant 0 : index
    %get3A_62 = arith.constant 768 : index
    %get3A_63 = vector.load %arg2[%get3A_61, %get3A_62] : memref<1x8192xf32, #tpu.memory_space<vmem>>, vector<1x128xf32>
    %sub3A_64 = vector.broadcast %get3A_63 : vector<1x128xf32> to vector<2048x128xf32>
    %sub3A_65 = arith.subf %sub3A_64, %broadcast_in_dim3A_2 : vector<2048x128xf32>
    %abs3A_66 = math.absf %sub3A_65 : vector<2048x128xf32>
    %lt3A_67 = arith.cmpf olt, %abs3A_66, %select_n3A_57 : vector<2048x128xf32>
    %select_n3A_68 = arith.select %lt3A_67, %abs3A_66, %select_n3A_57 : vector<2048x128xi1>, vector<2048x128xf32>
    %jit3A_69 = arith.constant 6.000000e+00 : f32
    %broadcast_in_dim3A_70 = vector.broadcast %jit3A_69 : f32 to vector<2048x128xf32>
    %select_n3A_71 = arith.select %lt3A_67, %broadcast_in_dim3A_70, %select_n3A_60 : vector<2048x128xi1>, vector<2048x128xf32>
    %get3A_72 = arith.constant 0 : index
    %get3A_73 = arith.constant 896 : index
    %get3A_74 = vector.load %arg2[%get3A_72, %get3A_73] : memref<1x8192xf32, #tpu.memory_space<vmem>>, vector<1x128xf32>
    %sub3A_75 = vector.broadcast %get3A_74 : vector<1x128xf32> to vector<2048x128xf32>
    %sub3A_76 = arith.subf %sub3A_75, %broadcast_in_dim3A_2 : vector<2048x128xf32>
    %abs3A_77 = math.absf %sub3A_76 : vector<2048x128xf32>
    %lt3A_78 = arith.cmpf olt, %abs3A_77, %select_n3A_68 : vector<2048x128xf32>
    %select_n3A_79 = arith.select %lt3A_78, %abs3A_77, %select_n3A_68 : vector<2048x128xi1>, vector<2048x128xf32>
    %jit3A_80 = arith.constant 7.000000e+00 : f32
    %broadcast_in_dim3A_81 = vector.broadcast %jit3A_80 : f32 to vector<2048x128xf32>
    %select_n3A_82 = arith.select %lt3A_78, %broadcast_in_dim3A_81, %select_n3A_71 : vector<2048x128xi1>, vector<2048x128xf32>
    %get3A_83 = arith.constant 0 : index
    %get3A_84 = arith.constant 1024 : index
    %get3A_85 = vector.load %arg2[%get3A_83, %get3A_84] : memref<1x8192xf32, #tpu.memory_space<vmem>>, vector<1x128xf32>
    %sub3A_86 = vector.broadcast %get3A_85 : vector<1x128xf32> to vector<2048x128xf32>
    %sub3A_87 = arith.subf %sub3A_86, %broadcast_in_dim3A_2 : vector<2048x128xf32>
    %abs3A_88 = math.absf %sub3A_87 : vector<2048x128xf32>
    %lt3A_89 = arith.cmpf olt, %abs3A_88, %select_n3A_79 : vector<2048x128xf32>
    %select_n3A_90 = arith.select %lt3A_89, %abs3A_88, %select_n3A_79 : vector<2048x128xi1>, vector<2048x128xf32>
    %jit3A_91 = arith.constant 8.000000e+00 : f32
    %broadcast_in_dim3A_92 = vector.broadcast %jit3A_91 : f32 to vector<2048x128xf32>
    %select_n3A_93 = arith.select %lt3A_89, %broadcast_in_dim3A_92, %select_n3A_82 : vector<2048x128xi1>, vector<2048x128xf32>
    %get3A_94 = arith.constant 0 : index
    %get3A_95 = arith.constant 1152 : index
    %get3A_96 = vector.load %arg2[%get3A_94, %get3A_95] : memref<1x8192xf32, #tpu.memory_space<vmem>>, vector<1x128xf32>
    %sub3A_97 = vector.broadcast %get3A_96 : vector<1x128xf32> to vector<2048x128xf32>
    %sub3A_98 = arith.subf %sub3A_97, %broadcast_in_dim3A_2 : vector<2048x128xf32>
    %abs3A_99 = math.absf %sub3A_98 : vector<2048x128xf32>
    %lt3A_100 = arith.cmpf olt, %abs3A_99, %select_n3A_90 : vector<2048x128xf32>
    %select_n3A_101 = arith.select %lt3A_100, %abs3A_99, %select_n3A_90 : vector<2048x128xi1>, vector<2048x128xf32>
    %jit3A_102 = arith.constant 9.000000e+00 : f32
    %broadcast_in_dim3A_103 = vector.broadcast %jit3A_102 : f32 to vector<2048x128xf32>
    %select_n3A_104 = arith.select %lt3A_100, %broadcast_in_dim3A_103, %select_n3A_93 : vector<2048x128xi1>, vector<2048x128xf32>
    %get3A_105 = arith.constant 0 : index
    %get3A_106 = arith.constant 1280 : index
    %get3A_107 = vector.load %arg2[%get3A_105, %get3A_106] : memref<1x8192xf32, #tpu.memory_space<vmem>>, vector<1x128xf32>
    %sub3A_108 = vector.broadcast %get3A_107 : vector<1x128xf32> to vector<2048x128xf32>
    %sub3A_109 = arith.subf %sub3A_108, %broadcast_in_dim3A_2 : vector<2048x128xf32>
    %abs3A_110 = math.absf %sub3A_109 : vector<2048x128xf32>
    %lt3A_111 = arith.cmpf olt, %abs3A_110, %select_n3A_101 : vector<2048x128xf32>
    %select_n3A_112 = arith.select %lt3A_111, %abs3A_110, %select_n3A_101 : vector<2048x128xi1>, vector<2048x128xf32>
    %jit3A_113 = arith.constant 1.000000e+01 : f32
    %broadcast_in_dim3A_114 = vector.broadcast %jit3A_113 : f32 to vector<2048x128xf32>
    %select_n3A_115 = arith.select %lt3A_111, %broadcast_in_dim3A_114, %select_n3A_104 : vector<2048x128xi1>, vector<2048x128xf32>
    %get3A_116 = arith.constant 0 : index
    %get3A_117 = arith.constant 1408 : index
    %get3A_118 = vector.load %arg2[%get3A_116, %get3A_117] : memref<1x8192xf32, #tpu.memory_space<vmem>>, vector<1x128xf32>
    %sub3A_119 = vector.broadcast %get3A_118 : vector<1x128xf32> to vector<2048x128xf32>
    %sub3A_120 = arith.subf %sub3A_119, %broadcast_in_dim3A_2 : vector<2048x128xf32>
    %abs3A_121 = math.absf %sub3A_120 : vector<2048x128xf32>
    %lt3A_122 = arith.cmpf olt, %abs3A_121, %select_n3A_112 : vector<2048x128xf32>
    %select_n3A_123 = arith.select %lt3A_122, %abs3A_121, %select_n3A_112 : vector<2048x128xi1>, vector<2048x128xf32>
    %jit3A_124 = arith.constant 1.100000e+01 : f32
    %broadcast_in_dim3A_125 = vector.broadcast %jit3A_124 : f32 to vector<2048x128xf32>
    %select_n3A_126 = arith.select %lt3A_122, %broadcast_in_dim3A_125, %select_n3A_115 : vector<2048x128xi1>, vector<2048x128xf32>
    %get3A_127 = arith.constant 0 : index
    %get3A_128 = arith.constant 1536 : index
    %get3A_129 = vector.load %arg2[%get3A_127, %get3A_128] : memref<1x8192xf32, #tpu.memory_space<vmem>>, vector<1x128xf32>
    %sub3A_130 = vector.broadcast %get3A_129 : vector<1x128xf32> to vector<2048x128xf32>
    %sub3A_131 = arith.subf %sub3A_130, %broadcast_in_dim3A_2 : vector<2048x128xf32>
    %abs3A_132 = math.absf %sub3A_131 : vector<2048x128xf32>
    %lt3A_133 = arith.cmpf olt, %abs3A_132, %select_n3A_123 : vector<2048x128xf32>
    %select_n3A_134 = arith.select %lt3A_133, %abs3A_132, %select_n3A_123 : vector<2048x128xi1>, vector<2048x128xf32>
    %jit3A_135 = arith.constant 1.200000e+01 : f32
    %broadcast_in_dim3A_136 = vector.broadcast %jit3A_135 : f32 to vector<2048x128xf32>
    %select_n3A_137 = arith.select %lt3A_133, %broadcast_in_dim3A_136, %select_n3A_126 : vector<2048x128xi1>, vector<2048x128xf32>
    %get3A_138 = arith.constant 0 : index
    %get3A_139 = arith.constant 1664 : index
    %get3A_140 = vector.load %arg2[%get3A_138, %get3A_139] : memref<1x8192xf32, #tpu.memory_space<vmem>>, vector<1x128xf32>
    %sub3A_141 = vector.broadcast %get3A_140 : vector<1x128xf32> to vector<2048x128xf32>
    %sub3A_142 = arith.subf %sub3A_141, %broadcast_in_dim3A_2 : vector<2048x128xf32>
    %abs3A_143 = math.absf %sub3A_142 : vector<2048x128xf32>
    %lt3A_144 = arith.cmpf olt, %abs3A_143, %select_n3A_134 : vector<2048x128xf32>
    %select_n3A_145 = arith.select %lt3A_144, %abs3A_143, %select_n3A_134 : vector<2048x128xi1>, vector<2048x128xf32>
    %jit3A_146 = arith.constant 1.300000e+01 : f32
    %broadcast_in_dim3A_147 = vector.broadcast %jit3A_146 : f32 to vector<2048x128xf32>
    %select_n3A_148 = arith.select %lt3A_144, %broadcast_in_dim3A_147, %select_n3A_137 : vector<2048x128xi1>, vector<2048x128xf32>
    %get3A_149 = arith.constant 0 : index
    %get3A_150 = arith.constant 1792 : index
    %get3A_151 = vector.load %arg2[%get3A_149, %get3A_150] : memref<1x8192xf32, #tpu.memory_space<vmem>>, vector<1x128xf32>
    %sub3A_152 = vector.broadcast %get3A_151 : vector<1x128xf32> to vector<2048x128xf32>
    %sub3A_153 = arith.subf %sub3A_152, %broadcast_in_dim3A_2 : vector<2048x128xf32>
    %abs3A_154 = math.absf %sub3A_153 : vector<2048x128xf32>
    %lt3A_155 = arith.cmpf olt, %abs3A_154, %select_n3A_145 : vector<2048x128xf32>
    %select_n3A_156 = arith.select %lt3A_155, %abs3A_154, %select_n3A_145 : vector<2048x128xi1>, vector<2048x128xf32>
    %jit3A_157 = arith.constant 1.400000e+01 : f32
    %broadcast_in_dim3A_158 = vector.broadcast %jit3A_157 : f32 to vector<2048x128xf32>
    %select_n3A_159 = arith.select %lt3A_155, %broadcast_in_dim3A_158, %select_n3A_148 : vector<2048x128xi1>, vector<2048x128xf32>
    %get3A_160 = arith.constant 0 : index
    %get3A_161 = arith.constant 1920 : index
    %get3A_162 = vector.load %arg2[%get3A_160, %get3A_161] : memref<1x8192xf32, #tpu.memory_space<vmem>>, vector<1x128xf32>
    %sub3A_163 = vector.broadcast %get3A_162 : vector<1x128xf32> to vector<2048x128xf32>
    %sub3A_164 = arith.subf %sub3A_163, %broadcast_in_dim3A_2 : vector<2048x128xf32>
    %abs3A_165 = math.absf %sub3A_164 : vector<2048x128xf32>
    %lt3A_166 = arith.cmpf olt, %abs3A_165, %select_n3A_156 : vector<2048x128xf32>
    %select_n3A_167 = arith.select %lt3A_166, %abs3A_165, %select_n3A_156 : vector<2048x128xi1>, vector<2048x128xf32>
    %jit3A_168 = arith.constant 1.500000e+01 : f32
    %broadcast_in_dim3A_169 = vector.broadcast %jit3A_168 : f32 to vector<2048x128xf32>
    %select_n3A_170 = arith.select %lt3A_166, %broadcast_in_dim3A_169, %select_n3A_159 : vector<2048x128xi1>, vector<2048x128xf32>
    %get3A_171 = arith.constant 0 : index
    %get3A_172 = arith.constant 2048 : index
    %get3A_173 = vector.load %arg2[%get3A_171, %get3A_172] : memref<1x8192xf32, #tpu.memory_space<vmem>>, vector<1x128xf32>
    %sub3A_174 = vector.broadcast %get3A_173 : vector<1x128xf32> to vector<2048x128xf32>
    %sub3A_175 = arith.subf %sub3A_174, %broadcast_in_dim3A_2 : vector<2048x128xf32>
    %abs3A_176 = math.absf %sub3A_175 : vector<2048x128xf32>
    %lt3A_177 = arith.cmpf olt, %abs3A_176, %select_n3A_167 : vector<2048x128xf32>
    %select_n3A_178 = arith.select %lt3A_177, %abs3A_176, %select_n3A_167 : vector<2048x128xi1>, vector<2048x128xf32>
    %jit3A_179 = arith.constant 1.600000e+01 : f32
    %broadcast_in_dim3A_180 = vector.broadcast %jit3A_179 : f32 to vector<2048x128xf32>
    %select_n3A_181 = arith.select %lt3A_177, %broadcast_in_dim3A_180, %select_n3A_170 : vector<2048x128xi1>, vector<2048x128xf32>
    %get3A_182 = arith.constant 0 : index
    %get3A_183 = arith.constant 2176 : index
    %get3A_184 = vector.load %arg2[%get3A_182, %get3A_183] : memref<1x8192xf32, #tpu.memory_space<vmem>>, vector<1x128xf32>
    %sub3A_185 = vector.broadcast %get3A_184 : vector<1x128xf32> to vector<2048x128xf32>
    %sub3A_186 = arith.subf %sub3A_185, %broadcast_in_dim3A_2 : vector<2048x128xf32>
    %abs3A_187 = math.absf %sub3A_186 : vector<2048x128xf32>
    %lt3A_188 = arith.cmpf olt, %abs3A_187, %select_n3A_178 : vector<2048x128xf32>
    %select_n3A_189 = arith.select %lt3A_188, %abs3A_187, %select_n3A_178 : vector<2048x128xi1>, vector<2048x128xf32>
    %jit3A_190 = arith.constant 1.700000e+01 : f32
    %broadcast_in_dim3A_191 = vector.broadcast %jit3A_190 : f32 to vector<2048x128xf32>
    %select_n3A_192 = arith.select %lt3A_188, %broadcast_in_dim3A_191, %select_n3A_181 : vector<2048x128xi1>, vector<2048x128xf32>
    %get3A_193 = arith.constant 0 : index
    %get3A_194 = arith.constant 2304 : index
    %get3A_195 = vector.load %arg2[%get3A_193, %get3A_194] : memref<1x8192xf32, #tpu.memory_space<vmem>>, vector<1x128xf32>
    %sub3A_196 = vector.broadcast %get3A_195 : vector<1x128xf32> to vector<2048x128xf32>
    %sub3A_197 = arith.subf %sub3A_196, %broadcast_in_dim3A_2 : vector<2048x128xf32>
    %abs3A_198 = math.absf %sub3A_197 : vector<2048x128xf32>
    %lt3A_199 = arith.cmpf olt, %abs3A_198, %select_n3A_189 : vector<2048x128xf32>
    %select_n3A_200 = arith.select %lt3A_199, %abs3A_198, %select_n3A_189 : vector<2048x128xi1>, vector<2048x128xf32>
    %jit3A_201 = arith.constant 1.800000e+01 : f32
    %broadcast_in_dim3A_202 = vector.broadcast %jit3A_201 : f32 to vector<2048x128xf32>
    %select_n3A_203 = arith.select %lt3A_199, %broadcast_in_dim3A_202, %select_n3A_192 : vector<2048x128xi1>, vector<2048x128xf32>
    %get3A_204 = arith.constant 0 : index
    %get3A_205 = arith.constant 2432 : index
    %get3A_206 = vector.load %arg2[%get3A_204, %get3A_205] : memref<1x8192xf32, #tpu.memory_space<vmem>>, vector<1x128xf32>
    %sub3A_207 = vector.broadcast %get3A_206 : vector<1x128xf32> to vector<2048x128xf32>
    %sub3A_208 = arith.subf %sub3A_207, %broadcast_in_dim3A_2 : vector<2048x128xf32>
    %abs3A_209 = math.absf %sub3A_208 : vector<2048x128xf32>
    %lt3A_210 = arith.cmpf olt, %abs3A_209, %select_n3A_200 : vector<2048x128xf32>
    %select_n3A_211 = arith.select %lt3A_210, %abs3A_209, %select_n3A_200 : vector<2048x128xi1>, vector<2048x128xf32>
    %jit3A_212 = arith.constant 1.900000e+01 : f32
    %broadcast_in_dim3A_213 = vector.broadcast %jit3A_212 : f32 to vector<2048x128xf32>
    %select_n3A_214 = arith.select %lt3A_210, %broadcast_in_dim3A_213, %select_n3A_203 : vector<2048x128xi1>, vector<2048x128xf32>
    %get3A_215 = arith.constant 0 : index
    %get3A_216 = arith.constant 2560 : index
    %get3A_217 = vector.load %arg2[%get3A_215, %get3A_216] : memref<1x8192xf32, #tpu.memory_space<vmem>>, vector<1x128xf32>
    %sub3A_218 = vector.broadcast %get3A_217 : vector<1x128xf32> to vector<2048x128xf32>
    %sub3A_219 = arith.subf %sub3A_218, %broadcast_in_dim3A_2 : vector<2048x128xf32>
    %abs3A_220 = math.absf %sub3A_219 : vector<2048x128xf32>
    %lt3A_221 = arith.cmpf olt, %abs3A_220, %select_n3A_211 : vector<2048x128xf32>
    %select_n3A_222 = arith.select %lt3A_221, %abs3A_220, %select_n3A_211 : vector<2048x128xi1>, vector<2048x128xf32>
    %jit3A_223 = arith.constant 2.000000e+01 : f32
    %broadcast_in_dim3A_224 = vector.broadcast %jit3A_223 : f32 to vector<2048x128xf32>
    %select_n3A_225 = arith.select %lt3A_221, %broadcast_in_dim3A_224, %select_n3A_214 : vector<2048x128xi1>, vector<2048x128xf32>
    %get3A_226 = arith.constant 0 : index
    %get3A_227 = arith.constant 2688 : index
    %get3A_228 = vector.load %arg2[%get3A_226, %get3A_227] : memref<1x8192xf32, #tpu.memory_space<vmem>>, vector<1x128xf32>
    %sub3A_229 = vector.broadcast %get3A_228 : vector<1x128xf32> to vector<2048x128xf32>
    %sub3A_230 = arith.subf %sub3A_229, %broadcast_in_dim3A_2 : vector<2048x128xf32>
    %abs3A_231 = math.absf %sub3A_230 : vector<2048x128xf32>
    %lt3A_232 = arith.cmpf olt, %abs3A_231, %select_n3A_222 : vector<2048x128xf32>
    %select_n3A_233 = arith.select %lt3A_232, %abs3A_231, %select_n3A_222 : vector<2048x128xi1>, vector<2048x128xf32>
    %jit3A_234 = arith.constant 2.100000e+01 : f32
    %broadcast_in_dim3A_235 = vector.broadcast %jit3A_234 : f32 to vector<2048x128xf32>
    %select_n3A_236 = arith.select %lt3A_232, %broadcast_in_dim3A_235, %select_n3A_225 : vector<2048x128xi1>, vector<2048x128xf32>
    %get3A_237 = arith.constant 0 : index
    %get3A_238 = arith.constant 2816 : index
    %get3A_239 = vector.load %arg2[%get3A_237, %get3A_238] : memref<1x8192xf32, #tpu.memory_space<vmem>>, vector<1x128xf32>
    %sub3A_240 = vector.broadcast %get3A_239 : vector<1x128xf32> to vector<2048x128xf32>
    %sub3A_241 = arith.subf %sub3A_240, %broadcast_in_dim3A_2 : vector<2048x128xf32>
    %abs3A_242 = math.absf %sub3A_241 : vector<2048x128xf32>
    %lt3A_243 = arith.cmpf olt, %abs3A_242, %select_n3A_233 : vector<2048x128xf32>
    %select_n3A_244 = arith.select %lt3A_243, %abs3A_242, %select_n3A_233 : vector<2048x128xi1>, vector<2048x128xf32>
    %jit3A_245 = arith.constant 2.200000e+01 : f32
    %broadcast_in_dim3A_246 = vector.broadcast %jit3A_245 : f32 to vector<2048x128xf32>
    %select_n3A_247 = arith.select %lt3A_243, %broadcast_in_dim3A_246, %select_n3A_236 : vector<2048x128xi1>, vector<2048x128xf32>
    %get3A_248 = arith.constant 0 : index
    %get3A_249 = arith.constant 2944 : index
    %get3A_250 = vector.load %arg2[%get3A_248, %get3A_249] : memref<1x8192xf32, #tpu.memory_space<vmem>>, vector<1x128xf32>
    %sub3A_251 = vector.broadcast %get3A_250 : vector<1x128xf32> to vector<2048x128xf32>
    %sub3A_252 = arith.subf %sub3A_251, %broadcast_in_dim3A_2 : vector<2048x128xf32>
    %abs3A_253 = math.absf %sub3A_252 : vector<2048x128xf32>
    %lt3A_254 = arith.cmpf olt, %abs3A_253, %select_n3A_244 : vector<2048x128xf32>
    %select_n3A_255 = arith.select %lt3A_254, %abs3A_253, %select_n3A_244 : vector<2048x128xi1>, vector<2048x128xf32>
    %jit3A_256 = arith.constant 2.300000e+01 : f32
    %broadcast_in_dim3A_257 = vector.broadcast %jit3A_256 : f32 to vector<2048x128xf32>
    %select_n3A_258 = arith.select %lt3A_254, %broadcast_in_dim3A_257, %select_n3A_247 : vector<2048x128xi1>, vector<2048x128xf32>
    %get3A_259 = arith.constant 0 : index
    %get3A_260 = arith.constant 3072 : index
    %get3A_261 = vector.load %arg2[%get3A_259, %get3A_260] : memref<1x8192xf32, #tpu.memory_space<vmem>>, vector<1x128xf32>
    %sub3A_262 = vector.broadcast %get3A_261 : vector<1x128xf32> to vector<2048x128xf32>
    %sub3A_263 = arith.subf %sub3A_262, %broadcast_in_dim3A_2 : vector<2048x128xf32>
    %abs3A_264 = math.absf %sub3A_263 : vector<2048x128xf32>
    %lt3A_265 = arith.cmpf olt, %abs3A_264, %select_n3A_255 : vector<2048x128xf32>
    %select_n3A_266 = arith.select %lt3A_265, %abs3A_264, %select_n3A_255 : vector<2048x128xi1>, vector<2048x128xf32>
    %jit3A_267 = arith.constant 2.400000e+01 : f32
    %broadcast_in_dim3A_268 = vector.broadcast %jit3A_267 : f32 to vector<2048x128xf32>
    %select_n3A_269 = arith.select %lt3A_265, %broadcast_in_dim3A_268, %select_n3A_258 : vector<2048x128xi1>, vector<2048x128xf32>
    %get3A_270 = arith.constant 0 : index
    %get3A_271 = arith.constant 3200 : index
    %get3A_272 = vector.load %arg2[%get3A_270, %get3A_271] : memref<1x8192xf32, #tpu.memory_space<vmem>>, vector<1x128xf32>
    %sub3A_273 = vector.broadcast %get3A_272 : vector<1x128xf32> to vector<2048x128xf32>
    %sub3A_274 = arith.subf %sub3A_273, %broadcast_in_dim3A_2 : vector<2048x128xf32>
    %abs3A_275 = math.absf %sub3A_274 : vector<2048x128xf32>
    %lt3A_276 = arith.cmpf olt, %abs3A_275, %select_n3A_266 : vector<2048x128xf32>
    %select_n3A_277 = arith.select %lt3A_276, %abs3A_275, %select_n3A_266 : vector<2048x128xi1>, vector<2048x128xf32>
    %jit3A_278 = arith.constant 2.500000e+01 : f32
    %broadcast_in_dim3A_279 = vector.broadcast %jit3A_278 : f32 to vector<2048x128xf32>
    %select_n3A_280 = arith.select %lt3A_276, %broadcast_in_dim3A_279, %select_n3A_269 : vector<2048x128xi1>, vector<2048x128xf32>
    %get3A_281 = arith.constant 0 : index
    %get3A_282 = arith.constant 3328 : index
    %get3A_283 = vector.load %arg2[%get3A_281, %get3A_282] : memref<1x8192xf32, #tpu.memory_space<vmem>>, vector<1x128xf32>
    %sub3A_284 = vector.broadcast %get3A_283 : vector<1x128xf32> to vector<2048x128xf32>
    %sub3A_285 = arith.subf %sub3A_284, %broadcast_in_dim3A_2 : vector<2048x128xf32>
    %abs3A_286 = math.absf %sub3A_285 : vector<2048x128xf32>
    %lt3A_287 = arith.cmpf olt, %abs3A_286, %select_n3A_277 : vector<2048x128xf32>
    %select_n3A_288 = arith.select %lt3A_287, %abs3A_286, %select_n3A_277 : vector<2048x128xi1>, vector<2048x128xf32>
    %jit3A_289 = arith.constant 2.600000e+01 : f32
    %broadcast_in_dim3A_290 = vector.broadcast %jit3A_289 : f32 to vector<2048x128xf32>
    %select_n3A_291 = arith.select %lt3A_287, %broadcast_in_dim3A_290, %select_n3A_280 : vector<2048x128xi1>, vector<2048x128xf32>
    %get3A_292 = arith.constant 0 : index
    %get3A_293 = arith.constant 3456 : index
    %get3A_294 = vector.load %arg2[%get3A_292, %get3A_293] : memref<1x8192xf32, #tpu.memory_space<vmem>>, vector<1x128xf32>
    %sub3A_295 = vector.broadcast %get3A_294 : vector<1x128xf32> to vector<2048x128xf32>
    %sub3A_296 = arith.subf %sub3A_295, %broadcast_in_dim3A_2 : vector<2048x128xf32>
    %abs3A_297 = math.absf %sub3A_296 : vector<2048x128xf32>
    %lt3A_298 = arith.cmpf olt, %abs3A_297, %select_n3A_288 : vector<2048x128xf32>
    %select_n3A_299 = arith.select %lt3A_298, %abs3A_297, %select_n3A_288 : vector<2048x128xi1>, vector<2048x128xf32>
    %jit3A_300 = arith.constant 2.700000e+01 : f32
    %broadcast_in_dim3A_301 = vector.broadcast %jit3A_300 : f32 to vector<2048x128xf32>
    %select_n3A_302 = arith.select %lt3A_298, %broadcast_in_dim3A_301, %select_n3A_291 : vector<2048x128xi1>, vector<2048x128xf32>
    %get3A_303 = arith.constant 0 : index
    %get3A_304 = arith.constant 3584 : index
    %get3A_305 = vector.load %arg2[%get3A_303, %get3A_304] : memref<1x8192xf32, #tpu.memory_space<vmem>>, vector<1x128xf32>
    %sub3A_306 = vector.broadcast %get3A_305 : vector<1x128xf32> to vector<2048x128xf32>
    %sub3A_307 = arith.subf %sub3A_306, %broadcast_in_dim3A_2 : vector<2048x128xf32>
    %abs3A_308 = math.absf %sub3A_307 : vector<2048x128xf32>
    %lt3A_309 = arith.cmpf olt, %abs3A_308, %select_n3A_299 : vector<2048x128xf32>
    %select_n3A_310 = arith.select %lt3A_309, %abs3A_308, %select_n3A_299 : vector<2048x128xi1>, vector<2048x128xf32>
    %jit3A_311 = arith.constant 2.800000e+01 : f32
    %broadcast_in_dim3A_312 = vector.broadcast %jit3A_311 : f32 to vector<2048x128xf32>
    %select_n3A_313 = arith.select %lt3A_309, %broadcast_in_dim3A_312, %select_n3A_302 : vector<2048x128xi1>, vector<2048x128xf32>
    %get3A_314 = arith.constant 0 : index
    %get3A_315 = arith.constant 3712 : index
    %get3A_316 = vector.load %arg2[%get3A_314, %get3A_315] : memref<1x8192xf32, #tpu.memory_space<vmem>>, vector<1x128xf32>
    %sub3A_317 = vector.broadcast %get3A_316 : vector<1x128xf32> to vector<2048x128xf32>
    %sub3A_318 = arith.subf %sub3A_317, %broadcast_in_dim3A_2 : vector<2048x128xf32>
    %abs3A_319 = math.absf %sub3A_318 : vector<2048x128xf32>
    %lt3A_320 = arith.cmpf olt, %abs3A_319, %select_n3A_310 : vector<2048x128xf32>
    %select_n3A_321 = arith.select %lt3A_320, %abs3A_319, %select_n3A_310 : vector<2048x128xi1>, vector<2048x128xf32>
    %jit3A_322 = arith.constant 2.900000e+01 : f32
    %broadcast_in_dim3A_323 = vector.broadcast %jit3A_322 : f32 to vector<2048x128xf32>
    %select_n3A_324 = arith.select %lt3A_320, %broadcast_in_dim3A_323, %select_n3A_313 : vector<2048x128xi1>, vector<2048x128xf32>
    %get3A_325 = arith.constant 0 : index
    %get3A_326 = arith.constant 3840 : index
    %get3A_327 = vector.load %arg2[%get3A_325, %get3A_326] : memref<1x8192xf32, #tpu.memory_space<vmem>>, vector<1x128xf32>
    %sub3A_328 = vector.broadcast %get3A_327 : vector<1x128xf32> to vector<2048x128xf32>
    %sub3A_329 = arith.subf %sub3A_328, %broadcast_in_dim3A_2 : vector<2048x128xf32>
    %abs3A_330 = math.absf %sub3A_329 : vector<2048x128xf32>
    %lt3A_331 = arith.cmpf olt, %abs3A_330, %select_n3A_321 : vector<2048x128xf32>
    %select_n3A_332 = arith.select %lt3A_331, %abs3A_330, %select_n3A_321 : vector<2048x128xi1>, vector<2048x128xf32>
    %jit3A_333 = arith.constant 3.000000e+01 : f32
    %broadcast_in_dim3A_334 = vector.broadcast %jit3A_333 : f32 to vector<2048x128xf32>
    %select_n3A_335 = arith.select %lt3A_331, %broadcast_in_dim3A_334, %select_n3A_324 : vector<2048x128xi1>, vector<2048x128xf32>
    %get3A_336 = arith.constant 0 : index
    %get3A_337 = arith.constant 3968 : index
    %get3A_338 = vector.load %arg2[%get3A_336, %get3A_337] : memref<1x8192xf32, #tpu.memory_space<vmem>>, vector<1x128xf32>
    %sub3A_339 = vector.broadcast %get3A_338 : vector<1x128xf32> to vector<2048x128xf32>
    %sub3A_340 = arith.subf %sub3A_339, %broadcast_in_dim3A_2 : vector<2048x128xf32>
    %abs3A_341 = math.absf %sub3A_340 : vector<2048x128xf32>
    %lt3A_342 = arith.cmpf olt, %abs3A_341, %select_n3A_332 : vector<2048x128xf32>
    %select_n3A_343 = arith.select %lt3A_342, %abs3A_341, %select_n3A_332 : vector<2048x128xi1>, vector<2048x128xf32>
    %jit3A_344 = arith.constant 3.100000e+01 : f32
    %broadcast_in_dim3A_345 = vector.broadcast %jit3A_344 : f32 to vector<2048x128xf32>
    %select_n3A_346 = arith.select %lt3A_342, %broadcast_in_dim3A_345, %select_n3A_335 : vector<2048x128xi1>, vector<2048x128xf32>
    %get3A_347 = arith.constant 0 : index
    %get3A_348 = arith.constant 4096 : index
    %get3A_349 = vector.load %arg2[%get3A_347, %get3A_348] : memref<1x8192xf32, #tpu.memory_space<vmem>>, vector<1x128xf32>
    %sub3A_350 = vector.broadcast %get3A_349 : vector<1x128xf32> to vector<2048x128xf32>
    %sub3A_351 = arith.subf %sub3A_350, %broadcast_in_dim3A_2 : vector<2048x128xf32>
    %abs3A_352 = math.absf %sub3A_351 : vector<2048x128xf32>
    %lt3A_353 = arith.cmpf olt, %abs3A_352, %select_n3A_343 : vector<2048x128xf32>
    %select_n3A_354 = arith.select %lt3A_353, %abs3A_352, %select_n3A_343 : vector<2048x128xi1>, vector<2048x128xf32>
    %jit3A_355 = arith.constant 3.200000e+01 : f32
    %broadcast_in_dim3A_356 = vector.broadcast %jit3A_355 : f32 to vector<2048x128xf32>
    %select_n3A_357 = arith.select %lt3A_353, %broadcast_in_dim3A_356, %select_n3A_346 : vector<2048x128xi1>, vector<2048x128xf32>
    %get3A_358 = arith.constant 0 : index
    %get3A_359 = arith.constant 4224 : index
    %get3A_360 = vector.load %arg2[%get3A_358, %get3A_359] : memref<1x8192xf32, #tpu.memory_space<vmem>>, vector<1x128xf32>
    %sub3A_361 = vector.broadcast %get3A_360 : vector<1x128xf32> to vector<2048x128xf32>
    %sub3A_362 = arith.subf %sub3A_361, %broadcast_in_dim3A_2 : vector<2048x128xf32>
    %abs3A_363 = math.absf %sub3A_362 : vector<2048x128xf32>
    %lt3A_364 = arith.cmpf olt, %abs3A_363, %select_n3A_354 : vector<2048x128xf32>
    %select_n3A_365 = arith.select %lt3A_364, %abs3A_363, %select_n3A_354 : vector<2048x128xi1>, vector<2048x128xf32>
    %jit3A_366 = arith.constant 3.300000e+01 : f32
    %broadcast_in_dim3A_367 = vector.broadcast %jit3A_366 : f32 to vector<2048x128xf32>
    %select_n3A_368 = arith.select %lt3A_364, %broadcast_in_dim3A_367, %select_n3A_357 : vector<2048x128xi1>, vector<2048x128xf32>
    %get3A_369 = arith.constant 0 : index
    %get3A_370 = arith.constant 4352 : index
    %get3A_371 = vector.load %arg2[%get3A_369, %get3A_370] : memref<1x8192xf32, #tpu.memory_space<vmem>>, vector<1x128xf32>
    %sub3A_372 = vector.broadcast %get3A_371 : vector<1x128xf32> to vector<2048x128xf32>
    %sub3A_373 = arith.subf %sub3A_372, %broadcast_in_dim3A_2 : vector<2048x128xf32>
    %abs3A_374 = math.absf %sub3A_373 : vector<2048x128xf32>
    %lt3A_375 = arith.cmpf olt, %abs3A_374, %select_n3A_365 : vector<2048x128xf32>
    %select_n3A_376 = arith.select %lt3A_375, %abs3A_374, %select_n3A_365 : vector<2048x128xi1>, vector<2048x128xf32>
    %jit3A_377 = arith.constant 3.400000e+01 : f32
    %broadcast_in_dim3A_378 = vector.broadcast %jit3A_377 : f32 to vector<2048x128xf32>
    %select_n3A_379 = arith.select %lt3A_375, %broadcast_in_dim3A_378, %select_n3A_368 : vector<2048x128xi1>, vector<2048x128xf32>
    %get3A_380 = arith.constant 0 : index
    %get3A_381 = arith.constant 4480 : index
    %get3A_382 = vector.load %arg2[%get3A_380, %get3A_381] : memref<1x8192xf32, #tpu.memory_space<vmem>>, vector<1x128xf32>
    %sub3A_383 = vector.broadcast %get3A_382 : vector<1x128xf32> to vector<2048x128xf32>
    %sub3A_384 = arith.subf %sub3A_383, %broadcast_in_dim3A_2 : vector<2048x128xf32>
    %abs3A_385 = math.absf %sub3A_384 : vector<2048x128xf32>
    %lt3A_386 = arith.cmpf olt, %abs3A_385, %select_n3A_376 : vector<2048x128xf32>
    %select_n3A_387 = arith.select %lt3A_386, %abs3A_385, %select_n3A_376 : vector<2048x128xi1>, vector<2048x128xf32>
    %jit3A_388 = arith.constant 3.500000e+01 : f32
    %broadcast_in_dim3A_389 = vector.broadcast %jit3A_388 : f32 to vector<2048x128xf32>
    %select_n3A_390 = arith.select %lt3A_386, %broadcast_in_dim3A_389, %select_n3A_379 : vector<2048x128xi1>, vector<2048x128xf32>
    %get3A_391 = arith.constant 0 : index
    %get3A_392 = arith.constant 4608 : index
    %get3A_393 = vector.load %arg2[%get3A_391, %get3A_392] : memref<1x8192xf32, #tpu.memory_space<vmem>>, vector<1x128xf32>
    %sub3A_394 = vector.broadcast %get3A_393 : vector<1x128xf32> to vector<2048x128xf32>
    %sub3A_395 = arith.subf %sub3A_394, %broadcast_in_dim3A_2 : vector<2048x128xf32>
    %abs3A_396 = math.absf %sub3A_395 : vector<2048x128xf32>
    %lt3A_397 = arith.cmpf olt, %abs3A_396, %select_n3A_387 : vector<2048x128xf32>
    %select_n3A_398 = arith.select %lt3A_397, %abs3A_396, %select_n3A_387 : vector<2048x128xi1>, vector<2048x128xf32>
    %jit3A_399 = arith.constant 3.600000e+01 : f32
    %broadcast_in_dim3A_400 = vector.broadcast %jit3A_399 : f32 to vector<2048x128xf32>
    %select_n3A_401 = arith.select %lt3A_397, %broadcast_in_dim3A_400, %select_n3A_390 : vector<2048x128xi1>, vector<2048x128xf32>
    %get3A_402 = arith.constant 0 : index
    %get3A_403 = arith.constant 4736 : index
    %get3A_404 = vector.load %arg2[%get3A_402, %get3A_403] : memref<1x8192xf32, #tpu.memory_space<vmem>>, vector<1x128xf32>
    %sub3A_405 = vector.broadcast %get3A_404 : vector<1x128xf32> to vector<2048x128xf32>
    %sub3A_406 = arith.subf %sub3A_405, %broadcast_in_dim3A_2 : vector<2048x128xf32>
    %abs3A_407 = math.absf %sub3A_406 : vector<2048x128xf32>
    %lt3A_408 = arith.cmpf olt, %abs3A_407, %select_n3A_398 : vector<2048x128xf32>
    %select_n3A_409 = arith.select %lt3A_408, %abs3A_407, %select_n3A_398 : vector<2048x128xi1>, vector<2048x128xf32>
    %jit3A_410 = arith.constant 3.700000e+01 : f32
    %broadcast_in_dim3A_411 = vector.broadcast %jit3A_410 : f32 to vector<2048x128xf32>
    %select_n3A_412 = arith.select %lt3A_408, %broadcast_in_dim3A_411, %select_n3A_401 : vector<2048x128xi1>, vector<2048x128xf32>
    %get3A_413 = arith.constant 0 : index
    %get3A_414 = arith.constant 4864 : index
    %get3A_415 = vector.load %arg2[%get3A_413, %get3A_414] : memref<1x8192xf32, #tpu.memory_space<vmem>>, vector<1x128xf32>
    %sub3A_416 = vector.broadcast %get3A_415 : vector<1x128xf32> to vector<2048x128xf32>
    %sub3A_417 = arith.subf %sub3A_416, %broadcast_in_dim3A_2 : vector<2048x128xf32>
    %abs3A_418 = math.absf %sub3A_417 : vector<2048x128xf32>
    %lt3A_419 = arith.cmpf olt, %abs3A_418, %select_n3A_409 : vector<2048x128xf32>
    %select_n3A_420 = arith.select %lt3A_419, %abs3A_418, %select_n3A_409 : vector<2048x128xi1>, vector<2048x128xf32>
    %jit3A_421 = arith.constant 3.800000e+01 : f32
    %broadcast_in_dim3A_422 = vector.broadcast %jit3A_421 : f32 to vector<2048x128xf32>
    %select_n3A_423 = arith.select %lt3A_419, %broadcast_in_dim3A_422, %select_n3A_412 : vector<2048x128xi1>, vector<2048x128xf32>
    %get3A_424 = arith.constant 0 : index
    %get3A_425 = arith.constant 4992 : index
    %get3A_426 = vector.load %arg2[%get3A_424, %get3A_425] : memref<1x8192xf32, #tpu.memory_space<vmem>>, vector<1x128xf32>
    %sub3A_427 = vector.broadcast %get3A_426 : vector<1x128xf32> to vector<2048x128xf32>
    %sub3A_428 = arith.subf %sub3A_427, %broadcast_in_dim3A_2 : vector<2048x128xf32>
    %abs3A_429 = math.absf %sub3A_428 : vector<2048x128xf32>
    %lt3A_430 = arith.cmpf olt, %abs3A_429, %select_n3A_420 : vector<2048x128xf32>
    %select_n3A_431 = arith.select %lt3A_430, %abs3A_429, %select_n3A_420 : vector<2048x128xi1>, vector<2048x128xf32>
    %jit3A_432 = arith.constant 3.900000e+01 : f32
    %broadcast_in_dim3A_433 = vector.broadcast %jit3A_432 : f32 to vector<2048x128xf32>
    %select_n3A_434 = arith.select %lt3A_430, %broadcast_in_dim3A_433, %select_n3A_423 : vector<2048x128xi1>, vector<2048x128xf32>
    %get3A_435 = arith.constant 0 : index
    %get3A_436 = arith.constant 5120 : index
    %get3A_437 = vector.load %arg2[%get3A_435, %get3A_436] : memref<1x8192xf32, #tpu.memory_space<vmem>>, vector<1x128xf32>
    %sub3A_438 = vector.broadcast %get3A_437 : vector<1x128xf32> to vector<2048x128xf32>
    %sub3A_439 = arith.subf %sub3A_438, %broadcast_in_dim3A_2 : vector<2048x128xf32>
    %abs3A_440 = math.absf %sub3A_439 : vector<2048x128xf32>
    %lt3A_441 = arith.cmpf olt, %abs3A_440, %select_n3A_431 : vector<2048x128xf32>
    %select_n3A_442 = arith.select %lt3A_441, %abs3A_440, %select_n3A_431 : vector<2048x128xi1>, vector<2048x128xf32>
    %jit3A_443 = arith.constant 4.000000e+01 : f32
    %broadcast_in_dim3A_444 = vector.broadcast %jit3A_443 : f32 to vector<2048x128xf32>
    %select_n3A_445 = arith.select %lt3A_441, %broadcast_in_dim3A_444, %select_n3A_434 : vector<2048x128xi1>, vector<2048x128xf32>
    %get3A_446 = arith.constant 0 : index
    %get3A_447 = arith.constant 5248 : index
    %get3A_448 = vector.load %arg2[%get3A_446, %get3A_447] : memref<1x8192xf32, #tpu.memory_space<vmem>>, vector<1x128xf32>
    %sub3A_449 = vector.broadcast %get3A_448 : vector<1x128xf32> to vector<2048x128xf32>
    %sub3A_450 = arith.subf %sub3A_449, %broadcast_in_dim3A_2 : vector<2048x128xf32>
    %abs3A_451 = math.absf %sub3A_450 : vector<2048x128xf32>
    %lt3A_452 = arith.cmpf olt, %abs3A_451, %select_n3A_442 : vector<2048x128xf32>
    %select_n3A_453 = arith.select %lt3A_452, %abs3A_451, %select_n3A_442 : vector<2048x128xi1>, vector<2048x128xf32>
    %jit3A_454 = arith.constant 4.100000e+01 : f32
    %broadcast_in_dim3A_455 = vector.broadcast %jit3A_454 : f32 to vector<2048x128xf32>
    %select_n3A_456 = arith.select %lt3A_452, %broadcast_in_dim3A_455, %select_n3A_445 : vector<2048x128xi1>, vector<2048x128xf32>
    %get3A_457 = arith.constant 0 : index
    %get3A_458 = arith.constant 5376 : index
    %get3A_459 = vector.load %arg2[%get3A_457, %get3A_458] : memref<1x8192xf32, #tpu.memory_space<vmem>>, vector<1x128xf32>
    %sub3A_460 = vector.broadcast %get3A_459 : vector<1x128xf32> to vector<2048x128xf32>
    %sub3A_461 = arith.subf %sub3A_460, %broadcast_in_dim3A_2 : vector<2048x128xf32>
    %abs3A_462 = math.absf %sub3A_461 : vector<2048x128xf32>
    %lt3A_463 = arith.cmpf olt, %abs3A_462, %select_n3A_453 : vector<2048x128xf32>
    %select_n3A_464 = arith.select %lt3A_463, %abs3A_462, %select_n3A_453 : vector<2048x128xi1>, vector<2048x128xf32>
    %jit3A_465 = arith.constant 4.200000e+01 : f32
    %broadcast_in_dim3A_466 = vector.broadcast %jit3A_465 : f32 to vector<2048x128xf32>
    %select_n3A_467 = arith.select %lt3A_463, %broadcast_in_dim3A_466, %select_n3A_456 : vector<2048x128xi1>, vector<2048x128xf32>
    %get3A_468 = arith.constant 0 : index
    %get3A_469 = arith.constant 5504 : index
    %get3A_470 = vector.load %arg2[%get3A_468, %get3A_469] : memref<1x8192xf32, #tpu.memory_space<vmem>>, vector<1x128xf32>
    %sub3A_471 = vector.broadcast %get3A_470 : vector<1x128xf32> to vector<2048x128xf32>
    %sub3A_472 = arith.subf %sub3A_471, %broadcast_in_dim3A_2 : vector<2048x128xf32>
    %abs3A_473 = math.absf %sub3A_472 : vector<2048x128xf32>
    %lt3A_474 = arith.cmpf olt, %abs3A_473, %select_n3A_464 : vector<2048x128xf32>
    %select_n3A_475 = arith.select %lt3A_474, %abs3A_473, %select_n3A_464 : vector<2048x128xi1>, vector<2048x128xf32>
    %jit3A_476 = arith.constant 4.300000e+01 : f32
    %broadcast_in_dim3A_477 = vector.broadcast %jit3A_476 : f32 to vector<2048x128xf32>
    %select_n3A_478 = arith.select %lt3A_474, %broadcast_in_dim3A_477, %select_n3A_467 : vector<2048x128xi1>, vector<2048x128xf32>
    %get3A_479 = arith.constant 0 : index
    %get3A_480 = arith.constant 5632 : index
    %get3A_481 = vector.load %arg2[%get3A_479, %get3A_480] : memref<1x8192xf32, #tpu.memory_space<vmem>>, vector<1x128xf32>
    %sub3A_482 = vector.broadcast %get3A_481 : vector<1x128xf32> to vector<2048x128xf32>
    %sub3A_483 = arith.subf %sub3A_482, %broadcast_in_dim3A_2 : vector<2048x128xf32>
    %abs3A_484 = math.absf %sub3A_483 : vector<2048x128xf32>
    %lt3A_485 = arith.cmpf olt, %abs3A_484, %select_n3A_475 : vector<2048x128xf32>
    %select_n3A_486 = arith.select %lt3A_485, %abs3A_484, %select_n3A_475 : vector<2048x128xi1>, vector<2048x128xf32>
    %jit3A_487 = arith.constant 4.400000e+01 : f32
    %broadcast_in_dim3A_488 = vector.broadcast %jit3A_487 : f32 to vector<2048x128xf32>
    %select_n3A_489 = arith.select %lt3A_485, %broadcast_in_dim3A_488, %select_n3A_478 : vector<2048x128xi1>, vector<2048x128xf32>
    %get3A_490 = arith.constant 0 : index
    %get3A_491 = arith.constant 5760 : index
    %get3A_492 = vector.load %arg2[%get3A_490, %get3A_491] : memref<1x8192xf32, #tpu.memory_space<vmem>>, vector<1x128xf32>
    %sub3A_493 = vector.broadcast %get3A_492 : vector<1x128xf32> to vector<2048x128xf32>
    %sub3A_494 = arith.subf %sub3A_493, %broadcast_in_dim3A_2 : vector<2048x128xf32>
    %abs3A_495 = math.absf %sub3A_494 : vector<2048x128xf32>
    %lt3A_496 = arith.cmpf olt, %abs3A_495, %select_n3A_486 : vector<2048x128xf32>
    %select_n3A_497 = arith.select %lt3A_496, %abs3A_495, %select_n3A_486 : vector<2048x128xi1>, vector<2048x128xf32>
    %jit3A_498 = arith.constant 4.500000e+01 : f32
    %broadcast_in_dim3A_499 = vector.broadcast %jit3A_498 : f32 to vector<2048x128xf32>
    %select_n3A_500 = arith.select %lt3A_496, %broadcast_in_dim3A_499, %select_n3A_489 : vector<2048x128xi1>, vector<2048x128xf32>
    %get3A_501 = arith.constant 0 : index
    %get3A_502 = arith.constant 5888 : index
    %get3A_503 = vector.load %arg2[%get3A_501, %get3A_502] : memref<1x8192xf32, #tpu.memory_space<vmem>>, vector<1x128xf32>
    %sub3A_504 = vector.broadcast %get3A_503 : vector<1x128xf32> to vector<2048x128xf32>
    %sub3A_505 = arith.subf %sub3A_504, %broadcast_in_dim3A_2 : vector<2048x128xf32>
    %abs3A_506 = math.absf %sub3A_505 : vector<2048x128xf32>
    %lt3A_507 = arith.cmpf olt, %abs3A_506, %select_n3A_497 : vector<2048x128xf32>
    %select_n3A_508 = arith.select %lt3A_507, %abs3A_506, %select_n3A_497 : vector<2048x128xi1>, vector<2048x128xf32>
    %jit3A_509 = arith.constant 4.600000e+01 : f32
    %broadcast_in_dim3A_510 = vector.broadcast %jit3A_509 : f32 to vector<2048x128xf32>
    %select_n3A_511 = arith.select %lt3A_507, %broadcast_in_dim3A_510, %select_n3A_500 : vector<2048x128xi1>, vector<2048x128xf32>
    %get3A_512 = arith.constant 0 : index
    %get3A_513 = arith.constant 6016 : index
    %get3A_514 = vector.load %arg2[%get3A_512, %get3A_513] : memref<1x8192xf32, #tpu.memory_space<vmem>>, vector<1x128xf32>
    %sub3A_515 = vector.broadcast %get3A_514 : vector<1x128xf32> to vector<2048x128xf32>
    %sub3A_516 = arith.subf %sub3A_515, %broadcast_in_dim3A_2 : vector<2048x128xf32>
    %abs3A_517 = math.absf %sub3A_516 : vector<2048x128xf32>
    %lt3A_518 = arith.cmpf olt, %abs3A_517, %select_n3A_508 : vector<2048x128xf32>
    %select_n3A_519 = arith.select %lt3A_518, %abs3A_517, %select_n3A_508 : vector<2048x128xi1>, vector<2048x128xf32>
    %jit3A_520 = arith.constant 4.700000e+01 : f32
    %broadcast_in_dim3A_521 = vector.broadcast %jit3A_520 : f32 to vector<2048x128xf32>
    %select_n3A_522 = arith.select %lt3A_518, %broadcast_in_dim3A_521, %select_n3A_511 : vector<2048x128xi1>, vector<2048x128xf32>
    %get3A_523 = arith.constant 0 : index
    %get3A_524 = arith.constant 6144 : index
    %get3A_525 = vector.load %arg2[%get3A_523, %get3A_524] : memref<1x8192xf32, #tpu.memory_space<vmem>>, vector<1x128xf32>
    %sub3A_526 = vector.broadcast %get3A_525 : vector<1x128xf32> to vector<2048x128xf32>
    %sub3A_527 = arith.subf %sub3A_526, %broadcast_in_dim3A_2 : vector<2048x128xf32>
    %abs3A_528 = math.absf %sub3A_527 : vector<2048x128xf32>
    %lt3A_529 = arith.cmpf olt, %abs3A_528, %select_n3A_519 : vector<2048x128xf32>
    %select_n3A_530 = arith.select %lt3A_529, %abs3A_528, %select_n3A_519 : vector<2048x128xi1>, vector<2048x128xf32>
    %jit3A_531 = arith.constant 4.800000e+01 : f32
    %broadcast_in_dim3A_532 = vector.broadcast %jit3A_531 : f32 to vector<2048x128xf32>
    %select_n3A_533 = arith.select %lt3A_529, %broadcast_in_dim3A_532, %select_n3A_522 : vector<2048x128xi1>, vector<2048x128xf32>
    %get3A_534 = arith.constant 0 : index
    %get3A_535 = arith.constant 6272 : index
    %get3A_536 = vector.load %arg2[%get3A_534, %get3A_535] : memref<1x8192xf32, #tpu.memory_space<vmem>>, vector<1x128xf32>
    %sub3A_537 = vector.broadcast %get3A_536 : vector<1x128xf32> to vector<2048x128xf32>
    %sub3A_538 = arith.subf %sub3A_537, %broadcast_in_dim3A_2 : vector<2048x128xf32>
    %abs3A_539 = math.absf %sub3A_538 : vector<2048x128xf32>
    %lt3A_540 = arith.cmpf olt, %abs3A_539, %select_n3A_530 : vector<2048x128xf32>
    %select_n3A_541 = arith.select %lt3A_540, %abs3A_539, %select_n3A_530 : vector<2048x128xi1>, vector<2048x128xf32>
    %jit3A_542 = arith.constant 4.900000e+01 : f32
    %broadcast_in_dim3A_543 = vector.broadcast %jit3A_542 : f32 to vector<2048x128xf32>
    %select_n3A_544 = arith.select %lt3A_540, %broadcast_in_dim3A_543, %select_n3A_533 : vector<2048x128xi1>, vector<2048x128xf32>
    %get3A_545 = arith.constant 0 : index
    %get3A_546 = arith.constant 6400 : index
    %get3A_547 = vector.load %arg2[%get3A_545, %get3A_546] : memref<1x8192xf32, #tpu.memory_space<vmem>>, vector<1x128xf32>
    %sub3A_548 = vector.broadcast %get3A_547 : vector<1x128xf32> to vector<2048x128xf32>
    %sub3A_549 = arith.subf %sub3A_548, %broadcast_in_dim3A_2 : vector<2048x128xf32>
    %abs3A_550 = math.absf %sub3A_549 : vector<2048x128xf32>
    %lt3A_551 = arith.cmpf olt, %abs3A_550, %select_n3A_541 : vector<2048x128xf32>
    %select_n3A_552 = arith.select %lt3A_551, %abs3A_550, %select_n3A_541 : vector<2048x128xi1>, vector<2048x128xf32>
    %jit3A_553 = arith.constant 5.000000e+01 : f32
    %broadcast_in_dim3A_554 = vector.broadcast %jit3A_553 : f32 to vector<2048x128xf32>
    %select_n3A_555 = arith.select %lt3A_551, %broadcast_in_dim3A_554, %select_n3A_544 : vector<2048x128xi1>, vector<2048x128xf32>
    %get3A_556 = arith.constant 0 : index
    %get3A_557 = arith.constant 6528 : index
    %get3A_558 = vector.load %arg2[%get3A_556, %get3A_557] : memref<1x8192xf32, #tpu.memory_space<vmem>>, vector<1x128xf32>
    %sub3A_559 = vector.broadcast %get3A_558 : vector<1x128xf32> to vector<2048x128xf32>
    %sub3A_560 = arith.subf %sub3A_559, %broadcast_in_dim3A_2 : vector<2048x128xf32>
    %abs3A_561 = math.absf %sub3A_560 : vector<2048x128xf32>
    %lt3A_562 = arith.cmpf olt, %abs3A_561, %select_n3A_552 : vector<2048x128xf32>
    %select_n3A_563 = arith.select %lt3A_562, %abs3A_561, %select_n3A_552 : vector<2048x128xi1>, vector<2048x128xf32>
    %jit3A_564 = arith.constant 5.100000e+01 : f32
    %broadcast_in_dim3A_565 = vector.broadcast %jit3A_564 : f32 to vector<2048x128xf32>
    %select_n3A_566 = arith.select %lt3A_562, %broadcast_in_dim3A_565, %select_n3A_555 : vector<2048x128xi1>, vector<2048x128xf32>
    %get3A_567 = arith.constant 0 : index
    %get3A_568 = arith.constant 6656 : index
    %get3A_569 = vector.load %arg2[%get3A_567, %get3A_568] : memref<1x8192xf32, #tpu.memory_space<vmem>>, vector<1x128xf32>
    %sub3A_570 = vector.broadcast %get3A_569 : vector<1x128xf32> to vector<2048x128xf32>
    %sub3A_571 = arith.subf %sub3A_570, %broadcast_in_dim3A_2 : vector<2048x128xf32>
    %abs3A_572 = math.absf %sub3A_571 : vector<2048x128xf32>
    %lt3A_573 = arith.cmpf olt, %abs3A_572, %select_n3A_563 : vector<2048x128xf32>
    %select_n3A_574 = arith.select %lt3A_573, %abs3A_572, %select_n3A_563 : vector<2048x128xi1>, vector<2048x128xf32>
    %jit3A_575 = arith.constant 5.200000e+01 : f32
    %broadcast_in_dim3A_576 = vector.broadcast %jit3A_575 : f32 to vector<2048x128xf32>
    %select_n3A_577 = arith.select %lt3A_573, %broadcast_in_dim3A_576, %select_n3A_566 : vector<2048x128xi1>, vector<2048x128xf32>
    %get3A_578 = arith.constant 0 : index
    %get3A_579 = arith.constant 6784 : index
    %get3A_580 = vector.load %arg2[%get3A_578, %get3A_579] : memref<1x8192xf32, #tpu.memory_space<vmem>>, vector<1x128xf32>
    %sub3A_581 = vector.broadcast %get3A_580 : vector<1x128xf32> to vector<2048x128xf32>
    %sub3A_582 = arith.subf %sub3A_581, %broadcast_in_dim3A_2 : vector<2048x128xf32>
    %abs3A_583 = math.absf %sub3A_582 : vector<2048x128xf32>
    %lt3A_584 = arith.cmpf olt, %abs3A_583, %select_n3A_574 : vector<2048x128xf32>
    %select_n3A_585 = arith.select %lt3A_584, %abs3A_583, %select_n3A_574 : vector<2048x128xi1>, vector<2048x128xf32>
    %jit3A_586 = arith.constant 5.300000e+01 : f32
    %broadcast_in_dim3A_587 = vector.broadcast %jit3A_586 : f32 to vector<2048x128xf32>
    %select_n3A_588 = arith.select %lt3A_584, %broadcast_in_dim3A_587, %select_n3A_577 : vector<2048x128xi1>, vector<2048x128xf32>
    %get3A_589 = arith.constant 0 : index
    %get3A_590 = arith.constant 6912 : index
    %get3A_591 = vector.load %arg2[%get3A_589, %get3A_590] : memref<1x8192xf32, #tpu.memory_space<vmem>>, vector<1x128xf32>
    %sub3A_592 = vector.broadcast %get3A_591 : vector<1x128xf32> to vector<2048x128xf32>
    %sub3A_593 = arith.subf %sub3A_592, %broadcast_in_dim3A_2 : vector<2048x128xf32>
    %abs3A_594 = math.absf %sub3A_593 : vector<2048x128xf32>
    %lt3A_595 = arith.cmpf olt, %abs3A_594, %select_n3A_585 : vector<2048x128xf32>
    %select_n3A_596 = arith.select %lt3A_595, %abs3A_594, %select_n3A_585 : vector<2048x128xi1>, vector<2048x128xf32>
    %jit3A_597 = arith.constant 5.400000e+01 : f32
    %broadcast_in_dim3A_598 = vector.broadcast %jit3A_597 : f32 to vector<2048x128xf32>
    %select_n3A_599 = arith.select %lt3A_595, %broadcast_in_dim3A_598, %select_n3A_588 : vector<2048x128xi1>, vector<2048x128xf32>
    %get3A_600 = arith.constant 0 : index
    %get3A_601 = arith.constant 7040 : index
    %get3A_602 = vector.load %arg2[%get3A_600, %get3A_601] : memref<1x8192xf32, #tpu.memory_space<vmem>>, vector<1x128xf32>
    %sub3A_603 = vector.broadcast %get3A_602 : vector<1x128xf32> to vector<2048x128xf32>
    %sub3A_604 = arith.subf %sub3A_603, %broadcast_in_dim3A_2 : vector<2048x128xf32>
    %abs3A_605 = math.absf %sub3A_604 : vector<2048x128xf32>
    %lt3A_606 = arith.cmpf olt, %abs3A_605, %select_n3A_596 : vector<2048x128xf32>
    %select_n3A_607 = arith.select %lt3A_606, %abs3A_605, %select_n3A_596 : vector<2048x128xi1>, vector<2048x128xf32>
    %jit3A_608 = arith.constant 5.500000e+01 : f32
    %broadcast_in_dim3A_609 = vector.broadcast %jit3A_608 : f32 to vector<2048x128xf32>
    %select_n3A_610 = arith.select %lt3A_606, %broadcast_in_dim3A_609, %select_n3A_599 : vector<2048x128xi1>, vector<2048x128xf32>
    %get3A_611 = arith.constant 0 : index
    %get3A_612 = arith.constant 7168 : index
    %get3A_613 = vector.load %arg2[%get3A_611, %get3A_612] : memref<1x8192xf32, #tpu.memory_space<vmem>>, vector<1x128xf32>
    %sub3A_614 = vector.broadcast %get3A_613 : vector<1x128xf32> to vector<2048x128xf32>
    %sub3A_615 = arith.subf %sub3A_614, %broadcast_in_dim3A_2 : vector<2048x128xf32>
    %abs3A_616 = math.absf %sub3A_615 : vector<2048x128xf32>
    %lt3A_617 = arith.cmpf olt, %abs3A_616, %select_n3A_607 : vector<2048x128xf32>
    %select_n3A_618 = arith.select %lt3A_617, %abs3A_616, %select_n3A_607 : vector<2048x128xi1>, vector<2048x128xf32>
    %jit3A_619 = arith.constant 5.600000e+01 : f32
    %broadcast_in_dim3A_620 = vector.broadcast %jit3A_619 : f32 to vector<2048x128xf32>
    %select_n3A_621 = arith.select %lt3A_617, %broadcast_in_dim3A_620, %select_n3A_610 : vector<2048x128xi1>, vector<2048x128xf32>
    %get3A_622 = arith.constant 0 : index
    %get3A_623 = arith.constant 7296 : index
    %get3A_624 = vector.load %arg2[%get3A_622, %get3A_623] : memref<1x8192xf32, #tpu.memory_space<vmem>>, vector<1x128xf32>
    %sub3A_625 = vector.broadcast %get3A_624 : vector<1x128xf32> to vector<2048x128xf32>
    %sub3A_626 = arith.subf %sub3A_625, %broadcast_in_dim3A_2 : vector<2048x128xf32>
    %abs3A_627 = math.absf %sub3A_626 : vector<2048x128xf32>
    %lt3A_628 = arith.cmpf olt, %abs3A_627, %select_n3A_618 : vector<2048x128xf32>
    %select_n3A_629 = arith.select %lt3A_628, %abs3A_627, %select_n3A_618 : vector<2048x128xi1>, vector<2048x128xf32>
    %jit3A_630 = arith.constant 5.700000e+01 : f32
    %broadcast_in_dim3A_631 = vector.broadcast %jit3A_630 : f32 to vector<2048x128xf32>
    %select_n3A_632 = arith.select %lt3A_628, %broadcast_in_dim3A_631, %select_n3A_621 : vector<2048x128xi1>, vector<2048x128xf32>
    %get3A_633 = arith.constant 0 : index
    %get3A_634 = arith.constant 7424 : index
    %get3A_635 = vector.load %arg2[%get3A_633, %get3A_634] : memref<1x8192xf32, #tpu.memory_space<vmem>>, vector<1x128xf32>
    %sub3A_636 = vector.broadcast %get3A_635 : vector<1x128xf32> to vector<2048x128xf32>
    %sub3A_637 = arith.subf %sub3A_636, %broadcast_in_dim3A_2 : vector<2048x128xf32>
    %abs3A_638 = math.absf %sub3A_637 : vector<2048x128xf32>
    %lt3A_639 = arith.cmpf olt, %abs3A_638, %select_n3A_629 : vector<2048x128xf32>
    %select_n3A_640 = arith.select %lt3A_639, %abs3A_638, %select_n3A_629 : vector<2048x128xi1>, vector<2048x128xf32>
    %jit3A_641 = arith.constant 5.800000e+01 : f32
    %broadcast_in_dim3A_642 = vector.broadcast %jit3A_641 : f32 to vector<2048x128xf32>
    %select_n3A_643 = arith.select %lt3A_639, %broadcast_in_dim3A_642, %select_n3A_632 : vector<2048x128xi1>, vector<2048x128xf32>
    %get3A_644 = arith.constant 0 : index
    %get3A_645 = arith.constant 7552 : index
    %get3A_646 = vector.load %arg2[%get3A_644, %get3A_645] : memref<1x8192xf32, #tpu.memory_space<vmem>>, vector<1x128xf32>
    %sub3A_647 = vector.broadcast %get3A_646 : vector<1x128xf32> to vector<2048x128xf32>
    %sub3A_648 = arith.subf %sub3A_647, %broadcast_in_dim3A_2 : vector<2048x128xf32>
    %abs3A_649 = math.absf %sub3A_648 : vector<2048x128xf32>
    %lt3A_650 = arith.cmpf olt, %abs3A_649, %select_n3A_640 : vector<2048x128xf32>
    %select_n3A_651 = arith.select %lt3A_650, %abs3A_649, %select_n3A_640 : vector<2048x128xi1>, vector<2048x128xf32>
    %jit3A_652 = arith.constant 5.900000e+01 : f32
    %broadcast_in_dim3A_653 = vector.broadcast %jit3A_652 : f32 to vector<2048x128xf32>
    %select_n3A_654 = arith.select %lt3A_650, %broadcast_in_dim3A_653, %select_n3A_643 : vector<2048x128xi1>, vector<2048x128xf32>
    %get3A_655 = arith.constant 0 : index
    %get3A_656 = arith.constant 7680 : index
    %get3A_657 = vector.load %arg2[%get3A_655, %get3A_656] : memref<1x8192xf32, #tpu.memory_space<vmem>>, vector<1x128xf32>
    %sub3A_658 = vector.broadcast %get3A_657 : vector<1x128xf32> to vector<2048x128xf32>
    %sub3A_659 = arith.subf %sub3A_658, %broadcast_in_dim3A_2 : vector<2048x128xf32>
    %abs3A_660 = math.absf %sub3A_659 : vector<2048x128xf32>
    %lt3A_661 = arith.cmpf olt, %abs3A_660, %select_n3A_651 : vector<2048x128xf32>
    %select_n3A_662 = arith.select %lt3A_661, %abs3A_660, %select_n3A_651 : vector<2048x128xi1>, vector<2048x128xf32>
    %jit3A_663 = arith.constant 6.000000e+01 : f32
    %broadcast_in_dim3A_664 = vector.broadcast %jit3A_663 : f32 to vector<2048x128xf32>
    %select_n3A_665 = arith.select %lt3A_661, %broadcast_in_dim3A_664, %select_n3A_654 : vector<2048x128xi1>, vector<2048x128xf32>
    %get3A_666 = arith.constant 0 : index
    %get3A_667 = arith.constant 7808 : index
    %get3A_668 = vector.load %arg2[%get3A_666, %get3A_667] : memref<1x8192xf32, #tpu.memory_space<vmem>>, vector<1x128xf32>
    %sub3A_669 = vector.broadcast %get3A_668 : vector<1x128xf32> to vector<2048x128xf32>
    %sub3A_670 = arith.subf %sub3A_669, %broadcast_in_dim3A_2 : vector<2048x128xf32>
    %abs3A_671 = math.absf %sub3A_670 : vector<2048x128xf32>
    %lt3A_672 = arith.cmpf olt, %abs3A_671, %select_n3A_662 : vector<2048x128xf32>
    %select_n3A_673 = arith.select %lt3A_672, %abs3A_671, %select_n3A_662 : vector<2048x128xi1>, vector<2048x128xf32>
    %jit3A_674 = arith.constant 6.100000e+01 : f32
    %broadcast_in_dim3A_675 = vector.broadcast %jit3A_674 : f32 to vector<2048x128xf32>
    %select_n3A_676 = arith.select %lt3A_672, %broadcast_in_dim3A_675, %select_n3A_665 : vector<2048x128xi1>, vector<2048x128xf32>
    %get3A_677 = arith.constant 0 : index
    %get3A_678 = arith.constant 7936 : index
    %get3A_679 = vector.load %arg2[%get3A_677, %get3A_678] : memref<1x8192xf32, #tpu.memory_space<vmem>>, vector<1x128xf32>
    %sub3A_680 = vector.broadcast %get3A_679 : vector<1x128xf32> to vector<2048x128xf32>
    %sub3A_681 = arith.subf %sub3A_680, %broadcast_in_dim3A_2 : vector<2048x128xf32>
    %abs3A_682 = math.absf %sub3A_681 : vector<2048x128xf32>
    %lt3A_683 = arith.cmpf olt, %abs3A_682, %select_n3A_673 : vector<2048x128xf32>
    %select_n3A_684 = arith.select %lt3A_683, %abs3A_682, %select_n3A_673 : vector<2048x128xi1>, vector<2048x128xf32>
    %jit3A_685 = arith.constant 6.200000e+01 : f32
    %broadcast_in_dim3A_686 = vector.broadcast %jit3A_685 : f32 to vector<2048x128xf32>
    %select_n3A_687 = arith.select %lt3A_683, %broadcast_in_dim3A_686, %select_n3A_676 : vector<2048x128xi1>, vector<2048x128xf32>
    %get3A_688 = arith.constant 0 : index
    %get3A_689 = arith.constant 8064 : index
    %get3A_690 = vector.load %arg2[%get3A_688, %get3A_689] : memref<1x8192xf32, #tpu.memory_space<vmem>>, vector<1x128xf32>
    %sub3A_691 = vector.broadcast %get3A_690 : vector<1x128xf32> to vector<2048x128xf32>
    %sub3A_692 = arith.subf %sub3A_691, %broadcast_in_dim3A_2 : vector<2048x128xf32>
    %abs3A_693 = math.absf %sub3A_692 : vector<2048x128xf32>
    %lt3A_694 = arith.cmpf olt, %abs3A_693, %select_n3A_684 : vector<2048x128xf32>
    %select_n3A_695 = arith.select %lt3A_694, %abs3A_693, %select_n3A_684 : vector<2048x128xi1>, vector<2048x128xf32>
    %jit3A_696 = arith.constant 6.300000e+01 : f32
    %broadcast_in_dim3A_697 = vector.broadcast %jit3A_696 : f32 to vector<2048x128xf32>
    %select_n3A_698 = arith.select %lt3A_694, %broadcast_in_dim3A_697, %select_n3A_687 : vector<2048x128xi1>, vector<2048x128xf32>
    %reduce_min3A = arith.constant dense<0x7F800000> : vector<2048xf32>
    %reduce_min3A_699 = vector.multi_reduction <minimumf>, %select_n3A_695, %reduce_min3A [1] : vector<2048x128xf32> to vector<2048xf32>
    %broadcast_in_dim3A_700 = vector.shape_cast %reduce_min3A_699 : vector<2048xf32> to vector<2048x1xf32>
    %iota3A = tpu.iota {dimensions = array<i32: 1>} : vector<2048x128xi32>
    %convert_element_type3A = arith.sitofp %iota3A : vector<2048x128xi32> to vector<2048x128xf32>
    %mul3A = arith.constant 1.280000e+02 : f32
    %mul3A_701 = vector.broadcast %mul3A : f32 to vector<2048x128xf32>
    %mul3A_702 = arith.mulf %select_n3A_698, %mul3A_701 : vector<2048x128xf32>
    %add3A = arith.addf %mul3A_702, %convert_element_type3A : vector<2048x128xf32>
    %eq3A = vector.broadcast %broadcast_in_dim3A_700 : vector<2048x1xf32> to vector<2048x128xf32>
    %eq3A_703 = arith.cmpf oeq, %select_n3A_695, %eq3A : vector<2048x128xf32>
    %jit3A_704 = arith.constant 8.192000e+03 : f32
    %broadcast_in_dim3A_705 = vector.broadcast %jit3A_704 : f32 to vector<2048x128xf32>
    %select_n3A_706 = arith.select %eq3A_703, %add3A, %broadcast_in_dim3A_705 : vector<2048x128xi1>, vector<2048x128xf32>
    %reduce_min3A_707 = arith.constant dense<0x7F800000> : vector<2048xf32>
    %reduce_min3A_708 = vector.multi_reduction <minimumf>, %select_n3A_706, %reduce_min3A_707 [1] : vector<2048x128xf32> to vector<2048xf32>
    %convert_element_type3A_709 = arith.fptosi %reduce_min3A_708 : vector<2048xf32> to vector<2048xi32>
    %swap3A = arith.constant 0 : index
    %swap3A_710 = arith.constant 0 : index
    %swap3A_711 = arith.constant 0 : index
    %swap3A_712 = vector.load %arg3[%swap3A, %swap3A_710, %swap3A_711] : memref<1x1x2048xi32, #tpu.memory_space<vmem>>, vector<1x1x2048xi32>
    %swap3A_713 = vector.shape_cast %swap3A_712 : vector<1x1x2048xi32> to vector<2048xi32>
    %swap3A_714 = vector.shape_cast %convert_element_type3A_709 : vector<2048xi32> to vector<1x1x2048xi32>
    tpu.vector_store %arg3[%swap3A, %swap3A_710, %swap3A_711], %swap3A_714 {strides = array<i32>} : memref<1x1x2048xi32, #tpu.memory_space<vmem>>, vector<1x1x2048xi32>,
    return
  }
  func.func @transform_0(%arg0: i32) -> (i32, i32) {
    %c1_i32 = arith.constant 1 : i32
    %c0_i32 = arith.constant 0 : i32
    %c0_i32_0 = arith.constant 0 : i32
    return %c1_i32, %c0_i32 : i32, i32
  }
  func.func @transform_1(%arg0: i32) -> (i32, i32) {
    %c0_i32 = arith.constant 0 : i32
    %c0_i32_0 = arith.constant 0 : i32
    %c0_i32_1 = arith.constant 0 : i32
    return %c0_i32, %c0_i32_0 : i32, i32
  }
  func.func @transform_2(%arg0: i32) -> (i32, i32, i32) {
    %c0_i32 = arith.constant 0 : i32
    %c0_i32_0 = arith.constant 0 : i32
    %c0_i32_1 = arith.constant 0 : i32
    %c0_i32_2 = arith.constant 0 : i32
    return %c0_i32, %c0_i32_0, %c0_i32_1 : i32, i32, i32
  }
}

</mosaic_0001>

<sc_bundles>
// kernel: kernel.10.cloned.1.call-start
scs
__scs_entry_jumppad:
0x0: {  	(pc) =	sbr.rel $0x88, $3  }
0x1: {  	(tag) =	ssettag $0x0;
	lr =	simm.s32 $0x1  }
0x2: {  	[smem:$0x3F9D] =	sst lr;
	_ =	strace $0xD0000000  }
0x3: {  	_ = 	snop  }
0x4: {  	_ = 	snop  }
0x5: {  	_ = 	snop  }
0x6: {  	_ = 	snop  }
0x7: {  	_ = 	snop  }
__scs_overlays_trampoline_lowered:
0x8: {  	[smem:$0x3FAC] =	sst s0  }
0x9: {  	[smem:$0x3FAD] =	sst s1  }
0xa: {  	[smem:$0x3FAE] =	sst s2  }
0xb: {  	[smem:$0x3FAF] =	sst s3  }
0xc: {  	[smem:$0x3FB0] =	sst s4  }
0xd: {  	[smem:$0x3FB1] =	sst s5  }
0xe: {  	[smem:$0x3FB2] =	sst s6  }
0xf: {  	[smem:$0x3FB3] =	sst s7  }
0x10: {  	[smem:$0x3FB4] =	sst s8  }
0x11: {  	[smem:$0x3FB5] =	sst s9;
	s0 =	simm.s32 @!p0 $0x0  }
0x12: {  	s1 =	sld [smem:$0x3F9B];
	s0 =	simm.s32 @p0 $0x1  }
0x13: {  	[smem:$0x3FB6] =	sst s0;
	s0 =	simm.s32 @!p1 $0x0  }
0x14: {  	s2 =	sld [smem:$0x3F9A];
	s0 =	simm.s32 @p1 $0x1  }
0x15: {  	[smem:$0x3FB7] =	sst s0;
	s0 =	simm.s32 @!p2 $0x0  }
0x16: {  	s3 =	sld [smem:$0x3FDB];
	s0 =	simm.s32 @p2 $0x1  }
0x17: {  	s4 =	simm.s32 $0x1BF5;
	[smem:$0x3FB9] =	sst s0  }
0x18: {  	s0 =	sld [smem:$0x3F9C];
	_ =	swait.ge [sflag:s4], $0x0  }
0x19: {  	s7 =	sld [smem:$0x3F9D]  }
0x1a: {  	s8 =	sadd.s32 $0xFFFFE003, lr  }
0x1b: {  	s9 =	sadd.s32 $0xFFFFFEF7, lr;
	s5 =	simm.s32 $0xFFFFFFFF;
	p2 =	slt.u32 s8, $0xFFFFF086  }
0x1c: {  	p1 =	slt.u32 s9, $0xF7A;
	s5 =	simm.s32 @!p2 $0x0  }
0x1d: {  	s5 =	simm.s32 @p1 $0x1;
	p0 =	seq.s32 s7, s2  }
0x1e: {  	s7 =	smul.u32 @!p0 $0xF7A, s2;
	p2 =	seq.s32 @!p0 s5, $0x0  }
0x1f: {  	s9 =	smul.u32 $0xF7A, s1;
	s8 =	simm.s32 @!p0 $0x1BF5;
	p2 =	por !p2, p0  }
0x20: {  	[sflag:s8] =	ssyncset.s32 @!p0 $0xFFFFF086;
	s6 =	sadd.s32 @!p0 s3, s7;
	s7 =	simm.s32 @!p0 $0x108  }
0x21: {  	s3 =	sadd.s32 s3, s9;
	s6 =	sadd.s32 @!p0 $0x88, s6;
	s7 =	simm.s32 @p2 $0x1082  }
0x22: {  	[simem:s7], [sflag:s8] =	dma.local @!p0 [hbm:s6], $0xF7A  }
0x23: {  	s9 =	sor.u32 $0xD0000000, s2;
	s6 =	simm.s32 $0x108;
	_ =	swait.ge @!p0 [sflag:s8], $0x0  }
0x24: {  	s3 =	sadd.s32 $0x88, s3;
	s6 =	simm.s32 @!p1 $0x1082;
	[sflag:s4] =	ssyncset.s32 $0xFFFFF086  }
0x25: {  	[simem:s6], [sflag:s4] =	dma.local [hbm:s3], $0xF7A  }
0x26: {  	[smem:$0x3F9D] =	sst s1;
	(tag) =	ssettag s2;
	_ =	strace s9  }
0x27: {  	s1 =	sld [smem:$0x3FAD]  }
0x28: {  	s2 =	sld [smem:$0x3FAE]  }
0x29: {  	s4 =	sld [smem:$0x3FB0]  }
0x2a: {  	p0 =	seq.s32 s5, $0x0;
	s5 =	sld [smem:$0x3FB1]  }
0x2b: {  	s6 =	sld [smem:$0x3FB2]  }
0x2c: {  	s7 =	sld [smem:$0x3FB3]  }
0x2d: {  	s3 =	simm.s32 $0x108;
	s8 =	sld [smem:$0x3FB4]  }
0x2e: {  	s3 =	simm.s32 @!p0 $0x1082;
	s9 =	sld [smem:$0x3FB5]  }
0x2f: {  	lr =	sadd.s32 s0, s3;
	s0 =	sld [smem:$0x3FAC]  }
0x30: {  	s3 =	sld [smem:$0x3FAF]  }
0x31: {  	[smem:$0x3FB8] =	sst s10  }
0x32: {  	s10 =	sld [smem:$0x3FB6];
	_ =	sdelay $0x3  }
0x33: {  	p0 =	seq.s32 s10, $0x1;
	s10 =	sld [smem:$0x3FB8];
	_ =	sdelay $0x3  }
0x34: {  	[smem:$0x3FB8] =	sst s10  }
0x35: {  	s10 =	sld [smem:$0x3FB7];
	_ =	sdelay $0x3  }
0x36: {  	p1 =	seq.s32 s10, $0x1;
	s10 =	sld [smem:$0x3FB8];
	_ =	sdelay $0x3  }
0x37: {  	[smem:$0x3FB8] =	sst s10  }
0x38: {  	s10 =	sld [smem:$0x3FB9]  }
0x39: {  	_ = 	snop;
	(pc) =	sbr.ind lr, $3  }
0x3a: {  	_ = 	snop  }
0x3b: {  	_ = 	snop  }
0x3c: {  	p2 =	seq.s32 s10, $0x1;
	s10 =	sld [smem:$0x3FB8]  }
0x3d: {  	_ =	shalt  }
0x3e: {  	_ =	shalt  }
0x3f: {  	_ =	shalt  }
0x40: {  	_ =	shalt  }
0x41: {  	_ =	shalt  }
0x42: {  	_ =	shalt  }
0x43: {  	_ =	shalt  }
0x44: {  	_ =	shalt  }
0x45: {  	_ =	shalt  }
0x46: {  	_ =	shalt  }
0x47: {  	_ =	shalt  }
0x48: {  	_ =	shalt  }
0x49: {  	_ =	shalt  }
0x4a: {  	_ =	shalt  }
0x4b: {  	_ =	shalt  }
0x4c: {  	_ =	shalt  }
0x4d: {  	_ =	shalt  }
0x4e: {  	_ =	shalt  }
0x4f: {  	_ =	shalt  }
0x50: {  	_ =	shalt  }
0x51: {  	_ =	shalt  }
0x52: {  	_ =	shalt  }
0x53: {  	_ =	shalt  }
0x54: {  	_ =	shalt  }
0x55: {  	_ =	shalt  }
0x56: {  	_ =	shalt  }
0x57: {  	_ =	shalt  }
0x58: {  	_ =	shalt  }
0x59: {  	_ =	shalt  }
0x5a: {  	_ =	shalt  }
0x5b: {  	_ =	shalt  }
0x5c: {  	_ =	shalt  }
0x5d: {  	_ =	shalt  }
0x5e: {  	_ =	shalt  }
0x5f: {  	_ =	shalt  }
0x60: {  	_ =	shalt  }
0x61: {  	_ =	shalt  }
0x62: {  	_ =	shalt  }
0x63: {  	_ =	shalt  }
0x64: {  	_ =	shalt  }
0x65: {  	_ =	shalt  }
0x66: {  	_ =	shalt  }
0x67: {  	_ =	shalt  }
0x68: {  	_ =	shalt  }
0x69: {  	_ =	shalt  }
0x6a: {  	_ =	shalt  }
0x6b: {  	_ =	shalt  }
0x6c: {  	_ =	shalt  }
0x6d: {  	_ =	shalt  }
0x6e: {  	_ =	shalt  }
0x6f: {  	_ =	shalt  }
0x70: {  	_ =	shalt  }
0x71: {  	_ =	shalt  }
0x72: {  	_ =	shalt  }
0x73: {  	_ =	shalt  }
0x74: {  	_ =	shalt  }
0x75: {  	_ =	shalt  }
0x76: {  	_ =	shalt  }
0x77: {  	_ =	shalt  }
0x78: {  	_ =	shalt  }
0x79: {  	_ =	shalt  }
0x7a: {  	_ =	shalt  }
0x7b: {  	_ =	shalt  }
0x7c: {  	_ =	shalt  }
0x7d: {  	_ =	shalt  }
0x7e: {  	_ =	shalt  }
0x7f: {  	_ =	shalt  }
0x80: {  	_ =	shalt  }
0x81: {  	_ =	shalt  }
0x82: {  	_ =	shalt  }
0x83: {  	_ =	shalt  }
0x84: {  	_ =	shalt  }
0x85: {  	_ =	shalt  }
0x86: {  	_ =	shalt  }
0x87: {  	_ =	shalt  }
.Lfunc_end0:
.L_simem_size_0:
called_computation.1_lowered:
.L_overlay_start_0:
0x88: {  	s2 =	sld [smem:$0x3FD9]  }
0x89: {  	s3 =	sld [smem:$0x3FFE];
	_ =	sdelay $0x1  }
0x8a: {  	s1 =	srdreg.scid  }
0x8b: {  	s0 =	sand.u32 $0x1, s1  }
0x8c: {  	s17 =	sshll.u32 s0, $0xA;
	s2 =	sadd.s32 s3, s2  }
0x8d: {  	s2 =	sadd.s32 s2, s17  }
0x8e: {  	[smem:$0x3FC4] =	sst s2  }
0x8f: {  	_ = 	snop  }
0x90: {  	s2 =	sld [smem:$0x3FC8]  }
0x91: {  	s18 =	sld [smem:$0x3FD0];
	(tm) =	ssettm $0x1  }
0x92: {  	s4 =	sld [smem:$0x3FFB];
	_ =	sdelay $0x3  }
0x93: {  	_ =	strace s4  }
0x94: {  	s4 =	sld [smem:$0x3FFC];
	_ =	sdelay $0x3  }
0x95: {  	_ =	strace s4  }
0x96: {  	s4 =	sld [smem:$0x3FFD];
	_ =	sdelay $0x3  }
0x97: {  	_ =	strace s4  }
0x98: {  	_ =	strace $0x8FFFFFFF  }
0x99: {  	s19 =	sld [smem:$0x3FDB];
	_ =	sdelay $0x1  }
0x9a: {  	s5 =	simm.s32 $_scs_section_size  }
0x9b: {  	s6 =	simm.s32 $_size__tile_overlayer_lowered;
	s7 =	simm.s32 $_tile_overlayer_lowered  }
0x9c: {  	s22 =	simm.s32 $0x1BFF;
	s21 =	sshll.u32 s7, $0x1;
	s4 =	sadd.s32 s5, s19  }
0x9d: {  	s8 =	simm.s32 $0x0;
	s20 =	sshll.u32 s6, $0x1;
	s6 =	sadd.s32 s21, s4  }
0x9e: {  	[timem:s8], [sflag:s22] =	dma.local [hbm:s6], s20  }
0x9f: {  	_ =	swait.ge [sflag:s22], s20  }
0xa0: {  	s5 =	ssub.s32 $0x0, s20;
	[sflag:s22] =	ssyncset.done $0x0  }
0xa1: {  	[sflag:s22] =	ssyncadd.s32 s5;
	_ =	sdelay $0x1  }
0xa2: {  	s23 =	simm.s32 $0x1B8B  }
0xa3: {  	_ =	swait.ge [sflag:s23], $0x1  }
0xa4: {  	[sflag:s23] =	ssyncset.done $0x0  }
0xa5: {  	s25 =	simm.s32 $0x1B8E;
	s24 =	sld [smem:$0x3FFE];
	[sflag:s23] =	ssyncadd.s32 $0xFFFFFFFF  }
0xa6: {  	s26 =	simm.s32 $execute0_lowered;
	[smem:$0x3FD2] =	sst s25  }
0xa7: {  	s6 =	sshll.u32 s26, $0x1;
	_ =	strace $0x80000049;
	[dreg:$0x1] =	wrdreg $0xFFFFFFFF  }
0xa8: {  	s28 =	simm.s32 $_size_execute0_lowered;
	s4 =	sadd.s32 s4, s6;
	[dreg:$0x0] =	wrdreg $0x0  }
0xa9: {  	s6 =	sshll.u32 s28, $0x1;
	[dreg:$0x2] =	wrdreg s4  }
0xaa: {  	[dreg:$0x3] =	wrdreg s6  }
0xab: {  	[dreg:$0x4] =	wrdreg $0xC0  }
0xac: {  	_ =	task [dreg:s8], $0x5FFFF  }
0xad: {  	[dreg:$0x1] =	wrdreg $0xFFFFFFFF  }
0xae: {  	[dreg:$0x0] =	wrdreg $0x60  }
0xaf: {  	[dreg:$0x2] =	wrdreg s2  }
0xb0: {  	[dreg:$0x3] =	wrdreg s24  }
0xb1: {  	[dreg:$0x4] =	wrdreg s18  }
0xb2: {  	[dreg:$0x5] =	wrdreg $0x9  }
0xb3: {  	_ =	task.clear_ibuf [dreg:s8], $0x6FFFF;
	_ =	strace $0x90000049  }
0xb4: {  	s29 =	simm.s32 $0x9;
	_ =	strace $0x8000004B  }
0xb5: {  	_ =	swait.ge [sflag:s29], $0x1  }
0xb6: {  	[sflag:s29] =	ssyncadd.s32 $0xFFFFFFFF  }
0xb7: {  	_ =	strace $0x9000004B  }
0xb8: {  	_ =	sfence  }
0xb9: {  	s30 =	sld [smem:$0x0];
	_ =	sdelay $0x2  }
0xba: {  	s31 =	sshll.u32 s1, $0xD;
	s1 =	sshrl.u32 s1, $0x2  }
0xbb: {  	s3 =	sand.u32 $0x4000, s31;
	s1 =	sadd.s32 s1, s30  }
0xbc: {  	s0 =	sor.u32 s3, s0;
	s1 =	sshll.u32 s1, $0x11  }
0xbd: {  	s0 =	sor.u32 s1, s0  }
0xbe: {  	s0 =	sadd.s32 $0x8F2B, s0  }
0xbf: {  	[sflag:s0] =	ssyncadd.remote.s32 $0x1  }
0xc0: {  	_ =	sfence.sel $0xFFFF  }
0xc1: {  	[dreg:$0x0] =	wrdreg $0xFFFFFFFF;
	(pc) =	sbr.abs _section_cstart, $3  }
0xc2: {  	[dreg:$0x1] =	wrdreg $0xFFFFFFFF  }
0xc3: {  	_ =	task.clear_ibuf [dreg:s8], $0x2FFFF;
	_ =	strace $0x9FFFFFFF  }
0xc4: {  	(tm) =	ssettm $0x7FFFFFFF  }
0xc5: {  	_ =	shalt  }
tec
execute0_lowered:
.L_overlay_start_1:
0x0: {  	(tag) =	ssettag $0x1  }
0x1: {  	s10 =	rddreg [dreg:$0x0];
	s0 =	srdreg.scid  }
0x2: {  	s2 =	rddreg [dreg:$0x1];
	s3 =	stileid.u32  }
0x3: {  	s5 =	rddreg [dreg:$0x2];
	s9 =	simm.s32 $0x3;
	s31 =	simm.s32 $0x1  }
0x4: {  	s11 =	simm.s32 $0x2;
	s20 =	simm.s32 $0x80;
	s13 =	simm.s32 $0x880  }
0x5: {  	s14 =	simm.s32 $0x1080;
	s15 =	simm.s32 $0x1880;
	s16 =	simm.s32 $0x2080  }
0x6: {  	s17 =	simm.s32 $0x2880;
	s18 =	simm.s32 $0x3080;
	s19 =	simm.s32 $0x3880  }
0x7: {  	s21 =	simm.s32 $0x4080;
	s28 =	simm.s32 $0x7880;
	s29 =	simm.s32 $0x8080  }
0x8: {  	s30 =	simm.s32 $0x8880;
	s1 =	simm.s32 $0x3800;
	s0 =	sand.u32 $0x1, s0  }
0x9: {  	s4 =	sshll.u32 s3, $0x4;
	s3 =	simm.s32 $0x0;
	s6 =	sshll.u32 s0, $0x3  }
0xa: {  	[smem:$0x7FF] =	sst s3;
	s0 =	ssub.s32 $0x2, s0;
	s4 =	sor.u32 s6, s4  }
0xb: {  	s7 =	sshrl.u32 s0, $0x1;
	s6 =	smul.u32 $0x700, s4;
	s2 =	sadd.s32 s4, s2  }
0xc: {  	_ =	strace $0x8000004A;
	s4 =	smul.u32 $0x3800, s4;
	s2 =	sadd.s32 $0x1400, s2  }
0xd: {  	s0 =	ssub.s32 s0, s7;
	s7 =	sadd.s32 $0x400, s10;
	[dreg:$0x4] =	wrdreg s2  }
0xe: {  	s22 =	sadd.s32 s6, s5;
	s23 =	sshrl.u32 s4, $0x3;
	s4 =	sadd.s32 $0x100, s10  }
0xf: {  	s6 =	sadd.s32 $0x300, s10;
	s2 =	sadd.s32 $0x200, s22;
	s8 =	sadd.s32 s5, s23  }
0x10: {  	s5 =	sadd.s32 $0x200, s10;
	[dreg:$0x5] =	wrdreg s2;
	s24 =	sadd.s32 $0x1000, s8  }
0x11: {  	s22 =	simm.s32 $0x4880;
	s25 =	sadd.s32 $0x1E00, s8;
	[dreg:$0x6] =	wrdreg s24  }
0x12: {  	v2 =	vlaneseq.u32;
	s23 =	simm.s32 $0x5880;
	s26 =	sadd.s32 $0x2C00, s8;
	[dreg:$0x7] =	wrdreg s25  }
0x13: {  	vm0 =	vmmov $0xffff;
	v1 =	vshrl.u32 v2, $0x3;
	s8 =	smax.u32 s0, $0x1;
	s2 =	simm.s32 $0x5080;
	[dreg:$0x8] =	wrdreg s26  }
0x14: {  	v0 =	vand.u32 $0x7, v2;
	v2 =	vor.u32 $0x8, v2;
	v1 =	vmul.u32 $0x8, v1;
	s24 =	simm.s32 $0x6080;
	s25 =	simm.s32 $0x6880;
	s26 =	simm.s32 $0x7080  }
.LBB2_1:
0x15: {  	s12 =	rddreg [dreg:$0x4]  }
0x16: {  	[tilespmem:s3], [sflag:$0x3] =	stream.linear.gather [hbm4b:s12+s3], $0x40, $0x38;
	[tilespmem:$0xA080] =	vst v63  }
0x17: {  	_ =	swait.ge [sflag:s9], $0x40  }
0x18: {  	[sflag:s9] =	ssyncset.done $0x0  }
0x19: {  	[sflag:s9] =	ssyncadd.s32 $0xFFFFFFC0  }
0x1a: {  	v3 =	vld [tilespmem:$0x0];
	_ =	sdelay $0x4  }
0x1b: {  	v4 =	vshrl.u32 v3, $0x3  }
0x1c: {  	v4 =	vmul.u32 $0x50, v4  }
0x1d: {  	v3 =	vand.u32 $0x7, v3  }
0x1e: {  	v3 =	vor.u32 v3, v4  }
0x1f: {  	v4 =	vperm.xlane v3, v0;
	_ =	sdelay $0x1  }
0x20: {  	v4 =	vadd.s32 v1, v4;
	_ =	sdelay $0x4  }
0x21: {  	[tilespmem:s20], [sflag:$0x1] =	stream.indirect_vreg.gather [hbm4b:s10+s3], $0x80, v4, vm0, $0xb8;
	[tilespmem:$0xA080] =	vst v63  }
0x22: {  	_ = 	snop  }
0x23: {  	[tilespmem:s13], [sflag:$0x1] =	stream.indirect_vreg.gather [hbm4b:s4+s3], $0x80, v4, vm0, $0xb8;
	[tilespmem:$0xA080] =	vst v63  }
0x24: {  	v3 =	vperm.xlane v3, v2  }
0x25: {  	[tilespmem:s14], [sflag:$0x1] =	stream.indirect_vreg.gather [hbm4b:s5+s3], $0x80, v4, vm0, $0xb8;
	[tilespmem:$0xA080] =	vst v63  }
0x26: {  	v3 =	vadd.s32 v1, v3  }
0x27: {  	[tilespmem:s15], [sflag:$0x1] =	stream.indirect_vreg.gather [hbm4b:s6+s3], $0x80, v4, vm0, $0xb8;
	[tilespmem:$0xA080] =	vst v63  }
0x28: {  	_ = 	snop  }
0x29: {  	[tilespmem:s16], [sflag:$0x1] =	stream.indirect_vreg.gather [hbm4b:s7+s3], $0x80, v4, vm0, $0xb8;
	[tilespmem:$0xA080] =	vst v63  }
0x2a: {  	_ = 	snop  }
0x2b: {  	[tilespmem:s17], [sflag:$0x1] =	stream.indirect_vreg.gather [hbm4b:s10+s3], $0x80, v3, vm0, $0xb8;
	[tilespmem:$0xA080] =	vst v63  }
0x2c: {  	_ = 	snop  }
0x2d: {  	[tilespmem:s18], [sflag:$0x1] =	stream.indirect_vreg.gather [hbm4b:s4+s3], $0x80, v3, vm0, $0xb8;
	[tilespmem:$0xA080] =	vst v63  }
0x2e: {  	_ = 	snop  }
0x2f: {  	[tilespmem:s19], [sflag:$0x1] =	stream.indirect_vreg.gather [hbm4b:s5+s3], $0x80, v3, vm0, $0xb8;
	[tilespmem:$0xA080] =	vst v63  }
0x30: {  	_ = 	snop  }
0x31: {  	[tilespmem:s21], [sflag:$0x1] =	stream.indirect_vreg.gather [hbm4b:s6+s3], $0x80, v3, vm0, $0xb8;
	[tilespmem:$0xA080] =	vst v63  }
0x32: {  	_ = 	snop  }
0x33: {  	[tilespmem:s22], [sflag:$0x1] =	stream.indirect_vreg.gather [hbm4b:s7+s3], $0x80, v3, vm0, $0xb8;
	[tilespmem:$0xA080] =	vst v63  }
0x34: {  	v3 =	vld [tilespmem:$0x10];
	_ =	sdelay $0x4  }
0x35: {  	v61 =	vshrl.u32 v3, $0x3  }
0x36: {  	v4 =	vmul.u32 $0x50, v61  }
0x37: {  	v3 =	vand.u32 $0x7, v3  }
0x38: {  	v3 =	vor.u32 v3, v4  }
0x39: {  	v4 =	vperm.xlane v3, v0;
	_ =	sdelay $0x1  }
0x3a: {  	v4 =	vadd.s32 v1, v4;
	_ =	sdelay $0x4  }
0x3b: {  	[tilespmem:s2], [sflag:$0x2] =	stream.indirect_vreg.gather [hbm4b:s10+s3], $0x80, v4, vm0, $0xb8;
	[tilespmem:$0xA080] =	vst v63  }
0x3c: {  	_ = 	snop  }
0x3d: {  	[tilespmem:s23], [sflag:$0x2] =	stream.indirect_vreg.gather [hbm4b:s4+s3], $0x80, v4, vm0, $0xb8;
	[tilespmem:$0xA080] =	vst v63  }
0x3e: {  	v3 =	vperm.xlane v3, v2  }
0x3f: {  	[tilespmem:s24], [sflag:$0x2] =	stream.indirect_vreg.gather [hbm4b:s5+s3], $0x80, v4, vm0, $0xb8;
	[tilespmem:$0xA080] =	vst v63  }
0x40: {  	v3 =	vadd.s32 v1, v3  }
0x41: {  	[tilespmem:s25], [sflag:$0x2] =	stream.indirect_vreg.gather [hbm4b:s6+s3], $0x80, v4, vm0, $0xb8;
	[tilespmem:$0xA080] =	vst v63  }
0x42: {  	_ = 	snop  }
0x43: {  	[tilespmem:s26], [sflag:$0x2] =	stream.indirect_vreg.gather [hbm4b:s7+s3], $0x80, v4, vm0, $0xb8;
	[tilespmem:$0xA080] =	vst v63  }
0x44: {  	_ = 	snop  }
0x45: {  	[tilespmem:s28], [sflag:$0x2] =	stream.indirect_vreg.gather [hbm4b:s10+s3], $0x80, v3, vm0, $0xb8;
	[tilespmem:$0xA080] =	vst v63  }
0x46: {  	_ = 	snop  }
0x47: {  	[tilespmem:s29], [sflag:$0x2] =	stream.indirect_vreg.gather [hbm4b:s4+s3], $0x80, v3, vm0, $0xb8;
	[tilespmem:$0xA080] =	vst v63  }
0x48: {  	_ = 	snop  }
0x49: {  	[tilespmem:s30], [sflag:$0x2] =	stream.indirect_vreg.gather [hbm4b:s5+s3], $0x80, v3, vm0, $0xb8;
	[tilespmem:$0xA080] =	vst v63  }
0x4a: {  	s0 =	simm.s32 $0x9080  }
0x4b: {  	[tilespmem:s0], [sflag:$0x2] =	stream.indirect_vreg.gather [hbm4b:s6+s3], $0x80, v3, vm0, $0xb8;
	[tilespmem:$0xA080] =	vst v63  }
0x4c: {  	s12 =	simm.s32 $0x9880  }
0x4d: {  	[tilespmem:s12], [sflag:$0x2] =	stream.indirect_vreg.gather [hbm4b:s7+s3], $0x80, v3, vm0, $0xb8;
	[tilespmem:$0xA080] =	vst v63  }
0x4e: {  	_ =	swait.ge [sflag:s31], $0x5000  }
0x4f: {  	[sflag:s31] =	ssyncset.done $0x0  }
0x50: {  	s0 =	simm.s32 $0x2800;
	s12 =	rddreg [dreg:$0x5];
	[sflag:s31] =	ssyncadd.s32 $0xFFFFB000  }
0x51: {  	[hbm4b:s12+s0] =	stream.strided.scatter [tilespmem:s20], [sflag:$0x3], $0x5000, s1, s0, $0x38;
	[tilespmem:$0xA080] =	vst v63  }
0x52: {  	_ =	swait.ge [sflag:s9], $0x5000  }
0x53: {  	[sflag:s9] =	ssyncset.done $0x0  }
0x54: {  	[sflag:s9] =	ssyncadd.s32 $0xFFFFB000  }
0x55: {  	v3 =	vld [tilespmem:$0x20];
	_ =	sdelay $0x4  }
0x56: {  	v62 =	vshrl.u32 v3, $0x3  }
0x57: {  	v4 =	vmul.u32 $0x50, v62  }
0x58: {  	v3 =	vand.u32 $0x7, v3  }
0x59: {  	v3 =	vor.u32 v3, v4  }
0x5a: {  	v4 =	vperm.xlane v3, v0;
	_ =	sdelay $0x1  }
0x5b: {  	v4 =	vadd.s32 v1, v4;
	_ =	sdelay $0x4  }
0x5c: {  	[tilespmem:s20], [sflag:$0x1] =	stream.indirect_vreg.gather [hbm4b:s10+s3], $0x80, v4, vm0, $0xb8;
	[tilespmem:$0xA080] =	vst v63  }
0x5d: {  	_ = 	snop  }
0x5e: {  	[tilespmem:s13], [sflag:$0x1] =	stream.indirect_vreg.gather [hbm4b:s4+s3], $0x80, v4, vm0, $0xb8;
	[tilespmem:$0xA080] =	vst v63  }
0x5f: {  	v3 =	vperm.xlane v3, v2  }
0x60: {  	[tilespmem:s14], [sflag:$0x1] =	stream.indirect_vreg.gather [hbm4b:s5+s3], $0x80, v4, vm0, $0xb8;
	[tilespmem:$0xA080] =	vst v63  }
0x61: {  	v3 =	vadd.s32 v1, v3  }
0x62: {  	[tilespmem:s15], [sflag:$0x1] =	stream.indirect_vreg.gather [hbm4b:s6+s3], $0x80, v4, vm0, $0xb8;
	[tilespmem:$0xA080] =	vst v63  }
0x63: {  	_ = 	snop  }
0x64: {  	[tilespmem:s16], [sflag:$0x1] =	stream.indirect_vreg.gather [hbm4b:s7+s3], $0x80, v4, vm0, $0xb8;
	[tilespmem:$0xA080] =	vst v63  }
0x65: {  	_ = 	snop  }
0x66: {  	[tilespmem:s17], [sflag:$0x1] =	stream.indirect_vreg.gather [hbm4b:s10+s3], $0x80, v3, vm0, $0xb8;
	[tilespmem:$0xA080] =	vst v63  }
0x67: {  	_ = 	snop  }
0x68: {  	[tilespmem:s18], [sflag:$0x1] =	stream.indirect_vreg.gather [hbm4b:s4+s3], $0x80, v3, vm0, $0xb8;
	[tilespmem:$0xA080] =	vst v63  }
0x69: {  	_ = 	snop  }
0x6a: {  	[tilespmem:s19], [sflag:$0x1] =	stream.indirect_vreg.gather [hbm4b:s5+s3], $0x80, v3, vm0, $0xb8;
	[tilespmem:$0xA080] =	vst v63  }
0x6b: {  	_ = 	snop  }
0x6c: {  	[tilespmem:s21], [sflag:$0x1] =	stream.indirect_vreg.gather [hbm4b:s6+s3], $0x80, v3, vm0, $0xb8;
	[tilespmem:$0xA080] =	vst v63  }
0x6d: {  	_ = 	snop  }
0x6e: {  	[tilespmem:s22], [sflag:$0x1] =	stream.indirect_vreg.gather [hbm4b:s7+s3], $0x80, v3, vm0, $0xb8;
	[tilespmem:$0xA080] =	vst v63  }
0x6f: {  	_ =	swait.ge [sflag:s11], $0x5000  }
0x70: {  	[sflag:s11] =	ssyncset.done $0x0  }
0x71: {  	s12 =	rddreg [dreg:$0x6];
	[sflag:s11] =	ssyncadd.s32 $0xFFFFB000  }
0x72: {  	[hbm4b:s12+s0] =	stream.strided.scatter [tilespmem:s2], [sflag:$0x3], $0x5000, s1, s0, $0x38;
	[tilespmem:$0xA080] =	vst v63  }
0x73: {  	_ =	swait.ge [sflag:s9], $0x5000  }
0x74: {  	[sflag:s9] =	ssyncset.done $0x0  }
0x75: {  	[sflag:s9] =	ssyncadd.s32 $0xFFFFB000  }
0x76: {  	v3 =	vld [tilespmem:$0x30];
	_ =	sdelay $0x4  }
0x77: {  	v63 =	vshrl.u32 v3, $0x3  }
0x78: {  	v4 =	vmul.u32 $0x50, v63  }
0x79: {  	v3 =	vand.u32 $0x7, v3  }
0x7a: {  	v3 =	vor.u32 v3, v4  }
0x7b: {  	v4 =	vperm.xlane v3, v0;
	_ =	sdelay $0x1  }
0x7c: {  	v4 =	vadd.s32 v1, v4;
	_ =	sdelay $0x4  }
0x7d: {  	[tilespmem:s2], [sflag:$0x2] =	stream.indirect_vreg.gather [hbm4b:s10+s3], $0x80, v4, vm0, $0xb8;
	[tilespmem:$0xA080] =	vst v63  }
0x7e: {  	_ = 	snop  }
0x7f: {  	[tilespmem:s23], [sflag:$0x2] =	stream.indirect_vreg.gather [hbm4b:s4+s3], $0x80, v4, vm0, $0xb8;
	[tilespmem:$0xA080] =	vst v63  }
0x80: {  	v3 =	vperm.xlane v3, v2  }
0x81: {  	[tilespmem:s24], [sflag:$0x2] =	stream.indirect_vreg.gather [hbm4b:s5+s3], $0x80, v4, vm0, $0xb8;
	[tilespmem:$0xA080] =	vst v63  }
0x82: {  	v3 =	vadd.s32 v1, v3  }
0x83: {  	[tilespmem:s25], [sflag:$0x2] =	stream.indirect_vreg.gather [hbm4b:s6+s3], $0x80, v4, vm0, $0xb8;
	[tilespmem:$0xA080] =	vst v63  }
0x84: {  	_ = 	snop  }
0x85: {  	[tilespmem:s26], [sflag:$0x2] =	stream.indirect_vreg.gather [hbm4b:s7+s3], $0x80, v4, vm0, $0xb8;
	[tilespmem:$0xA080] =	vst v63  }
0x86: {  	_ = 	snop  }
0x87: {  	[tilespmem:s28], [sflag:$0x2] =	stream.indirect_vreg.gather [hbm4b:s10+s3], $0x80, v3, vm0, $0xb8;
	[tilespmem:$0xA080] =	vst v63  }
0x88: {  	_ = 	snop  }
0x89: {  	[tilespmem:s29], [sflag:$0x2] =	stream.indirect_vreg.gather [hbm4b:s4+s3], $0x80, v3, vm0, $0xb8;
	[tilespmem:$0xA080] =	vst v63  }
0x8a: {  	_ = 	snop  }
0x8b: {  	[tilespmem:s30], [sflag:$0x2] =	stream.indirect_vreg.gather [hbm4b:s5+s3], $0x80, v3, vm0, $0xb8;
	[tilespmem:$0xA080] =	vst v63  }
0x8c: {  	s12 =	simm.s32 $0x9080  }
0x8d: {  	[tilespmem:s12], [sflag:$0x2] =	stream.indirect_vreg.gather [hbm4b:s6+s3], $0x80, v3, vm0, $0xb8;
	[tilespmem:$0xA080] =	vst v63  }
0x8e: {  	s12 =	simm.s32 $0x9880  }
0x8f: {  	[tilespmem:s12], [sflag:$0x2] =	stream.indirect_vreg.gather [hbm4b:s7+s3], $0x80, v3, vm0, $0xb8;
	[tilespmem:$0xA080] =	vst v63  }
0x90: {  	_ =	swait.ge [sflag:s31], $0x5000  }
0x91: {  	[sflag:s31] =	ssyncset.done $0x0  }
0x92: {  	s12 =	rddreg [dreg:$0x7];
	[sflag:s31] =	ssyncadd.s32 $0xFFFFB000  }
0x93: {  	[hbm4b:s12+s0] =	stream.strided.scatter [tilespmem:s20], [sflag:$0x3], $0x5000, s1, s0, $0x38;
	[tilespmem:$0xA080] =	vst v63  }
0x94: {  	_ =	swait.ge [sflag:s9], $0x5000  }
0x95: {  	[sflag:s9] =	ssyncset.done $0x0  }
0x96: {  	[sflag:s9] =	ssyncadd.s32 $0xFFFFB000  }
0x97: {  	_ =	swait.ge [sflag:s11], $0x5000  }
0x98: {  	p0 =	sne.s32 s8, $0x1;
	[sflag:s11] =	ssyncset.done $0x0  }
.Ltmp0:
0x99: {  	s12 =	rddreg [dreg:$0x8];
	[sflag:s11] =	ssyncadd.s32 $0xFFFFB000;
	(pc) =	sbr.rel @p0 .LBB2_1-.Ltmp0, $4  }
0x9a: {  	[hbm4b:s12+s0] =	stream.strided.scatter [tilespmem:s2], [sflag:$0x3], $0x5000, s1, s0, $0x38;
	[tilespmem:$0xA080] =	vst v63  }
0x9b: {  	_ =	swait.ge [sflag:s9], $0x5000  }
0x9c: {  	[sflag:s9] =	ssyncset.done $0x0  }
0x9d: {  	s8 =	sadd.s32 $0xFFFFFFFF, s8;
	[sflag:s9] =	ssyncadd.s32 $0xFFFFB000  }
0x9e: {  	_ =	sfence.sel $0x180000  }
0x9f: {  	[bflag:$0x0] =	sbarrier.arrive $0xFFFF  }
0xa0: {  	_ =	strace $0x9000004A  }
0xa1: {  	s0 =	stileid.u32;
	[bflag:$0x2] =	sbarrier.arrive $0xFFFF  }
0xa2: {  	p0 =	sne.s32 s0, $0x0;
	s0 =	rddreg [dreg:$0x3]  }
0xa3: {  	s0 =	sadd.s32 @!p0 $0x100000, s0  }
0xa4: {  	[sflag:s0] =	ssyncadd.tile.s32 @!p0 $0x1;
	_ =	shalt  }
.Lfunc_end2:
_tile_overlayer_lowered:
.L_overlay_start_2:
0xa5: {  	(tag) =	ssettag $0x2  }
0xa6: {  	s0 =	rddreg [dreg:$0x0];
	s2 =	stileid.u32  }
0xa7: {  	s1 =	rddreg [dreg:$0x1];
	p0 =	sne.s32 s2, $0x0  }
0xa8: {  	s3 =	rddreg [dreg:$0x2];
	[bflag:$0x3] =	sbarrier.arrive $0xFFFF;
	s2 =	simm.s32 @!p0 $0x1C03  }
0xa9: {  	[timem:s3], [sflag:s2] =	dma.local @!p0 [hbm:s0], s1  }
0xaa: {  	s0 =	simm.s32 @!p0 $0x3  }
0xab: {  	_ =	swait.ge @!p0 [sflag:s0], s1  }
0xac: {  	s1 =	ssub.s32 @!p0 $0x0, s1;
	[sflag:s0] =	ssyncset.done @!p0 $0x0  }
0xad: {  	[sflag:s0] =	ssyncadd.s32 @!p0 s1  }
0xae: {  	[bflag:$0x3] =	sbarrier.arrive $0xFFFF  }
0xaf: {  	_ =	shalt  }

// kernel: kernel.13.cloned.1.call-start
scs
__scs_entry_jumppad:
0x0: {  	(pc) =	sbr.rel $0x88, $3  }
0x1: {  	(tag) =	ssettag $0x0;
	lr =	simm.s32 $0x1  }
0x2: {  	[smem:$0x3F9D] =	sst lr;
	_ =	strace $0xD0000000  }
0x3: {  	_ = 	snop  }
0x4: {  	_ = 	snop  }
0x5: {  	_ = 	snop  }
0x6: {  	_ = 	snop  }
0x7: {  	_ = 	snop  }
__scs_overlays_trampoline_lowered:
0x8: {  	[smem:$0x3FAC] =	sst s0  }
0x9: {  	[smem:$0x3FAD] =	sst s1  }
0xa: {  	[smem:$0x3FAE] =	sst s2  }
0xb: {  	[smem:$0x3FAF] =	sst s3  }
0xc: {  	[smem:$0x3FB0] =	sst s4  }
0xd: {  	[smem:$0x3FB1] =	sst s5  }
0xe: {  	[smem:$0x3FB2] =	sst s6  }
0xf: {  	[smem:$0x3FB3] =	sst s7  }
0x10: {  	[smem:$0x3FB4] =	sst s8  }
0x11: {  	[smem:$0x3FB5] =	sst s9;
	s0 =	simm.s32 @!p0 $0x0  }
0x12: {  	s1 =	sld [smem:$0x3F9B];
	s0 =	simm.s32 @p0 $0x1  }
0x13: {  	[smem:$0x3FB6] =	sst s0;
	s0 =	simm.s32 @!p1 $0x0  }
0x14: {  	s2 =	sld [smem:$0x3F9A];
	s0 =	simm.s32 @p1 $0x1  }
0x15: {  	[smem:$0x3FB7] =	sst s0;
	s0 =	simm.s32 @!p2 $0x0  }
0x16: {  	s3 =	sld [smem:$0x3FDB];
	s0 =	simm.s32 @p2 $0x1  }
0x17: {  	s4 =	simm.s32 $0x1BF5;
	[smem:$0x3FB9] =	sst s0  }
0x18: {  	s0 =	sld [smem:$0x3F9C];
	_ =	swait.ge [sflag:s4], $0x0  }
0x19: {  	s7 =	sld [smem:$0x3F9D]  }
0x1a: {  	s8 =	sadd.s32 $0xFFFFE003, lr  }
0x1b: {  	s9 =	sadd.s32 $0xFFFFFEF7, lr;
	s5 =	simm.s32 $0xFFFFFFFF;
	p2 =	slt.u32 s8, $0xFFFFF086  }
0x1c: {  	p1 =	slt.u32 s9, $0xF7A;
	s5 =	simm.s32 @!p2 $0x0  }
0x1d: {  	s5 =	simm.s32 @p1 $0x1;
	p0 =	seq.s32 s7, s2  }
0x1e: {  	s7 =	smul.u32 @!p0 $0xF7A, s2;
	p2 =	seq.s32 @!p0 s5, $0x0  }
0x1f: {  	s9 =	smul.u32 $0xF7A, s1;
	s8 =	simm.s32 @!p0 $0x1BF5;
	p2 =	por !p2, p0  }
0x20: {  	[sflag:s8] =	ssyncset.s32 @!p0 $0xFFFFF086;
	s6 =	sadd.s32 @!p0 s3, s7;
	s7 =	simm.s32 @!p0 $0x108  }
0x21: {  	s3 =	sadd.s32 s3, s9;
	s6 =	sadd.s32 @!p0 $0x88, s6;
	s7 =	simm.s32 @p2 $0x1082  }
0x22: {  	[simem:s7], [sflag:s8] =	dma.local @!p0 [hbm:s6], $0xF7A  }
0x23: {  	s9 =	sor.u32 $0xD0000000, s2;
	s6 =	simm.s32 $0x108;
	_ =	swait.ge @!p0 [sflag:s8], $0x0  }
0x24: {  	s3 =	sadd.s32 $0x88, s3;
	s6 =	simm.s32 @!p1 $0x1082;
	[sflag:s4] =	ssyncset.s32 $0xFFFFF086  }
0x25: {  	[simem:s6], [sflag:s4] =	dma.local [hbm:s3], $0xF7A  }
0x26: {  	[smem:$0x3F9D] =	sst s1;
	(tag) =	ssettag s2;
	_ =	strace s9  }
0x27: {  	s1 =	sld [smem:$0x3FAD]  }
0x28: {  	s2 =	sld [smem:$0x3FAE]  }
0x29: {  	s4 =	sld [smem:$0x3FB0]  }
0x2a: {  	p0 =	seq.s32 s5, $0x0;
	s5 =	sld [smem:$0x3FB1]  }
0x2b: {  	s6 =	sld [smem:$0x3FB2]  }
0x2c: {  	s7 =	sld [smem:$0x3FB3]  }
0x2d: {  	s3 =	simm.s32 $0x108;
	s8 =	sld [smem:$0x3FB4]  }
0x2e: {  	s3 =	simm.s32 @!p0 $0x1082;
	s9 =	sld [smem:$0x3FB5]  }
0x2f: {  	lr =	sadd.s32 s0, s3;
	s0 =	sld [smem:$0x3FAC]  }
0x30: {  	s3 =	sld [smem:$0x3FAF]  }
0x31: {  	[smem:$0x3FB8] =	sst s10  }
0x32: {  	s10 =	sld [smem:$0x3FB6];
	_ =	sdelay $0x3  }
0x33: {  	p0 =	seq.s32 s10, $0x1;
	s10 =	sld [smem:$0x3FB8];
	_ =	sdelay $0x3  }
0x34: {  	[smem:$0x3FB8] =	sst s10  }
0x35: {  	s10 =	sld [smem:$0x3FB7];
	_ =	sdelay $0x3  }
0x36: {  	p1 =	seq.s32 s10, $0x1;
	s10 =	sld [smem:$0x3FB8];
	_ =	sdelay $0x3  }
0x37: {  	[smem:$0x3FB8] =	sst s10  }
0x38: {  	s10 =	sld [smem:$0x3FB9]  }
0x39: {  	_ = 	snop;
	(pc) =	sbr.ind lr, $3  }
0x3a: {  	_ = 	snop  }
0x3b: {  	_ = 	snop  }
0x3c: {  	p2 =	seq.s32 s10, $0x1;
	s10 =	sld [smem:$0x3FB8]  }
0x3d: {  	_ =	shalt  }
0x3e: {  	_ =	shalt  }
0x3f: {  	_ =	shalt  }
0x40: {  	_ =	shalt  }
0x41: {  	_ =	shalt  }
0x42: {  	_ =	shalt  }
0x43: {  	_ =	shalt  }
0x44: {  	_ =	shalt  }
0x45: {  	_ =	shalt  }
0x46: {  	_ =	shalt  }
0x47: {  	_ =	shalt  }
0x48: {  	_ =	shalt  }
0x49: {  	_ =	shalt  }
0x4a: {  	_ =	shalt  }
0x4b: {  	_ =	shalt  }
0x4c: {  	_ =	shalt  }
0x4d: {  	_ =	shalt  }
0x4e: {  	_ =	shalt  }
0x4f: {  	_ =	shalt  }
0x50: {  	_ =	shalt  }
0x51: {  	_ =	shalt  }
0x52: {  	_ =	shalt  }
0x53: {  	_ =	shalt  }
0x54: {  	_ =	shalt  }
0x55: {  	_ =	shalt  }
0x56: {  	_ =	shalt  }
0x57: {  	_ =	shalt  }
0x58: {  	_ =	shalt  }
0x59: {  	_ =	shalt  }
0x5a: {  	_ =	shalt  }
0x5b: {  	_ =	shalt  }
0x5c: {  	_ =	shalt  }
0x5d: {  	_ =	shalt  }
0x5e: {  	_ =	shalt  }
0x5f: {  	_ =	shalt  }
0x60: {  	_ =	shalt  }
0x61: {  	_ =	shalt  }
0x62: {  	_ =	shalt  }
0x63: {  	_ =	shalt  }
0x64: {  	_ =	shalt  }
0x65: {  	_ =	shalt  }
0x66: {  	_ =	shalt  }
0x67: {  	_ =	shalt  }
0x68: {  	_ =	shalt  }
0x69: {  	_ =	shalt  }
0x6a: {  	_ =	shalt  }
0x6b: {  	_ =	shalt  }
0x6c: {  	_ =	shalt  }
0x6d: {  	_ =	shalt  }
0x6e: {  	_ =	shalt  }
0x6f: {  	_ =	shalt  }
0x70: {  	_ =	shalt  }
0x71: {  	_ =	shalt  }
0x72: {  	_ =	shalt  }
0x73: {  	_ =	shalt  }
0x74: {  	_ =	shalt  }
0x75: {  	_ =	shalt  }
0x76: {  	_ =	shalt  }
0x77: {  	_ =	shalt  }
0x78: {  	_ =	shalt  }
0x79: {  	_ =	shalt  }
0x7a: {  	_ =	shalt  }
0x7b: {  	_ =	shalt  }
0x7c: {  	_ =	shalt  }
0x7d: {  	_ =	shalt  }
0x7e: {  	_ =	shalt  }
0x7f: {  	_ =	shalt  }
0x80: {  	_ =	shalt  }
0x81: {  	_ =	shalt  }
0x82: {  	_ =	shalt  }
0x83: {  	_ =	shalt  }
0x84: {  	_ =	shalt  }
0x85: {  	_ =	shalt  }
0x86: {  	_ =	shalt  }
0x87: {  	_ =	shalt  }
.Lfunc_end0:
.L_simem_size_0:
called_computation.2_lowered:
.L_overlay_start_0:
0x88: {  	s2 =	sld [smem:$0x3FD9]  }
0x89: {  	s3 =	sld [smem:$0x3FFE];
	_ =	sdelay $0x1  }
0x8a: {  	s1 =	srdreg.scid  }
0x8b: {  	s0 =	sand.u32 $0x1, s1  }
0x8c: {  	s17 =	sshll.u32 s0, $0xA;
	s2 =	sadd.s32 s3, s2  }
0x8d: {  	s2 =	sadd.s32 s2, s17  }
0x8e: {  	[smem:$0x3FC4] =	sst s2  }
0x8f: {  	_ = 	snop  }
0x90: {  	s2 =	sld [smem:$0x3FC8]  }
0x91: {  	s18 =	sld [smem:$0x3FD0];
	(tm) =	ssettm $0x1  }
0x92: {  	s4 =	sld [smem:$0x3FFB];
	_ =	sdelay $0x3  }
0x93: {  	_ =	strace s4  }
0x94: {  	s4 =	sld [smem:$0x3FFC];
	_ =	sdelay $0x3  }
0x95: {  	_ =	strace s4  }
0x96: {  	s4 =	sld [smem:$0x3FFD];
	_ =	sdelay $0x3  }
0x97: {  	_ =	strace s4  }
0x98: {  	_ =	strace $0x8FFFFFFF  }
0x99: {  	s19 =	sld [smem:$0x3FDB];
	_ =	sdelay $0x1  }
0x9a: {  	s5 =	simm.s32 $_scs_section_size  }
0x9b: {  	s6 =	simm.s32 $_size__tile_overlayer_lowered;
	s7 =	simm.s32 $_tile_overlayer_lowered  }
0x9c: {  	s22 =	simm.s32 $0x1BFF;
	s21 =	sshll.u32 s7, $0x1;
	s4 =	sadd.s32 s5, s19  }
0x9d: {  	s8 =	simm.s32 $0x0;
	s20 =	sshll.u32 s6, $0x1;
	s6 =	sadd.s32 s21, s4  }
0x9e: {  	[timem:s8], [sflag:s22] =	dma.local [hbm:s6], s20  }
0x9f: {  	_ =	swait.ge [sflag:s22], s20  }
0xa0: {  	s5 =	ssub.s32 $0x0, s20;
	[sflag:s22] =	ssyncset.done $0x0  }
0xa1: {  	[sflag:s22] =	ssyncadd.s32 s5;
	_ =	sdelay $0x1  }
0xa2: {  	s23 =	simm.s32 $0x1B8B  }
0xa3: {  	_ =	swait.ge [sflag:s23], $0x1  }
0xa4: {  	[sflag:s23] =	ssyncset.done $0x0  }
0xa5: {  	s25 =	simm.s32 $0x1B8E;
	s24 =	sld [smem:$0x3FFE];
	[sflag:s23] =	ssyncadd.s32 $0xFFFFFFFF  }
0xa6: {  	s26 =	simm.s32 $execute0_lowered;
	[smem:$0x3FD2] =	sst s25  }
0xa7: {  	s6 =	sshll.u32 s26, $0x1;
	_ =	strace $0x8000004C;
	[dreg:$0x1] =	wrdreg $0xFFFFFFFF  }
0xa8: {  	s28 =	simm.s32 $_size_execute0_lowered;
	s4 =	sadd.s32 s4, s6;
	[dreg:$0x0] =	wrdreg $0x0  }
0xa9: {  	s6 =	sshll.u32 s28, $0x1;
	[dreg:$0x2] =	wrdreg s4  }
0xaa: {  	[dreg:$0x3] =	wrdreg s6  }
0xab: {  	[dreg:$0x4] =	wrdreg $0xC0  }
0xac: {  	_ =	task [dreg:s8], $0x5FFFF  }
0xad: {  	[dreg:$0x1] =	wrdreg $0xFFFFFFFF  }
0xae: {  	[dreg:$0x0] =	wrdreg $0x60  }
0xaf: {  	[dreg:$0x2] =	wrdreg s2  }
0xb0: {  	[dreg:$0x3] =	wrdreg s24  }
0xb1: {  	[dreg:$0x4] =	wrdreg s18  }
0xb2: {  	[dreg:$0x5] =	wrdreg $0x9  }
0xb3: {  	_ =	task.clear_ibuf [dreg:s8], $0x6FFFF;
	_ =	strace $0x9000004C  }
0xb4: {  	s29 =	simm.s32 $0x9;
	_ =	strace $0x8000004E  }
0xb5: {  	_ =	swait.ge [sflag:s29], $0x1  }
0xb6: {  	[sflag:s29] =	ssyncadd.s32 $0xFFFFFFFF  }
0xb7: {  	_ =	strace $0x9000004E  }
0xb8: {  	_ =	sfence  }
0xb9: {  	s30 =	sld [smem:$0x0];
	_ =	sdelay $0x2  }
0xba: {  	s31 =	sshll.u32 s1, $0xD;
	s1 =	sshrl.u32 s1, $0x2  }
0xbb: {  	s3 =	sand.u32 $0x4000, s31;
	s1 =	sadd.s32 s1, s30  }
0xbc: {  	s0 =	sor.u32 s3, s0;
	s1 =	sshll.u32 s1, $0x11  }
0xbd: {  	s0 =	sor.u32 s1, s0  }
0xbe: {  	s0 =	sadd.s32 $0x8F2B, s0  }
0xbf: {  	[sflag:s0] =	ssyncadd.remote.s32 $0x1  }
0xc0: {  	_ =	sfence.sel $0xFFFF  }
0xc1: {  	[dreg:$0x0] =	wrdreg $0xFFFFFFFF;
	(pc) =	sbr.abs _section_cstart, $3  }
0xc2: {  	[dreg:$0x1] =	wrdreg $0xFFFFFFFF  }
0xc3: {  	_ =	task.clear_ibuf [dreg:s8], $0x2FFFF;
	_ =	strace $0x9FFFFFFF  }
0xc4: {  	(tm) =	ssettm $0x7FFFFFFF  }
0xc5: {  	_ =	shalt  }
tec
execute0_lowered:
.L_overlay_start_1:
0x0: {  	(tag) =	ssettag $0x1  }
0x1: {  	s10 =	rddreg [dreg:$0x0];
	s0 =	srdreg.scid  }
0x2: {  	s2 =	rddreg [dreg:$0x1];
	s3 =	stileid.u32  }
0x3: {  	s5 =	rddreg [dreg:$0x2];
	s9 =	simm.s32 $0x3;
	s31 =	simm.s32 $0x1  }
0x4: {  	s11 =	simm.s32 $0x2;
	s20 =	simm.s32 $0x80;
	s13 =	simm.s32 $0x880  }
0x5: {  	s14 =	simm.s32 $0x1080;
	s15 =	simm.s32 $0x1880;
	s16 =	simm.s32 $0x2080  }
0x6: {  	s17 =	simm.s32 $0x2880;
	s18 =	simm.s32 $0x3080;
	s19 =	simm.s32 $0x3880  }
0x7: {  	s21 =	simm.s32 $0x4080;
	s28 =	simm.s32 $0x7880;
	s29 =	simm.s32 $0x8080  }
0x8: {  	s30 =	simm.s32 $0x8880;
	s1 =	simm.s32 $0x3800;
	s0 =	sand.u32 $0x1, s0  }
0x9: {  	s4 =	sshll.u32 s3, $0x4;
	s3 =	simm.s32 $0x0;
	s6 =	sshll.u32 s0, $0x3  }
0xa: {  	[smem:$0x7FF] =	sst s3;
	s0 =	ssub.s32 $0x2, s0;
	s4 =	sor.u32 s6, s4  }
0xb: {  	s7 =	sshrl.u32 s0, $0x1;
	s6 =	smul.u32 $0x700, s4;
	s2 =	sadd.s32 s4, s2  }
0xc: {  	_ =	strace $0x8000004D;
	s4 =	smul.u32 $0x3800, s4;
	s2 =	sadd.s32 $0x1600, s2  }
0xd: {  	s0 =	ssub.s32 s0, s7;
	s7 =	sadd.s32 $0x400, s10;
	[dreg:$0x4] =	wrdreg s2  }
0xe: {  	s22 =	sadd.s32 s6, s5;
	s23 =	sshrl.u32 s4, $0x3;
	s4 =	sadd.s32 $0x100, s10  }
0xf: {  	s6 =	sadd.s32 $0x300, s10;
	s24 =	sadd.s32 $0x70200, s22;
	s8 =	sadd.s32 s5, s23  }
0x10: {  	s5 =	sadd.s32 $0x200, s10;
	s2 =	sadd.s32 $0x71E00, s22;
	s22 =	simm.s32 $0x4880  }
0x11: {  	s23 =	simm.s32 $0x5880;
	[dreg:$0x5] =	wrdreg s24;
	s25 =	sadd.s32 $0x71000, s8  }
0x12: {  	v2 =	vlaneseq.u32;
	[dreg:$0x7] =	wrdreg s2;
	s26 =	sadd.s32 $0x72C00, s8;
	s8 =	smax.u32 s0, $0x1  }
0x13: {  	vm0 =	vmmov $0xffff;
	v1 =	vshrl.u32 v2, $0x3;
	s2 =	simm.s32 $0x5080;
	s24 =	simm.s32 $0x6080;
	[dreg:$0x6] =	wrdreg s25  }
0x14: {  	v0 =	vand.u32 $0x7, v2;
	v2 =	vor.u32 $0x8, v2;
	v1 =	vmul.u32 $0x8, v1;
	[dreg:$0x8] =	wrdreg s26;
	s25 =	simm.s32 $0x6880;
	s26 =	simm.s32 $0x7080  }
.LBB2_1:
0x15: {  	s12 =	rddreg [dreg:$0x4]  }
0x16: {  	[tilespmem:s3], [sflag:$0x3] =	stream.linear.gather [hbm4b:s12+s3], $0x40, $0x38;
	[tilespmem:$0xA080] =	vst v63  }
0x17: {  	_ =	swait.ge [sflag:s9], $0x40  }
0x18: {  	[sflag:s9] =	ssyncset.done $0x0  }
0x19: {  	[sflag:s9] =	ssyncadd.s32 $0xFFFFFFC0  }
0x1a: {  	v3 =	vld [tilespmem:$0x0];
	_ =	sdelay $0x4  }
0x1b: {  	v4 =	vshrl.u32 v3, $0x3  }
0x1c: {  	v4 =	vmul.u32 $0x50, v4  }
0x1d: {  	v3 =	vand.u32 $0x7, v3  }
0x1e: {  	v3 =	vor.u32 v3, v4  }
0x1f: {  	v4 =	vperm.xlane v3, v0;
	_ =	sdelay $0x1  }
0x20: {  	v4 =	vadd.s32 v1, v4;
	_ =	sdelay $0x4  }
0x21: {  	[tilespmem:s20], [sflag:$0x1] =	stream.indirect_vreg.gather [hbm4b:s10+s3], $0x80, v4, vm0, $0xb8;
	[tilespmem:$0xA080] =	vst v63  }
0x22: {  	_ = 	snop  }
0x23: {  	[tilespmem:s13], [sflag:$0x1] =	stream.indirect_vreg.gather [hbm4b:s4+s3], $0x80, v4, vm0, $0xb8;
	[tilespmem:$0xA080] =	vst v63  }
0x24: {  	v3 =	vperm.xlane v3, v2  }
0x25: {  	[tilespmem:s14], [sflag:$0x1] =	stream.indirect_vreg.gather [hbm4b:s5+s3], $0x80, v4, vm0, $0xb8;
	[tilespmem:$0xA080] =	vst v63  }
0x26: {  	v3 =	vadd.s32 v1, v3  }
0x27: {  	[tilespmem:s15], [sflag:$0x1] =	stream.indirect_vreg.gather [hbm4b:s6+s3], $0x80, v4, vm0, $0xb8;
	[tilespmem:$0xA080] =	vst v63  }
0x28: {  	_ = 	snop  }
0x29: {  	[tilespmem:s16], [sflag:$0x1] =	stream.indirect_vreg.gather [hbm4b:s7+s3], $0x80, v4, vm0, $0xb8;
	[tilespmem:$0xA080] =	vst v63  }
0x2a: {  	_ = 	snop  }
0x2b: {  	[tilespmem:s17], [sflag:$0x1] =	stream.indirect_vreg.gather [hbm4b:s10+s3], $0x80, v3, vm0, $0xb8;
	[tilespmem:$0xA080] =	vst v63  }
0x2c: {  	_ = 	snop  }
0x2d: {  	[tilespmem:s18], [sflag:$0x1] =	stream.indirect_vreg.gather [hbm4b:s4+s3], $0x80, v3, vm0, $0xb8;
	[tilespmem:$0xA080] =	vst v63  }
0x2e: {  	_ = 	snop  }
0x2f: {  	[tilespmem:s19], [sflag:$0x1] =	stream.indirect_vreg.gather [hbm4b:s5+s3], $0x80, v3, vm0, $0xb8;
	[tilespmem:$0xA080] =	vst v63  }
0x30: {  	_ = 	snop  }
0x31: {  	[tilespmem:s21], [sflag:$0x1] =	stream.indirect_vreg.gather [hbm4b:s6+s3], $0x80, v3, vm0, $0xb8;
	[tilespmem:$0xA080] =	vst v63  }
0x32: {  	_ = 	snop  }
0x33: {  	[tilespmem:s22], [sflag:$0x1] =	stream.indirect_vreg.gather [hbm4b:s7+s3], $0x80, v3, vm0, $0xb8;
	[tilespmem:$0xA080] =	vst v63  }
0x34: {  	v3 =	vld [tilespmem:$0x10];
	_ =	sdelay $0x4  }
0x35: {  	v61 =	vshrl.u32 v3, $0x3  }
0x36: {  	v4 =	vmul.u32 $0x50, v61  }
0x37: {  	v3 =	vand.u32 $0x7, v3  }
0x38: {  	v3 =	vor.u32 v3, v4  }
0x39: {  	v4 =	vperm.xlane v3, v0;
	_ =	sdelay $0x1  }
0x3a: {  	v4 =	vadd.s32 v1, v4;
	_ =	sdelay $0x4  }
0x3b: {  	[tilespmem:s2], [sflag:$0x2] =	stream.indirect_vreg.gather [hbm4b:s10+s3], $0x80, v4, vm0, $0xb8;
	[tilespmem:$0xA080] =	vst v63  }
0x3c: {  	_ = 	snop  }
0x3d: {  	[tilespmem:s23], [sflag:$0x2] =	stream.indirect_vreg.gather [hbm4b:s4+s3], $0x80, v4, vm0, $0xb8;
	[tilespmem:$0xA080] =	vst v63  }
0x3e: {  	v3 =	vperm.xlane v3, v2  }
0x3f: {  	[tilespmem:s24], [sflag:$0x2] =	stream.indirect_vreg.gather [hbm4b:s5+s3], $0x80, v4, vm0, $0xb8;
	[tilespmem:$0xA080] =	vst v63  }
0x40: {  	v3 =	vadd.s32 v1, v3  }
0x41: {  	[tilespmem:s25], [sflag:$0x2] =	stream.indirect_vreg.gather [hbm4b:s6+s3], $0x80, v4, vm0, $0xb8;
	[tilespmem:$0xA080] =	vst v63  }
0x42: {  	_ = 	snop  }
0x43: {  	[tilespmem:s26], [sflag:$0x2] =	stream.indirect_vreg.gather [hbm4b:s7+s3], $0x80, v4, vm0, $0xb8;
	[tilespmem:$0xA080] =	vst v63  }
0x44: {  	_ = 	snop  }
0x45: {  	[tilespmem:s28], [sflag:$0x2] =	stream.indirect_vreg.gather [hbm4b:s10+s3], $0x80, v3, vm0, $0xb8;
	[tilespmem:$0xA080] =	vst v63  }
0x46: {  	_ = 	snop  }
0x47: {  	[tilespmem:s29], [sflag:$0x2] =	stream.indirect_vreg.gather [hbm4b:s4+s3], $0x80, v3, vm0, $0xb8;
	[tilespmem:$0xA080] =	vst v63  }
0x48: {  	_ = 	snop  }
0x49: {  	[tilespmem:s30], [sflag:$0x2] =	stream.indirect_vreg.gather [hbm4b:s5+s3], $0x80, v3, vm0, $0xb8;
	[tilespmem:$0xA080] =	vst v63  }
0x4a: {  	s0 =	simm.s32 $0x9080  }
0x4b: {  	[tilespmem:s0], [sflag:$0x2] =	stream.indirect_vreg.gather [hbm4b:s6+s3], $0x80, v3, vm0, $0xb8;
	[tilespmem:$0xA080] =	vst v63  }
0x4c: {  	s12 =	simm.s32 $0x9880  }
0x4d: {  	[tilespmem:s12], [sflag:$0x2] =	stream.indirect_vreg.gather [hbm4b:s7+s3], $0x80, v3, vm0, $0xb8;
	[tilespmem:$0xA080] =	vst v63  }
0x4e: {  	_ =	swait.ge [sflag:s31], $0x5000  }
0x4f: {  	[sflag:s31] =	ssyncset.done $0x0  }
0x50: {  	s0 =	simm.s32 $0x2800;
	s12 =	rddreg [dreg:$0x5];
	[sflag:s31] =	ssyncadd.s32 $0xFFFFB000  }
0x51: {  	[hbm4b:s12+s0] =	stream.strided.scatter [tilespmem:s20], [sflag:$0x3], $0x5000, s1, s0, $0x38;
	[tilespmem:$0xA080] =	vst v63  }
0x52: {  	_ =	swait.ge [sflag:s9], $0x5000  }
0x53: {  	[sflag:s9] =	ssyncset.done $0x0  }
0x54: {  	[sflag:s9] =	ssyncadd.s32 $0xFFFFB000  }
0x55: {  	v3 =	vld [tilespmem:$0x20];
	_ =	sdelay $0x4  }
0x56: {  	v62 =	vshrl.u32 v3, $0x3  }
0x57: {  	v4 =	vmul.u32 $0x50, v62  }
0x58: {  	v3 =	vand.u32 $0x7, v3  }
0x59: {  	v3 =	vor.u32 v3, v4  }
0x5a: {  	v4 =	vperm.xlane v3, v0;
	_ =	sdelay $0x1  }
0x5b: {  	v4 =	vadd.s32 v1, v4;
	_ =	sdelay $0x4  }
0x5c: {  	[tilespmem:s20], [sflag:$0x1] =	stream.indirect_vreg.gather [hbm4b:s10+s3], $0x80, v4, vm0, $0xb8;
	[tilespmem:$0xA080] =	vst v63  }
0x5d: {  	_ = 	snop  }
0x5e: {  	[tilespmem:s13], [sflag:$0x1] =	stream.indirect_vreg.gather [hbm4b:s4+s3], $0x80, v4, vm0, $0xb8;
	[tilespmem:$0xA080] =	vst v63  }
0x5f: {  	v3 =	vperm.xlane v3, v2  }
0x60: {  	[tilespmem:s14], [sflag:$0x1] =	stream.indirect_vreg.gather [hbm4b:s5+s3], $0x80, v4, vm0, $0xb8;
	[tilespmem:$0xA080] =	vst v63  }
0x61: {  	v3 =	vadd.s32 v1, v3  }
0x62: {  	[tilespmem:s15], [sflag:$0x1] =	stream.indirect_vreg.gather [hbm4b:s6+s3], $0x80, v4, vm0, $0xb8;
	[tilespmem:$0xA080] =	vst v63  }
0x63: {  	_ = 	snop  }
0x64: {  	[tilespmem:s16], [sflag:$0x1] =	stream.indirect_vreg.gather [hbm4b:s7+s3], $0x80, v4, vm0, $0xb8;
	[tilespmem:$0xA080] =	vst v63  }
0x65: {  	_ = 	snop  }
0x66: {  	[tilespmem:s17], [sflag:$0x1] =	stream.indirect_vreg.gather [hbm4b:s10+s3], $0x80, v3, vm0, $0xb8;
	[tilespmem:$0xA080] =	vst v63  }
0x67: {  	_ = 	snop  }
0x68: {  	[tilespmem:s18], [sflag:$0x1] =	stream.indirect_vreg.gather [hbm4b:s4+s3], $0x80, v3, vm0, $0xb8;
	[tilespmem:$0xA080] =	vst v63  }
0x69: {  	_ = 	snop  }
0x6a: {  	[tilespmem:s19], [sflag:$0x1] =	stream.indirect_vreg.gather [hbm4b:s5+s3], $0x80, v3, vm0, $0xb8;
	[tilespmem:$0xA080] =	vst v63  }
0x6b: {  	_ = 	snop  }
0x6c: {  	[tilespmem:s21], [sflag:$0x1] =	stream.indirect_vreg.gather [hbm4b:s6+s3], $0x80, v3, vm0, $0xb8;
	[tilespmem:$0xA080] =	vst v63  }
0x6d: {  	_ = 	snop  }
0x6e: {  	[tilespmem:s22], [sflag:$0x1] =	stream.indirect_vreg.gather [hbm4b:s7+s3], $0x80, v3, vm0, $0xb8;
	[tilespmem:$0xA080] =	vst v63  }
0x6f: {  	_ =	swait.ge [sflag:s11], $0x5000  }
0x70: {  	[sflag:s11] =	ssyncset.done $0x0  }
0x71: {  	s12 =	rddreg [dreg:$0x6];
	[sflag:s11] =	ssyncadd.s32 $0xFFFFB000  }
0x72: {  	[hbm4b:s12+s0] =	stream.strided.scatter [tilespmem:s2], [sflag:$0x3], $0x5000, s1, s0, $0x38;
	[tilespmem:$0xA080] =	vst v63  }
0x73: {  	_ =	swait.ge [sflag:s9], $0x5000  }
0x74: {  	[sflag:s9] =	ssyncset.done $0x0  }
0x75: {  	[sflag:s9] =	ssyncadd.s32 $0xFFFFB000  }
0x76: {  	v3 =	vld [tilespmem:$0x30];
	_ =	sdelay $0x4  }
0x77: {  	v63 =	vshrl.u32 v3, $0x3  }
0x78: {  	v4 =	vmul.u32 $0x50, v63  }
0x79: {  	v3 =	vand.u32 $0x7, v3  }
0x7a: {  	v3 =	vor.u32 v3, v4  }
0x7b: {  	v4 =	vperm.xlane v3, v0;
	_ =	sdelay $0x1  }
0x7c: {  	v4 =	vadd.s32 v1, v4;
	_ =	sdelay $0x4  }
0x7d: {  	[tilespmem:s2], [sflag:$0x2] =	stream.indirect_vreg.gather [hbm4b:s10+s3], $0x80, v4, vm0, $0xb8;
	[tilespmem:$0xA080] =	vst v63  }
0x7e: {  	_ = 	snop  }
0x7f: {  	[tilespmem:s23], [sflag:$0x2] =	stream.indirect_vreg.gather [hbm4b:s4+s3], $0x80, v4, vm0, $0xb8;
	[tilespmem:$0xA080] =	vst v63  }
0x80: {  	v3 =	vperm.xlane v3, v2  }
0x81: {  	[tilespmem:s24], [sflag:$0x2] =	stream.indirect_vreg.gather [hbm4b:s5+s3], $0x80, v4, vm0, $0xb8;
	[tilespmem:$0xA080] =	vst v63  }
0x82: {  	v3 =	vadd.s32 v1, v3  }
0x83: {  	[tilespmem:s25], [sflag:$0x2] =	stream.indirect_vreg.gather [hbm4b:s6+s3], $0x80, v4, vm0, $0xb8;
	[tilespmem:$0xA080] =	vst v63  }
0x84: {  	_ = 	snop  }
0x85: {  	[tilespmem:s26], [sflag:$0x2] =	stream.indirect_vreg.gather [hbm4b:s7+s3], $0x80, v4, vm0, $0xb8;
	[tilespmem:$0xA080] =	vst v63  }
0x86: {  	_ = 	snop  }
0x87: {  	[tilespmem:s28], [sflag:$0x2] =	stream.indirect_vreg.gather [hbm4b:s10+s3], $0x80, v3, vm0, $0xb8;
	[tilespmem:$0xA080] =	vst v63  }
0x88: {  	_ = 	snop  }
0x89: {  	[tilespmem:s29], [sflag:$0x2] =	stream.indirect_vreg.gather [hbm4b:s4+s3], $0x80, v3, vm0, $0xb8;
	[tilespmem:$0xA080] =	vst v63  }
0x8a: {  	_ = 	snop  }
0x8b: {  	[tilespmem:s30], [sflag:$0x2] =	stream.indirect_vreg.gather [hbm4b:s5+s3], $0x80, v3, vm0, $0xb8;
	[tilespmem:$0xA080] =	vst v63  }
0x8c: {  	s12 =	simm.s32 $0x9080  }
0x8d: {  	[tilespmem:s12], [sflag:$0x2] =	stream.indirect_vreg.gather [hbm4b:s6+s3], $0x80, v3, vm0, $0xb8;
	[tilespmem:$0xA080] =	vst v63  }
0x8e: {  	s12 =	simm.s32 $0x9880  }
0x8f: {  	[tilespmem:s12], [sflag:$0x2] =	stream.indirect_vreg.gather [hbm4b:s7+s3], $0x80, v3, vm0, $0xb8;
	[tilespmem:$0xA080] =	vst v63  }
0x90: {  	_ =	swait.ge [sflag:s31], $0x5000  }
0x91: {  	[sflag:s31] =	ssyncset.done $0x0  }
0x92: {  	s12 =	rddreg [dreg:$0x7];
	[sflag:s31] =	ssyncadd.s32 $0xFFFFB000  }
0x93: {  	[hbm4b:s12+s0] =	stream.strided.scatter [tilespmem:s20], [sflag:$0x3], $0x5000, s1, s0, $0x38;
	[tilespmem:$0xA080] =	vst v63  }
0x94: {  	_ =	swait.ge [sflag:s9], $0x5000  }
0x95: {  	[sflag:s9] =	ssyncset.done $0x0  }
0x96: {  	[sflag:s9] =	ssyncadd.s32 $0xFFFFB000  }
0x97: {  	_ =	swait.ge [sflag:s11], $0x5000  }
0x98: {  	p0 =	sne.s32 s8, $0x1;
	[sflag:s11] =	ssyncset.done $0x0  }
.Ltmp0:
0x99: {  	s12 =	rddreg [dreg:$0x8];
	[sflag:s11] =	ssyncadd.s32 $0xFFFFB000;
	(pc) =	sbr.rel @p0 .LBB2_1-.Ltmp0, $4  }
0x9a: {  	[hbm4b:s12+s0] =	stream.strided.scatter [tilespmem:s2], [sflag:$0x3], $0x5000, s1, s0, $0x38;
	[tilespmem:$0xA080] =	vst v63  }
0x9b: {  	_ =	swait.ge [sflag:s9], $0x5000  }
0x9c: {  	[sflag:s9] =	ssyncset.done $0x0  }
0x9d: {  	s8 =	sadd.s32 $0xFFFFFFFF, s8;
	[sflag:s9] =	ssyncadd.s32 $0xFFFFB000  }
0x9e: {  	_ =	sfence.sel $0x180000  }
0x9f: {  	[bflag:$0x0] =	sbarrier.arrive $0xFFFF  }
0xa0: {  	_ =	strace $0x9000004D  }
0xa1: {  	s0 =	stileid.u32;
	[bflag:$0x2] =	sbarrier.arrive $0xFFFF  }
0xa2: {  	p0 =	sne.s32 s0, $0x0;
	s0 =	rddreg [dreg:$0x3]  }
0xa3: {  	s0 =	sadd.s32 @!p0 $0x100000, s0  }
0xa4: {  	[sflag:s0] =	ssyncadd.tile.s32 @!p0 $0x1;
	_ =	shalt  }
.Lfunc_end2:
_tile_overlayer_lowered:
.L_overlay_start_2:
0xa5: {  	(tag) =	ssettag $0x2  }
0xa6: {  	s0 =	rddreg [dreg:$0x0];
	s2 =	stileid.u32  }
0xa7: {  	s1 =	rddreg [dreg:$0x1];
	p0 =	sne.s32 s2, $0x0  }
0xa8: {  	s3 =	rddreg [dreg:$0x2];
	[bflag:$0x3] =	sbarrier.arrive $0xFFFF;
	s2 =	simm.s32 @!p0 $0x1C03  }
0xa9: {  	[timem:s3], [sflag:s2] =	dma.local @!p0 [hbm:s0], s1  }
0xaa: {  	s0 =	simm.s32 @!p0 $0x3  }
0xab: {  	_ =	swait.ge @!p0 [sflag:s0], s1  }
0xac: {  	s1 =	ssub.s32 @!p0 $0x0, s1;
	[sflag:s0] =	ssyncset.done @!p0 $0x0  }
0xad: {  	[sflag:s0] =	ssyncadd.s32 @!p0 s1  }
0xae: {  	[bflag:$0x3] =	sbarrier.arrive $0xFFFF  }
0xaf: {  	_ =	shalt  }

// kernel: kernel.7.cloned.1.call-start
scs
__scs_entry_jumppad:
0x0: {  	(pc) =	sbr.rel $0x88, $3  }
0x1: {  	(tag) =	ssettag $0x0;
	lr =	simm.s32 $0x1  }
0x2: {  	[smem:$0x3F9D] =	sst lr;
	_ =	strace $0xD0000000  }
0x3: {  	_ = 	snop  }
0x4: {  	_ = 	snop  }
0x5: {  	_ = 	snop  }
0x6: {  	_ = 	snop  }
0x7: {  	_ = 	snop  }
__scs_overlays_trampoline_lowered:
0x8: {  	[smem:$0x3FAC] =	sst s0  }
0x9: {  	[smem:$0x3FAD] =	sst s1  }
0xa: {  	[smem:$0x3FAE] =	sst s2  }
0xb: {  	[smem:$0x3FAF] =	sst s3  }
0xc: {  	[smem:$0x3FB0] =	sst s4  }
0xd: {  	[smem:$0x3FB1] =	sst s5  }
0xe: {  	[smem:$0x3FB2] =	sst s6  }
0xf: {  	[smem:$0x3FB3] =	sst s7  }
0x10: {  	[smem:$0x3FB4] =	sst s8  }
0x11: {  	[smem:$0x3FB5] =	sst s9;
	s0 =	simm.s32 @!p0 $0x0  }
0x12: {  	s1 =	sld [smem:$0x3F9B];
	s0 =	simm.s32 @p0 $0x1  }
0x13: {  	[smem:$0x3FB6] =	sst s0;
	s0 =	simm.s32 @!p1 $0x0  }
0x14: {  	s2 =	sld [smem:$0x3F9A];
	s0 =	simm.s32 @p1 $0x1  }
0x15: {  	[smem:$0x3FB7] =	sst s0;
	s0 =	simm.s32 @!p2 $0x0  }
0x16: {  	s3 =	sld [smem:$0x3FDB];
	s0 =	simm.s32 @p2 $0x1  }
0x17: {  	s4 =	simm.s32 $0x1BF5;
	[smem:$0x3FB9] =	sst s0  }
0x18: {  	s0 =	sld [smem:$0x3F9C];
	_ =	swait.ge [sflag:s4], $0x0  }
0x19: {  	s7 =	sld [smem:$0x3F9D]  }
0x1a: {  	s8 =	sadd.s32 $0xFFFFE003, lr  }
0x1b: {  	s9 =	sadd.s32 $0xFFFFFEF7, lr;
	s5 =	simm.s32 $0xFFFFFFFF;
	p2 =	slt.u32 s8, $0xFFFFF086  }
0x1c: {  	p1 =	slt.u32 s9, $0xF7A;
	s5 =	simm.s32 @!p2 $0x0  }
0x1d: {  	s5 =	simm.s32 @p1 $0x1;
	p0 =	seq.s32 s7, s2  }
0x1e: {  	s7 =	smul.u32 @!p0 $0xF7A, s2;
	p2 =	seq.s32 @!p0 s5, $0x0  }
0x1f: {  	s9 =	smul.u32 $0xF7A, s1;
	s8 =	simm.s32 @!p0 $0x1BF5;
	p2 =	por !p2, p0  }
0x20: {  	[sflag:s8] =	ssyncset.s32 @!p0 $0xFFFFF086;
	s6 =	sadd.s32 @!p0 s3, s7;
	s7 =	simm.s32 @!p0 $0x108  }
0x21: {  	s3 =	sadd.s32 s3, s9;
	s6 =	sadd.s32 @!p0 $0x88, s6;
	s7 =	simm.s32 @p2 $0x1082  }
0x22: {  	[simem:s7], [sflag:s8] =	dma.local @!p0 [hbm:s6], $0xF7A  }
0x23: {  	s9 =	sor.u32 $0xD0000000, s2;
	s6 =	simm.s32 $0x108;
	_ =	swait.ge @!p0 [sflag:s8], $0x0  }
0x24: {  	s3 =	sadd.s32 $0x88, s3;
	s6 =	simm.s32 @!p1 $0x1082;
	[sflag:s4] =	ssyncset.s32 $0xFFFFF086  }
0x25: {  	[simem:s6], [sflag:s4] =	dma.local [hbm:s3], $0xF7A  }
0x26: {  	[smem:$0x3F9D] =	sst s1;
	(tag) =	ssettag s2;
	_ =	strace s9  }
0x27: {  	s1 =	sld [smem:$0x3FAD]  }
0x28: {  	s2 =	sld [smem:$0x3FAE]  }
0x29: {  	s4 =	sld [smem:$0x3FB0]  }
0x2a: {  	p0 =	seq.s32 s5, $0x0;
	s5 =	sld [smem:$0x3FB1]  }
0x2b: {  	s6 =	sld [smem:$0x3FB2]  }
0x2c: {  	s7 =	sld [smem:$0x3FB3]  }
0x2d: {  	s3 =	simm.s32 $0x108;
	s8 =	sld [smem:$0x3FB4]  }
0x2e: {  	s3 =	simm.s32 @!p0 $0x1082;
	s9 =	sld [smem:$0x3FB5]  }
0x2f: {  	lr =	sadd.s32 s0, s3;
	s0 =	sld [smem:$0x3FAC]  }
0x30: {  	s3 =	sld [smem:$0x3FAF]  }
0x31: {  	[smem:$0x3FB8] =	sst s10  }
0x32: {  	s10 =	sld [smem:$0x3FB6];
	_ =	sdelay $0x3  }
0x33: {  	p0 =	seq.s32 s10, $0x1;
	s10 =	sld [smem:$0x3FB8];
	_ =	sdelay $0x3  }
0x34: {  	[smem:$0x3FB8] =	sst s10  }
0x35: {  	s10 =	sld [smem:$0x3FB7];
	_ =	sdelay $0x3  }
0x36: {  	p1 =	seq.s32 s10, $0x1;
	s10 =	sld [smem:$0x3FB8];
	_ =	sdelay $0x3  }
0x37: {  	[smem:$0x3FB8] =	sst s10  }
0x38: {  	s10 =	sld [smem:$0x3FB9]  }
0x39: {  	_ = 	snop;
	(pc) =	sbr.ind lr, $3  }
0x3a: {  	_ = 	snop  }
0x3b: {  	_ = 	snop  }
0x3c: {  	p2 =	seq.s32 s10, $0x1;
	s10 =	sld [smem:$0x3FB8]  }
0x3d: {  	_ =	shalt  }
0x3e: {  	_ =	shalt  }
0x3f: {  	_ =	shalt  }
0x40: {  	_ =	shalt  }
0x41: {  	_ =	shalt  }
0x42: {  	_ =	shalt  }
0x43: {  	_ =	shalt  }
0x44: {  	_ =	shalt  }
0x45: {  	_ =	shalt  }
0x46: {  	_ =	shalt  }
0x47: {  	_ =	shalt  }
0x48: {  	_ =	shalt  }
0x49: {  	_ =	shalt  }
0x4a: {  	_ =	shalt  }
0x4b: {  	_ =	shalt  }
0x4c: {  	_ =	shalt  }
0x4d: {  	_ =	shalt  }
0x4e: {  	_ =	shalt  }
0x4f: {  	_ =	shalt  }
0x50: {  	_ =	shalt  }
0x51: {  	_ =	shalt  }
0x52: {  	_ =	shalt  }
0x53: {  	_ =	shalt  }
0x54: {  	_ =	shalt  }
0x55: {  	_ =	shalt  }
0x56: {  	_ =	shalt  }
0x57: {  	_ =	shalt  }
0x58: {  	_ =	shalt  }
0x59: {  	_ =	shalt  }
0x5a: {  	_ =	shalt  }
0x5b: {  	_ =	shalt  }
0x5c: {  	_ =	shalt  }
0x5d: {  	_ =	shalt  }
0x5e: {  	_ =	shalt  }
0x5f: {  	_ =	shalt  }
0x60: {  	_ =	shalt  }
0x61: {  	_ =	shalt  }
0x62: {  	_ =	shalt  }
0x63: {  	_ =	shalt  }
0x64: {  	_ =	shalt  }
0x65: {  	_ =	shalt  }
0x66: {  	_ =	shalt  }
0x67: {  	_ =	shalt  }
0x68: {  	_ =	shalt  }
0x69: {  	_ =	shalt  }
0x6a: {  	_ =	shalt  }
0x6b: {  	_ =	shalt  }
0x6c: {  	_ =	shalt  }
0x6d: {  	_ =	shalt  }
0x6e: {  	_ =	shalt  }
0x6f: {  	_ =	shalt  }
0x70: {  	_ =	shalt  }
0x71: {  	_ =	shalt  }
0x72: {  	_ =	shalt  }
0x73: {  	_ =	shalt  }
0x74: {  	_ =	shalt  }
0x75: {  	_ =	shalt  }
0x76: {  	_ =	shalt  }
0x77: {  	_ =	shalt  }
0x78: {  	_ =	shalt  }
0x79: {  	_ =	shalt  }
0x7a: {  	_ =	shalt  }
0x7b: {  	_ =	shalt  }
0x7c: {  	_ =	shalt  }
0x7d: {  	_ =	shalt  }
0x7e: {  	_ =	shalt  }
0x7f: {  	_ =	shalt  }
0x80: {  	_ =	shalt  }
0x81: {  	_ =	shalt  }
0x82: {  	_ =	shalt  }
0x83: {  	_ =	shalt  }
0x84: {  	_ =	shalt  }
0x85: {  	_ =	shalt  }
0x86: {  	_ =	shalt  }
0x87: {  	_ =	shalt  }
.Lfunc_end0:
.L_simem_size_0:
called_computation_lowered:
.L_overlay_start_0:
0x88: {  	s2 =	sld [smem:$0x3FD9]  }
0x89: {  	s3 =	sld [smem:$0x3FFE];
	_ =	sdelay $0x1  }
0x8a: {  	s1 =	srdreg.scid  }
0x8b: {  	s0 =	sand.u32 $0x1, s1  }
0x8c: {  	s18 =	sshll.u32 s0, $0xA;
	s2 =	sadd.s32 s3, s2  }
0x8d: {  	s2 =	sadd.s32 s2, s18  }
0x8e: {  	[smem:$0x3FC4] =	sst s2  }
0x8f: {  	_ = 	snop  }
0x90: {  	s2 =	sld [smem:$0x3FC9]  }
0x91: {  	s19 =	sld [smem:$0x3FD0];
	(tm) =	ssettm $0x1  }
0x92: {  	s4 =	sld [smem:$0x3FFB];
	_ =	sdelay $0x3  }
0x93: {  	_ =	strace s4  }
0x94: {  	s4 =	sld [smem:$0x3FFC];
	_ =	sdelay $0x3  }
0x95: {  	_ =	strace s4  }
0x96: {  	s4 =	sld [smem:$0x3FFD];
	_ =	sdelay $0x3  }
0x97: {  	_ =	strace s4  }
0x98: {  	_ =	strace $0x8FFFFFFF  }
0x99: {  	s20 =	sld [smem:$0x3FDB];
	_ =	sdelay $0x1  }
0x9a: {  	s5 =	simm.s32 $_scs_section_size  }
0x9b: {  	s6 =	simm.s32 $_size__tile_overlayer_lowered;
	s7 =	simm.s32 $_tile_overlayer_lowered  }
0x9c: {  	s23 =	simm.s32 $0x1BFF;
	s22 =	sshll.u32 s7, $0x1;
	s4 =	sadd.s32 s5, s20  }
0x9d: {  	s8 =	simm.s32 $0x0;
	s21 =	sshll.u32 s6, $0x1;
	s6 =	sadd.s32 s22, s4  }
0x9e: {  	[timem:s8], [sflag:s23] =	dma.local [hbm:s6], s21  }
0x9f: {  	_ =	swait.ge [sflag:s23], s21  }
0xa0: {  	s5 =	ssub.s32 $0x0, s21;
	[sflag:s23] =	ssyncset.done $0x0  }
0xa1: {  	[sflag:s23] =	ssyncadd.s32 s5;
	_ =	sdelay $0x1  }
0xa2: {  	s24 =	simm.s32 $0x1B8B  }
0xa3: {  	_ =	swait.ge [sflag:s24], $0x1  }
0xa4: {  	[sflag:s24] =	ssyncset.done $0x0  }
0xa5: {  	s25 =	simm.s32 $0x1B8E;
	[sflag:s24] =	ssyncadd.s32 $0xFFFFFFFF  }
0xa6: {  	s26 =	simm.s32 $execute0_lowered;
	[smem:$0x3FD2] =	sst s25  }
0xa7: {  	s5 =	sshll.u32 s26, $0x1;
	_ =	strace $0x80000046;
	[dreg:$0x1] =	wrdreg $0xFFFFFFFF  }
0xa8: {  	s28 =	simm.s32 $_size_execute0_lowered;
	s4 =	sadd.s32 s4, s5;
	[dreg:$0x0] =	wrdreg $0x0  }
0xa9: {  	s5 =	sshll.u32 s28, $0x1;
	[dreg:$0x2] =	wrdreg s4  }
0xaa: {  	[dreg:$0x3] =	wrdreg s5  }
0xab: {  	[dreg:$0x4] =	wrdreg $0xC0  }
0xac: {  	_ =	task [dreg:s8], $0x5FFFF  }
0xad: {  	[dreg:$0x1] =	wrdreg $0xFFFFFFFF  }
0xae: {  	[dreg:$0x0] =	wrdreg $0x60  }
0xaf: {  	[dreg:$0x2] =	wrdreg s2  }
0xb0: {  	[dreg:$0x3] =	wrdreg s19  }
0xb1: {  	[dreg:$0x4] =	wrdreg $0x9  }
0xb2: {  	_ =	task.clear_ibuf [dreg:s8], $0x5FFFF;
	_ =	strace $0x90000046  }
0xb3: {  	s29 =	simm.s32 $0x9;
	_ =	strace $0x80000048  }
0xb4: {  	_ =	swait.ge [sflag:s29], $0x1  }
0xb5: {  	[sflag:s29] =	ssyncadd.s32 $0xFFFFFFFF  }
0xb6: {  	_ =	strace $0x90000048  }
0xb7: {  	_ =	sfence  }
0xb8: {  	s30 =	sld [smem:$0x0];
	_ =	sdelay $0x2  }
0xb9: {  	s31 =	sshll.u32 s1, $0xD;
	s1 =	sshrl.u32 s1, $0x2  }
0xba: {  	s3 =	sand.u32 $0x4000, s31;
	s1 =	sadd.s32 s1, s30  }
0xbb: {  	s0 =	sor.u32 s3, s0;
	s1 =	sshll.u32 s1, $0x11  }
0xbc: {  	s0 =	sor.u32 s1, s0  }
0xbd: {  	s0 =	sadd.s32 $0x8F2B, s0  }
0xbe: {  	[sflag:s0] =	ssyncadd.remote.s32 $0x1  }
0xbf: {  	_ =	sfence.sel $0xFFFF  }
0xc0: {  	[dreg:$0x0] =	wrdreg $0xFFFFFFFF;
	(pc) =	sbr.abs _section_cstart, $3  }
0xc1: {  	[dreg:$0x1] =	wrdreg $0xFFFFFFFF  }
0xc2: {  	_ =	task.clear_ibuf [dreg:s8], $0x2FFFF;
	_ =	strace $0x9FFFFFFF  }
0xc3: {  	(tm) =	ssettm $0x7FFFFFFF  }
tec
execute0_lowered:
.L_overlay_start_1:
0x0: {  	(tag) =	ssettag $0x1  }
0x1: {  	s1 =	srdreg.scid  }
0x2: {  	s0 =	stileid.u32;
	s16 =	sand.u32 $0x1, s1  }
0x3: {  	s14 =	rddreg [dreg:$0x0];
	s28 =	sshll.u32 s0, $0x8;
	s2 =	sshll.u32 s16, $0x7  }
0x4: {  	s17 =	rddreg [dreg:$0x1];
	s3 =	sor.u32 s2, s28  }
0x5: {  	s1 =	rddreg [dreg:$0x2];
	s2 =	simm.s32 $0x0;
	s15 =	sshrl.u32 s3, $0x3  }
0x6: {  	[smem:$0x7FF] =	sst s2;
	s3 =	sshll.u32 s3, $0x6;
	s13 =	sor.u32 $0x4, s15  }
0x7: {  	_ =	strace $0x80000047;
	s3 =	sadd.s32 s14, s3;
	s4 =	sshll.u32 s13, $0x9  }
0x8: {  	[tilespmem:s2], [sflag:$0x1] =	stream.linear.gather [hbm4b:s3+s2], $0x4000, $0x38;
	[tilespmem:$0x8000] =	vst v63  }
0x9: {  	s5 =	simm.s32 $0x4000;
	s6 =	simm.s32 $0x1;
	s4 =	sadd.s32 s14, s4  }
0xa: {  	[tilespmem:s5], [sflag:$0x2] =	stream.linear.gather [hbm4b:s4+s2], $0x4000, $0x38;
	[tilespmem:$0x8000] =	vst v63  }
0xb: {  	s7 =	smul.u32 $0x700, s15;
	_ =	swait.ge [sflag:s6], $0x4000  }
0xc: {  	s8 =	simm.s32 $0x1000;
	s10 =	simm.s32 $0x3800;
	[sflag:s6] =	ssyncset.done $0x0  }
0xd: {  	s9 =	simm.s32 $0x3;
	s7 =	sadd.s32 s17, s7;
	[sflag:s6] =	ssyncadd.s32 $0xFFFFC000  }
0xe: {  	[hbm4b:s7+s8] =	stream.strided.scatter [tilespmem:s2], [sflag:$0x3], $0x4000, s10, s8, $0x38;
	[tilespmem:$0x8000] =	vst v63  }
0xf: {  	s18 =	sor.u32 $0x8, s15;
	_ =	swait.ge [sflag:s9], $0x4000  }
0x10: {  	s11 =	sshll.u32 s18, $0x9;
	[sflag:s9] =	ssyncset.done $0x0  }
0x11: {  	s12 =	simm.s32 $0x2;
	s11 =	sadd.s32 s14, s11;
	[sflag:s9] =	ssyncadd.s32 $0xFFFFC000  }
0x12: {  	[tilespmem:s2], [sflag:$0x1] =	stream.linear.gather [hbm4b:s11+s2], $0x4000, $0x38;
	[tilespmem:$0x8000] =	vst v63  }
0x13: {  	s13 =	smul.u32 $0x700, s13;
	_ =	swait.ge [sflag:s12], $0x4000  }
0x14: {  	[sflag:s12] =	ssyncset.done $0x0  }
0x15: {  	s13 =	sadd.s32 s17, s13;
	[sflag:s12] =	ssyncadd.s32 $0xFFFFC000  }
0x16: {  	[hbm4b:s13+s8] =	stream.strided.scatter [tilespmem:s5], [sflag:$0x3], $0x4000, s10, s8, $0x38;
	[tilespmem:$0x8000] =	vst v63  }
0x17: {  	s19 =	sor.u32 $0xC, s15;
	_ =	swait.ge [sflag:s9], $0x4000  }
0x18: {  	s15 =	sshll.u32 s19, $0x9;
	[sflag:s9] =	ssyncset.done $0x0  }
0x19: {  	s14 =	sadd.s32 s14, s15;
	[sflag:s9] =	ssyncadd.s32 $0xFFFFC000  }
0x1a: {  	[tilespmem:s5], [sflag:$0x2] =	stream.linear.gather [hbm4b:s14+s2], $0x4000, $0x38;
	[tilespmem:$0x8000] =	vst v63  }
0x1b: {  	s29 =	smul.u32 $0x700, s18;
	_ =	swait.ge [sflag:s6], $0x4000  }
0x1c: {  	[sflag:s6] =	ssyncset.done $0x0  }
0x1d: {  	s16 =	ssub.s32 $0x2, s16;
	s15 =	sadd.s32 s17, s29;
	[sflag:s6] =	ssyncadd.s32 $0xFFFFC000  }
0x1e: {  	[hbm4b:s15+s8] =	stream.strided.scatter [tilespmem:s2], [sflag:$0x3], $0x4000, s10, s8, $0x38;
	[tilespmem:$0x8000] =	vst v63  }
0x1f: {  	s30 =	sshrl.u32 s16, $0x1;
	_ =	swait.ge [sflag:s9], $0x4000  }
0x20: {  	s18 =	ssub.s32 s16, s30;
	[sflag:s9] =	ssyncset.done $0x0  }
0x21: {  	s31 =	smax.u32 s18, $0x1;
	[sflag:s9] =	ssyncadd.s32 $0xFFFFC000  }
0x22: {  	s19 =	smul.u32 $0x700, s19;
	p0 =	sne.s32 s31, $0x1;
	_ =	swait.ge [sflag:s12], $0x4000  }
.Ltmp0:
0x23: {  	[sflag:s12] =	ssyncset.done $0x0;
	(pc) =	sbr.rel @!p0 .LBB2_2-.Ltmp0, $4  }
0x24: {  	s16 =	sadd.s32 s17, s19;
	[sflag:s12] =	ssyncadd.s32 $0xFFFFC000  }
0x25: {  	[hbm4b:s16+s8] =	stream.strided.scatter [tilespmem:s5], [sflag:$0x3], $0x4000, s10, s8, $0x38;
	[tilespmem:$0x8000] =	vst v63  }
0x26: {  	_ =	swait.ge [sflag:s9], $0x4000  }
0x27: {  	s17 =	sadd.s32 $0xFFFFFFFF, s31;
	[sflag:s9] =	ssyncset.done $0x0  }
.LBB2_1:
0x28: {  	p0 =	sne.s32 s17, $0x1;
	s17 =	sadd.s32 $0xFFFFFFFF, s17;
	[sflag:s9] =	ssyncadd.s32 $0xFFFFC000  }
0x29: {  	[tilespmem:s2], [sflag:$0x1] =	stream.linear.gather [hbm4b:s3+s2], $0x4000, $0x38;
	[tilespmem:$0x8000] =	vst v63  }
0x2a: {  	_ = 	snop  }
0x2b: {  	[tilespmem:s5], [sflag:$0x2] =	stream.linear.gather [hbm4b:s4+s2], $0x4000, $0x38;
	[tilespmem:$0x8000] =	vst v63  }
0x2c: {  	_ =	swait.ge [sflag:s6], $0x4000  }
0x2d: {  	[sflag:s6] =	ssyncset.done $0x0  }
0x2e: {  	[sflag:s6] =	ssyncadd.s32 $0xFFFFC000  }
0x2f: {  	[hbm4b:s7+s8] =	stream.strided.scatter [tilespmem:s2], [sflag:$0x3], $0x4000, s10, s8, $0x38;
	[tilespmem:$0x8000] =	vst v63  }
0x30: {  	_ =	swait.ge [sflag:s9], $0x4000  }
0x31: {  	[sflag:s9] =	ssyncset.done $0x0  }
0x32: {  	[sflag:s9] =	ssyncadd.s32 $0xFFFFC000  }
0x33: {  	[tilespmem:s2], [sflag:$0x1] =	stream.linear.gather [hbm4b:s11+s2], $0x4000, $0x38;
	[tilespmem:$0x8000] =	vst v63  }
0x34: {  	_ =	swait.ge [sflag:s12], $0x4000  }
0x35: {  	[sflag:s12] =	ssyncset.done $0x0  }
0x36: {  	[sflag:s12] =	ssyncadd.s32 $0xFFFFC000  }
0x37: {  	[hbm4b:s13+s8] =	stream.strided.scatter [tilespmem:s5], [sflag:$0x3], $0x4000, s10, s8, $0x38;
	[tilespmem:$0x8000] =	vst v63  }
0x38: {  	_ =	swait.ge [sflag:s9], $0x4000  }
0x39: {  	[sflag:s9] =	ssyncset.done $0x0  }
0x3a: {  	[sflag:s9] =	ssyncadd.s32 $0xFFFFC000  }
0x3b: {  	[tilespmem:s5], [sflag:$0x2] =	stream.linear.gather [hbm4b:s14+s2], $0x4000, $0x38;
	[tilespmem:$0x8000] =	vst v63  }
0x3c: {  	_ =	swait.ge [sflag:s6], $0x4000  }
0x3d: {  	[sflag:s6] =	ssyncset.done $0x0  }
0x3e: {  	[sflag:s6] =	ssyncadd.s32 $0xFFFFC000  }
0x3f: {  	[hbm4b:s15+s8] =	stream.strided.scatter [tilespmem:s2], [sflag:$0x3], $0x4000, s10, s8, $0x38;
	[tilespmem:$0x8000] =	vst v63  }
0x40: {  	_ =	swait.ge [sflag:s9], $0x4000  }
0x41: {  	[sflag:s9] =	ssyncset.done $0x0  }
0x42: {  	[sflag:s9] =	ssyncadd.s32 $0xFFFFC000  }
0x43: {  	_ =	swait.ge [sflag:s12], $0x4000  }
.Ltmp1:
0x44: {  	[sflag:s12] =	ssyncset.done $0x0;
	(pc) =	sbr.rel @p0 .LBB2_1-.Ltmp1, $4  }
0x45: {  	[sflag:s12] =	ssyncadd.s32 $0xFFFFC000  }
0x46: {  	[hbm4b:s16+s8] =	stream.strided.scatter [tilespmem:s5], [sflag:$0x3], $0x4000, s10, s8, $0x38;
	[tilespmem:$0x8000] =	vst v63  }
0x47: {  	_ =	swait.ge [sflag:s9], $0x4000  }
0x48: {  	[sflag:s9] =	ssyncset.done $0x0  }
.LBB2_2:
0x49: {  	[sflag:s9] =	ssyncadd.s32 $0xFFFFC000  }
0x4a: {  	_ =	sfence.sel $0x180000  }
0x4b: {  	[bflag:$0x0] =	sbarrier.arrive $0xFFFF  }
0x4c: {  	p0 =	sne.s32 s0, $0x0;
	_ =	strace $0x90000047  }
0x4d: {  	s0 =	sadd.s32 @!p0 $0x100000, s1;
	[bflag:$0x2] =	sbarrier.arrive $0xFFFF  }
0x4e: {  	[sflag:s0] =	ssyncadd.tile.s32 @!p0 $0x1;
	_ =	shalt  }
.Lfunc_end2:
_tile_overlayer_lowered:
.L_overlay_start_2:
0x4f: {  	(tag) =	ssettag $0x2  }
0x50: {  	s0 =	rddreg [dreg:$0x0];
	s2 =	stileid.u32  }
0x51: {  	s1 =	rddreg [dreg:$0x1];
	p0 =	sne.s32 s2, $0x0  }
0x52: {  	s3 =	rddreg [dreg:$0x2];
	[bflag:$0x3] =	sbarrier.arrive $0xFFFF;
	s2 =	simm.s32 @!p0 $0x1C03  }
0x53: {  	[timem:s3], [sflag:s2] =	dma.local @!p0 [hbm:s0], s1  }
0x54: {  	s0 =	simm.s32 @!p0 $0x3  }
0x55: {  	_ =	swait.ge @!p0 [sflag:s0], s1  }
0x56: {  	s1 =	ssub.s32 @!p0 $0x0, s1;
	[sflag:s0] =	ssyncset.done @!p0 $0x0  }
0x57: {  	[sflag:s0] =	ssyncadd.s32 @!p0 s1  }
0x58: {  	[bflag:$0x3] =	sbarrier.arrive $0xFFFF  }
0x59: {  	_ =	shalt  }

</sc_bundles>
